<compile_context>
chip_gen: v7x
topology: tpu7x:2x2x1
jax: 0.10.2.dev20260603
libtpu: 0.0.44.dev20260713+nightly
codegen_flags: <defaults>
</compile_context>

<pallas_src>
import functools

import jax
import jax.numpy as jnp
from jax.experimental import pallas as pl
from jax.experimental.pallas import tpu as pltpu
from jax.experimental.pallas import tpu_sc as plsc

_NUM_EMB = 100000
_VPAD = 100096
_VT = _VPAD // 128
_DIM = 32
_EPS = 1e-5
_VT_BLK = 34
_NC = 2
_NS = 16
_L = 16
_BB = 128
_QB = 32
_NQ = _BB // _QB
_S = 200


def _lnt_body(table_ref, gamma_ref, beta_ref, out_ref):
    x = table_ref[...]
    mean = jnp.mean(x, axis=(0, 2), keepdims=True)
    c = x - mean
    var = jnp.mean(c * c, axis=(0, 2), keepdims=True)
    g = gamma_ref[...].reshape(4, 1, 8, 1)
    b = beta_ref[...].reshape(4, 1, 8, 1)
    xn = c * jax.lax.rsqrt(var + _EPS) * g + b
    out_ref[...] = jnp.transpose(xn, (0, 2, 1, 3)).reshape(_DIM, _VT_BLK * 128)


def _normalize_table_t(table_phys, gamma, beta):
    return pl.pallas_call(
        _lnt_body,
        grid=(_VT // _VT_BLK,),
        in_specs=[
            pl.BlockSpec((4, _VT_BLK, 8, 128), lambda i: (0, i, 0, 0)),
            pl.BlockSpec((4, 8), lambda i: (0, 0)),
            pl.BlockSpec((4, 8), lambda i: (0, 0)),
        ],
        out_specs=pl.BlockSpec((_DIM, _VT_BLK * 128), lambda i: (0, i)),
        out_shape=jax.ShapeDtypeStruct((_DIM, _VPAD), jnp.float32),
    )(table_phys, gamma.reshape(4, 8), beta.reshape(4, 8))


def _sc_gather_t(tab_t, idx_phys):
    n_step = _S * _NQ
    mesh = plsc.VectorSubcoreMesh(core_axis_name="c", subcore_axis_name="s")

    @functools.partial(
        pl.kernel,
        out_type=jax.ShapeDtypeStruct((_S, _DIM // 8, _BB, 8, _BB), jnp.float32),
        mesh=mesh,
        compiler_params=pltpu.CompilerParams(
            use_tc_tiling_on_sc=False, needs_layout_passes=False
        ),
        scratch_types=[
            pltpu.VMEM((_VPAD,), jnp.float32),
            pltpu.VMEM((_QB, _BB), jnp.int32),
            pltpu.VMEM((_QB, _BB), jnp.int32),
            pltpu.VMEM((_QB, _BB), jnp.int32),
            pltpu.VMEM((_QB, _BB), jnp.float32),
            pltpu.VMEM((_QB, _BB), jnp.float32),
            pltpu.VMEM((_QB, _BB), jnp.float32),
            pltpu.SemaphoreType.DMA,
            pltpu.SemaphoreType.DMA,
            pltpu.SemaphoreType.DMA,
            pltpu.SemaphoreType.DMA,
            pltpu.SemaphoreType.DMA,
            pltpu.SemaphoreType.DMA,
            pltpu.SemaphoreType.DMA,
        ],
    )
    def gather_kernel(tab_hbm, idx_hbm, out_hbm, row_v, ib0, ib1, ib2,
                      sb0, sb1, sb2, sem_t, si0, si1, si2, so0, so1, so2):
        idx_b = (ib0, ib1, ib2)
        stg_b = (sb0, sb1, sb2)
        sem_i = (si0, si1, si2)
        sem_o = (so0, so1, so2)
        wid = jax.lax.axis_index("s") * _NC + jax.lax.axis_index("c")
        dg = wid // 8
        ds = wid % 8
        pltpu.async_copy(tab_hbm.at[wid], row_v, sem_t).wait()

        def idx_copy(t, p):
            s = t // _NQ
            q = t % _NQ
            return pltpu.make_async_copy(
                idx_hbm.at[s // 8, pl.ds(q * _QB, _QB), s % 8, :],
                idx_b[p], sem_i[p],
            )

        def out_copy(t, p):
            s = t // _NQ
            q = t % _NQ
            return pltpu.make_async_copy(
                stg_b[p], out_hbm.at[s, dg, pl.ds(q * _QB, _QB), ds, :], sem_o[p]
            )

        def step(t, p):
            idx_copy(t, p).wait()

            @pl.when(t >= 3)
            def _():
                out_copy(t - 3, p).wait()

            @plsc.parallel_loop(0, _QB, unroll=8)
            def _(r):
                for j in range(_BB // _L):
                    iv = idx_b[p][r, pl.ds(j * _L, _L)]
                    stg_b[p][r, pl.ds(j * _L, _L)] = plsc.load_gather(
                        row_v, [iv]
                    )

            @pl.when(t + 3 < n_step)
            def _():
                idx_copy(t + 3, p).start()

            out_copy(t, p).start()

        for p in range(3):
            idx_copy(p, p).start()

        n_main = (n_step // 3) * 3

        @pl.loop(0, n_main, step=3)
        def _(t0):
            for p in range(3):
                step(t0 + p, p)

        for t in range(n_main, n_step):
            step(t, t % 3)
        for t in range(n_step - 3, n_step):
            out_copy(t, t % 3).wait()

    return gather_kernel(tab_t, idx_phys)


def kernel(emb_indices, table, gamma, beta):
    table_phys = (
        jnp.pad(table, ((0, _VPAD - _NUM_EMB), (0, 0)))
        .T.reshape(4, 8, _VT, 128)
        .transpose(0, 2, 1, 3)
    )
    idx_phys = (
        emb_indices.T.reshape(25, 8, _BB, _BB).transpose(0, 2, 1, 3)
    )
    tab_t = _normalize_table_t(table_phys, gamma, beta)
    out_phys = _sc_gather_t(tab_t, idx_phys)
    return out_phys.transpose(2, 4, 0, 1, 3).reshape(16384, _S, _DIM)

# --- scband reference (transcript-rebuilt; emitter-appended) ---
"""Pipeline reference for scband-learnable-positional-embedding-38800734552531 (READ-ONLY COPY).

The authoritative reference and input builder live on the scoring server;
editing this copy changes nothing except your own understanding.
"""

import jax, jax.numpy as jnp
import numpy as np

NUM_EMBEDDINGS = 100000
EMBEDDING_DIM = 32
EPS = 1e-5


def setup_inputs(seed: int = 0) -> dict:
    key = jax.random.key(seed)
    k1, k2 = jax.random.split(key)
    emb_indices = jax.random.randint(k1, (16384, 200), 0, NUM_EMBEDDINGS, dtype=jnp.int64 if jax.config.jax_enable_x64 else jnp.int32).astype(jnp.int32)
    table = jax.random.normal(k2, (NUM_EMBEDDINGS, EMBEDDING_DIM), dtype=jnp.float32)
    gamma = jnp.ones((EMBEDDING_DIM,), dtype=jnp.float32)
    beta = jnp.zeros((EMBEDDING_DIM,), dtype=jnp.float32)
    return {"emb_indices": emb_indices, "table": table, "gamma": gamma, "beta": beta}


def reference(emb_indices, table, gamma, beta):
    input_shape = emb_indices.shape
    flat_idx = emb_indices.reshape(-1)
    # truncate indices to the finite embedding space
    flat_idx = jnp.minimum(flat_idx, NUM_EMBEDDINGS - 1)
    # embedding lookup (gather)
    emb = jnp.take(table, flat_idx, axis=0)
    # LayerNorm over last dim
    mean = jnp.mean(emb, axis=-1, keepdims=True)
    var = jnp.var(emb, axis=-1, keepdims=True)
    emb = (emb - mean) / jnp.sqrt(var + EPS) * gamma + beta
    # dropout=None -> Identity
    return emb.reshape(*input_shape, EMBEDDING_DIM)

if __name__ == "__main__":
    import jax
    _d = setup_inputs()
    print(jax.jit(kernel)(*tuple(_d.values())))

</pallas_src>

<mosaic_0001>
#map = affine_map<(d0, d1) -> (0, 0)>
#map1 = affine_map<(d0, d1) -> (0, 0, 0, 0)>
#map2 = affine_map<(d0, d1) -> (0, 0, 0, 0, 0)>
module attributes {stable_mosaic.version = 14 : i64} {
  func.func @gather_kernel(%arg0: i32, %arg1: i32, %arg2: memref<32x100096xf32, #tpu.memory_space<hbm>>, %arg3: memref<25x128x8x128xi32, #tpu.memory_space<hbm>>, %arg4: memref<200x4x128x8x128xf32, #tpu.memory_space<hbm>>, %arg5: memref<100096xf32, #tpu.memory_space<vmem>>, %arg6: memref<32x128xi32, #tpu.memory_space<vmem>>, %arg7: memref<32x128xi32, #tpu.memory_space<vmem>>, %arg8: memref<32x128xi32, #tpu.memory_space<vmem>>, %arg9: memref<32x128xf32, #tpu.memory_space<vmem>>, %arg10: memref<32x128xf32, #tpu.memory_space<vmem>>, %arg11: memref<32x128xf32, #tpu.memory_space<vmem>>, %arg12: memref<!tpu.dma_semaphore, #tpu.memory_space<semaphore_mem>>, %arg13: memref<!tpu.dma_semaphore, #tpu.memory_space<semaphore_mem>>, %arg14: memref<!tpu.dma_semaphore, #tpu.memory_space<semaphore_mem>>, %arg15: memref<!tpu.dma_semaphore, #tpu.memory_space<semaphore_mem>>, %arg16: memref<!tpu.dma_semaphore, #tpu.memory_space<semaphore_mem>>, %arg17: memref<!tpu.dma_semaphore, #tpu.memory_space<semaphore_mem>>, %arg18: memref<!tpu.dma_semaphore, #tpu.memory_space<semaphore_mem>>) attributes {dimension_semantics = [#tpu.dimension_semantics<core_parallel>, #tpu.dimension_semantics<subcore_parallel>], iteration_bounds = array<i64: 2, 16>, scalar_prefetch = 0 : i64, scratch_operands = 14 : i64, tpu.core_type = #tpu.core_type<sc_vector_subcore>, window_params = [{transform_indices = #map}, {transform_indices = #map1}, {transform_indices = #map2}]} {
    %mul3A = arith.constant 2 : i32
    %mul3A_0 = arith.muli %arg1, %mul3A : i32
    %add3A = arith.addi %mul3A_0, %arg0 : i32
    %jit3A = arith.constant 8 : i32
    %div3A = arith.divsi %add3A, %jit3A : i32
    %sign3A = arith.constant 0 : i32
    %sign3A_1 = arith.cmpi sgt, %add3A, %sign3A : i32
    %sign3A_2 = arith.extui %sign3A_1 : i1 to i32
    %sign3A_3 = arith.constant 0 : i32
    %sign3A_4 = arith.cmpi slt, %add3A, %sign3A_3 : i32
    %sign3A_5 = arith.extui %sign3A_4 : i1 to i32
    %sign3A_6 = arith.subi %sign3A_2, %sign3A_5 : i32
    %sign3A_7 = arith.constant 0 : i32
    %sign3A_8 = arith.cmpi sgt, %jit3A, %sign3A_7 : i32
    %sign3A_9 = arith.extui %sign3A_8 : i1 to i32
    %sign3A_10 = arith.constant 0 : i32
    %sign3A_11 = arith.cmpi slt, %jit3A, %sign3A_10 : i32
    %sign3A_12 = arith.extui %sign3A_11 : i1 to i32
    %sign3A_13 = arith.subi %sign3A_9, %sign3A_12 : i32
    %ne3A = arith.cmpi ne, %sign3A_6, %sign3A_13 : i32
    %rem3A = arith.remsi %add3A, %jit3A : i32
    %ne3A_14 = arith.constant 0 : i32
    %ne3A_15 = arith.cmpi ne, %rem3A, %ne3A_14 : i32
    %and3A = arith.andi %ne3A, %ne3A_15 : i1
    %sub3A = arith.constant 1 : i32
    %sub3A_16 = arith.subi %div3A, %sub3A : i32
    %select_n3A = arith.select %and3A, %sub3A_16, %div3A : i32
    %jit3A_17 = arith.constant 8 : i32
    %eq3A = arith.constant 0 : i32
    %eq3A_18 = arith.cmpi eq, %jit3A_17, %eq3A : i32
    %jit3A_19 = arith.constant 1 : i32
    %select_n3A_20 = arith.select %eq3A_18, %jit3A_19, %jit3A_17 : i32
    %rem3A_21 = arith.remsi %add3A, %select_n3A_20 : i32
    %ne3A_22 = arith.constant 0 : i32
    %ne3A_23 = arith.cmpi ne, %rem3A_21, %ne3A_22 : i32
    %lt3A = arith.constant 0 : i32
    %lt3A_24 = arith.cmpi slt, %rem3A_21, %lt3A : i32
    %lt3A_25 = arith.constant 0 : i32
    %lt3A_26 = arith.cmpi slt, %select_n3A_20, %lt3A_25 : i32
    %ne3A_27 = arith.xori %lt3A_24, %lt3A_26 : i1
    %and3A_28 = arith.andi %ne3A_27, %ne3A_23 : i1
    %add3A_29 = arith.addi %rem3A_21, %select_n3A_20 : i32
    %select_n3A_30 = arith.select %and3A_28, %add3A_29, %rem3A_21 : i32
    %dma_start3A = arith.constant 0 : i32
    %dma_start3A_31 = tpu.memref_slice %arg2[%add3A, %dma_start3A] : memref<32x100096xf32, #tpu.memory_space<hbm>> -> memref<1x100096xf32, #tpu.memory_space<hbm>>
    %dma_start3A_32 = tpu.memref_squeeze %dma_start3A_31 : memref<1x100096xf32, #tpu.memory_space<hbm>> -> memref<100096xf32, #tpu.memory_space<hbm>>
    %dma_start3A_33 = arith.constant 0 : i32
    %dma_start3A_34 = tpu.memref_slice %arg2[%add3A, %dma_start3A_33] : memref<32x100096xf32, #tpu.memory_space<hbm>> -> memref<1x100096xf32, #tpu.memory_space<hbm>>
    %dma_start3A_35 = tpu.memref_squeeze %dma_start3A_34 : memref<1x100096xf32, #tpu.memory_space<hbm>> -> memref<100096xf32, #tpu.memory_space<hbm>>
    tpu.enqueue_dma source(%dma_start3A_35 : memref<100096xf32, #tpu.memory_space<hbm>>) target(%arg5 : memref<100096xf32, #tpu.memory_space<vmem>>) target_semaphore(%arg12 : memref<!tpu.dma_semaphore, #tpu.memory_space<semaphore_mem>>)
    %dma_wait3A = arith.constant 0 : i32
    %dma_wait3A_36 = tpu.memref_slice %arg2[%add3A, %dma_wait3A] : memref<32x100096xf32, #tpu.memory_space<hbm>> -> memref<1x100096xf32, #tpu.memory_space<hbm>>
    %dma_wait3A_37 = tpu.memref_squeeze %dma_wait3A_36 : memref<1x100096xf32, #tpu.memory_space<hbm>> -> memref<100096xf32, #tpu.memory_space<hbm>>
    %dma_wait3A_38 = arith.constant 0 : i32
    %dma_wait3A_39 = tpu.memref_slice %arg2[%add3A, %dma_wait3A_38] : memref<32x100096xf32, #tpu.memory_space<hbm>> -> memref<1x100096xf32, #tpu.memory_space<hbm>>
    %dma_wait3A_40 = tpu.memref_squeeze %dma_wait3A_39 : memref<1x100096xf32, #tpu.memory_space<hbm>> -> memref<100096xf32, #tpu.memory_space<hbm>>
    tpu.wait_dma2 semaphore(%arg12 : memref<!tpu.dma_semaphore, #tpu.memory_space<semaphore_mem>>) src(%dma_wait3A_40 : memref<100096xf32, #tpu.memory_space<hbm>>) dst(%arg5 : memref<100096xf32, #tpu.memory_space<vmem>>)
    %dma_start3A_41 = arith.constant 0 : i32
    %dma_start3A_42 = arith.constant 0 : i32
    %dma_start3A_43 = arith.constant 0 : i32
    %dma_start3A_44 = arith.constant 0 : i32
    %dma_start3A_45 = tpu.memref_slice %arg3[%dma_start3A_41, %dma_start3A_43, %dma_start3A_42, %dma_start3A_44] : memref<25x128x8x128xi32, #tpu.memory_space<hbm>> -> memref<1x32x1x128xi32, #tpu.memory_space<hbm>>
    %dma_start3A_46 = tpu.memref_squeeze %dma_start3A_45 : memref<1x32x1x128xi32, #tpu.memory_space<hbm>> -> memref<32x128xi32, #tpu.memory_space<hbm>>
    %dma_start3A_47 = arith.constant 0 : i32
    %dma_start3A_48 = arith.constant 0 : i32
    %dma_start3A_49 = tpu.memref_slice %arg3[%dma_start3A_41, %dma_start3A_47, %dma_start3A_42, %dma_start3A_48] : memref<25x128x8x128xi32, #tpu.memory_space<hbm>> -> memref<1x32x1x128xi32, #tpu.memory_space<hbm>>
    %dma_start3A_50 = tpu.memref_squeeze %dma_start3A_49 : memref<1x32x1x128xi32, #tpu.memory_space<hbm>> -> memref<32x128xi32, #tpu.memory_space<hbm>>
    tpu.enqueue_dma source(%dma_start3A_50 : memref<32x128xi32, #tpu.memory_space<hbm>>) target(%arg6 : memref<32x128xi32, #tpu.memory_space<vmem>>) target_semaphore(%arg13 : memref<!tpu.dma_semaphore, #tpu.memory_space<semaphore_mem>>)
    %dma_start3A_51 = arith.constant 0 : i32
    %dma_start3A_52 = arith.constant 0 : i32
    %dma_start3A_53 = arith.constant 32 : i32
    %dma_start3A_54 = arith.constant 0 : i32
    %dma_start3A_55 = tpu.memref_slice %arg3[%dma_start3A_51, %dma_start3A_53, %dma_start3A_52, %dma_start3A_54] : memref<25x128x8x128xi32, #tpu.memory_space<hbm>> -> memref<1x32x1x128xi32, #tpu.memory_space<hbm>>
    %dma_start3A_56 = tpu.memref_squeeze %dma_start3A_55 : memref<1x32x1x128xi32, #tpu.memory_space<hbm>> -> memref<32x128xi32, #tpu.memory_space<hbm>>
    %dma_start3A_57 = arith.constant 32 : i32
    %dma_start3A_58 = arith.constant 0 : i32
    %dma_start3A_59 = tpu.memref_slice %arg3[%dma_start3A_51, %dma_start3A_57, %dma_start3A_52, %dma_start3A_58] : memref<25x128x8x128xi32, #tpu.memory_space<hbm>> -> memref<1x32x1x128xi32, #tpu.memory_space<hbm>>
    %dma_start3A_60 = tpu.memref_squeeze %dma_start3A_59 : memref<1x32x1x128xi32, #tpu.memory_space<hbm>> -> memref<32x128xi32, #tpu.memory_space<hbm>>
    tpu.enqueue_dma source(%dma_start3A_60 : memref<32x128xi32, #tpu.memory_space<hbm>>) target(%arg7 : memref<32x128xi32, #tpu.memory_space<vmem>>) target_semaphore(%arg14 : memref<!tpu.dma_semaphore, #tpu.memory_space<semaphore_mem>>)
    %dma_start3A_61 = arith.constant 0 : i32
    %dma_start3A_62 = arith.constant 0 : i32
    %dma_start3A_63 = arith.constant 64 : i32
    %dma_start3A_64 = arith.constant 0 : i32
    %dma_start3A_65 = tpu.memref_slice %arg3[%dma_start3A_61, %dma_start3A_63, %dma_start3A_62, %dma_start3A_64] : memref<25x128x8x128xi32, #tpu.memory_space<hbm>> -> memref<1x32x1x128xi32, #tpu.memory_space<hbm>>
    %dma_start3A_66 = tpu.memref_squeeze %dma_start3A_65 : memref<1x32x1x128xi32, #tpu.memory_space<hbm>> -> memref<32x128xi32, #tpu.memory_space<hbm>>
    %dma_start3A_67 = arith.constant 64 : i32
    %dma_start3A_68 = arith.constant 0 : i32
    %dma_start3A_69 = tpu.memref_slice %arg3[%dma_start3A_61, %dma_start3A_67, %dma_start3A_62, %dma_start3A_68] : memref<25x128x8x128xi32, #tpu.memory_space<hbm>> -> memref<1x32x1x128xi32, #tpu.memory_space<hbm>>
    %dma_start3A_70 = tpu.memref_squeeze %dma_start3A_69 : memref<1x32x1x128xi32, #tpu.memory_space<hbm>> -> memref<32x128xi32, #tpu.memory_space<hbm>>
    tpu.enqueue_dma source(%dma_start3A_70 : memref<32x128xi32, #tpu.memory_space<hbm>>) target(%arg8 : memref<32x128xi32, #tpu.memory_space<vmem>>) target_semaphore(%arg15 : memref<!tpu.dma_semaphore, #tpu.memory_space<semaphore_mem>>)
    %scan3A = arith.constant 0 : i32
    %scan3A_71 = arith.constant 266 : i32
    %scan3A_72 = arith.addi %scan3A, %scan3A_71 : i32
    %scan3A_73 = arith.constant 1 : i32
    scf.for %scan3A_163 = %scan3A to %scan3A_72 step %scan3A_73  : i32 {
      %mul3A_164 = arith.constant 3 : i32
      %mul3A_165 = arith.muli %scan3A_163, %mul3A_164 : i32
      %add3A_166 = arith.constant 0 : i32
      %add3A_167 = arith.addi %add3A_166, %mul3A_165 : i32
      %add3A_168 = arith.constant 0 : i32
      %add3A_169 = arith.addi %add3A_167, %add3A_168 : i32
      %jit3A_170 = arith.constant 4 : i32
      %div3A_171 = arith.divsi %add3A_169, %jit3A_170 : i32
      %sign3A_172 = arith.constant 0 : i32
      %sign3A_173 = arith.cmpi sgt, %add3A_169, %sign3A_172 : i32
      %sign3A_174 = arith.extui %sign3A_173 : i1 to i32
      %sign3A_175 = arith.constant 0 : i32
      %sign3A_176 = arith.cmpi slt, %add3A_169, %sign3A_175 : i32
      %sign3A_177 = arith.extui %sign3A_176 : i1 to i32
      %sign3A_178 = arith.subi %sign3A_174, %sign3A_177 : i32
      %sign3A_179 = arith.constant 0 : i32
      %sign3A_180 = arith.cmpi sgt, %jit3A_170, %sign3A_179 : i32
      %sign3A_181 = arith.extui %sign3A_180 : i1 to i32
      %sign3A_182 = arith.constant 0 : i32
      %sign3A_183 = arith.cmpi slt, %jit3A_170, %sign3A_182 : i32
      %sign3A_184 = arith.extui %sign3A_183 : i1 to i32
      %sign3A_185 = arith.subi %sign3A_181, %sign3A_184 : i32
      %ne3A_186 = arith.cmpi ne, %sign3A_178, %sign3A_185 : i32
      %rem3A_187 = arith.remsi %add3A_169, %jit3A_170 : i32
      %ne3A_188 = arith.constant 0 : i32
      %ne3A_189 = arith.cmpi ne, %rem3A_187, %ne3A_188 : i32
      %and3A_190 = arith.andi %ne3A_186, %ne3A_189 : i1
      %sub3A_191 = arith.constant 1 : i32
      %sub3A_192 = arith.subi %div3A_171, %sub3A_191 : i32
      %select_n3A_193 = arith.select %and3A_190, %sub3A_192, %div3A_171 : i32
      %jit3A_194 = arith.constant 4 : i32
      %eq3A_195 = arith.constant 0 : i32
      %eq3A_196 = arith.cmpi eq, %jit3A_194, %eq3A_195 : i32
      %jit3A_197 = arith.constant 1 : i32
      %select_n3A_198 = arith.select %eq3A_196, %jit3A_197, %jit3A_194 : i32
      %rem3A_199 = arith.remsi %add3A_169, %select_n3A_198 : i32
      %ne3A_200 = arith.constant 0 : i32
      %ne3A_201 = arith.cmpi ne, %rem3A_199, %ne3A_200 : i32
      %lt3A_202 = arith.constant 0 : i32
      %lt3A_203 = arith.cmpi slt, %rem3A_199, %lt3A_202 : i32
      %lt3A_204 = arith.constant 0 : i32
      %lt3A_205 = arith.cmpi slt, %select_n3A_198, %lt3A_204 : i32
      %ne3A_206 = arith.xori %lt3A_203, %lt3A_205 : i1
      %and3A_207 = arith.andi %ne3A_206, %ne3A_201 : i1
      %add3A_208 = arith.addi %rem3A_199, %select_n3A_198 : i32
      %select_n3A_209 = arith.select %and3A_207, %add3A_208, %rem3A_199 : i32
      %jit3A_210 = arith.constant 8 : i32
      %div3A_211 = arith.divsi %select_n3A_193, %jit3A_210 : i32
      %sign3A_212 = arith.constant 0 : i32
      %sign3A_213 = arith.cmpi sgt, %select_n3A_193, %sign3A_212 : i32
      %sign3A_214 = arith.extui %sign3A_213 : i1 to i32
      %sign3A_215 = arith.constant 0 : i32
      %sign3A_216 = arith.cmpi slt, %select_n3A_193, %sign3A_215 : i32
      %sign3A_217 = arith.extui %sign3A_216 : i1 to i32
      %sign3A_218 = arith.subi %sign3A_214, %sign3A_217 : i32
      %sign3A_219 = arith.constant 0 : i32
      %sign3A_220 = arith.cmpi sgt, %jit3A_210, %sign3A_219 : i32
      %sign3A_221 = arith.extui %sign3A_220 : i1 to i32
      %sign3A_222 = arith.constant 0 : i32
      %sign3A_223 = arith.cmpi slt, %jit3A_210, %sign3A_222 : i32
      %sign3A_224 = arith.extui %sign3A_223 : i1 to i32
      %sign3A_225 = arith.subi %sign3A_221, %sign3A_224 : i32
      %ne3A_226 = arith.cmpi ne, %sign3A_218, %sign3A_225 : i32
      %rem3A_227 = arith.remsi %select_n3A_193, %jit3A_210 : i32
      %ne3A_228 = arith.constant 0 : i32
      %ne3A_229 = arith.cmpi ne, %rem3A_227, %ne3A_228 : i32
      %and3A_230 = arith.andi %ne3A_226, %ne3A_229 : i1
      %sub3A_231 = arith.constant 1 : i32
      %sub3A_232 = arith.subi %div3A_211, %sub3A_231 : i32
      %select_n3A_233 = arith.select %and3A_230, %sub3A_232, %div3A_211 : i32
      %mul3A_234 = arith.constant 32 : i32
      %mul3A_235 = arith.muli %select_n3A_209, %mul3A_234 : i32
      %jit3A_236 = arith.constant 8 : i32
      %eq3A_237 = arith.constant 0 : i32
      %eq3A_238 = arith.cmpi eq, %jit3A_236, %eq3A_237 : i32
      %jit3A_239 = arith.constant 1 : i32
      %select_n3A_240 = arith.select %eq3A_238, %jit3A_239, %jit3A_236 : i32
      %rem3A_241 = arith.remsi %select_n3A_193, %select_n3A_240 : i32
      %ne3A_242 = arith.constant 0 : i32
      %ne3A_243 = arith.cmpi ne, %rem3A_241, %ne3A_242 : i32
      %lt3A_244 = arith.constant 0 : i32
      %lt3A_245 = arith.cmpi slt, %rem3A_241, %lt3A_244 : i32
      %lt3A_246 = arith.constant 0 : i32
      %lt3A_247 = arith.cmpi slt, %select_n3A_240, %lt3A_246 : i32
      %ne3A_248 = arith.xori %lt3A_245, %lt3A_247 : i1
      %and3A_249 = arith.andi %ne3A_248, %ne3A_243 : i1
      %add3A_250 = arith.addi %rem3A_241, %select_n3A_240 : i32
      %select_n3A_251 = arith.select %and3A_249, %add3A_250, %rem3A_241 : i32
      %dma_wait3A_252 = arith.constant 0 : i32
      %dma_wait3A_253 = tpu.memref_slice %arg3[%select_n3A_233, %mul3A_235, %select_n3A_251, %dma_wait3A_252] : memref<25x128x8x128xi32, #tpu.memory_space<hbm>> -> memref<1x32x1x128xi32, #tpu.memory_space<hbm>>
      %dma_wait3A_254 = tpu.memref_squeeze %dma_wait3A_253 : memref<1x32x1x128xi32, #tpu.memory_space<hbm>> -> memref<32x128xi32, #tpu.memory_space<hbm>>
      %dma_wait3A_255 = arith.constant 0 : i32
      %dma_wait3A_256 = tpu.memref_slice %arg3[%select_n3A_233, %mul3A_235, %select_n3A_251, %dma_wait3A_255] : memref<25x128x8x128xi32, #tpu.memory_space<hbm>> -> memref<1x32x1x128xi32, #tpu.memory_space<hbm>>
      %dma_wait3A_257 = tpu.memref_squeeze %dma_wait3A_256 : memref<1x32x1x128xi32, #tpu.memory_space<hbm>> -> memref<32x128xi32, #tpu.memory_space<hbm>>
      tpu.wait_dma2 semaphore(%arg13 : memref<!tpu.dma_semaphore, #tpu.memory_space<semaphore_mem>>) src(%dma_wait3A_257 : memref<32x128xi32, #tpu.memory_space<hbm>>) dst(%arg6 : memref<32x128xi32, #tpu.memory_space<vmem>>)
      %ge3A = arith.constant 3 : i32
      %ge3A_258 = arith.cmpi sge, %add3A_169, %ge3A : i32
      %convert_element_type3A = arith.extui %ge3A_258 : i1 to i32
      %cond3A = arith.constant 0 : i32
      %cond3A_259 = arith.cmpi ne, %convert_element_type3A, %cond3A : i32
      scf.if %cond3A_259 {
        %sub3A_624 = arith.constant 3 : i32
        %sub3A_625 = arith.subi %add3A_169, %sub3A_624 : i32
        %jit3A_626 = arith.constant 4 : i32
        %div3A_627 = arith.divsi %sub3A_625, %jit3A_626 : i32
        %sign3A_628 = arith.constant 0 : i32
        %sign3A_629 = arith.cmpi sgt, %sub3A_625, %sign3A_628 : i32
        %sign3A_630 = arith.extui %sign3A_629 : i1 to i32
        %sign3A_631 = arith.constant 0 : i32
        %sign3A_632 = arith.cmpi slt, %sub3A_625, %sign3A_631 : i32
        %sign3A_633 = arith.extui %sign3A_632 : i1 to i32
        %sign3A_634 = arith.subi %sign3A_630, %sign3A_633 : i32
        %sign3A_635 = arith.constant 0 : i32
        %sign3A_636 = arith.cmpi sgt, %jit3A_626, %sign3A_635 : i32
        %sign3A_637 = arith.extui %sign3A_636 : i1 to i32
        %sign3A_638 = arith.constant 0 : i32
        %sign3A_639 = arith.cmpi slt, %jit3A_626, %sign3A_638 : i32
        %sign3A_640 = arith.extui %sign3A_639 : i1 to i32
        %sign3A_641 = arith.subi %sign3A_637, %sign3A_640 : i32
        %ne3A_642 = arith.cmpi ne, %sign3A_634, %sign3A_641 : i32
        %rem3A_643 = arith.remsi %sub3A_625, %jit3A_626 : i32
        %ne3A_644 = arith.constant 0 : i32
        %ne3A_645 = arith.cmpi ne, %rem3A_643, %ne3A_644 : i32
        %and3A_646 = arith.andi %ne3A_642, %ne3A_645 : i1
        %sub3A_647 = arith.constant 1 : i32
        %sub3A_648 = arith.subi %div3A_627, %sub3A_647 : i32
        %select_n3A_649 = arith.select %and3A_646, %sub3A_648, %div3A_627 : i32
        %jit3A_650 = arith.constant 4 : i32
        %eq3A_651 = arith.constant 0 : i32
        %eq3A_652 = arith.cmpi eq, %jit3A_650, %eq3A_651 : i32
        %jit3A_653 = arith.constant 1 : i32
        %select_n3A_654 = arith.select %eq3A_652, %jit3A_653, %jit3A_650 : i32
        %rem3A_655 = arith.remsi %sub3A_625, %select_n3A_654 : i32
        %ne3A_656 = arith.constant 0 : i32
        %ne3A_657 = arith.cmpi ne, %rem3A_655, %ne3A_656 : i32
        %lt3A_658 = arith.constant 0 : i32
        %lt3A_659 = arith.cmpi slt, %rem3A_655, %lt3A_658 : i32
        %lt3A_660 = arith.constant 0 : i32
        %lt3A_661 = arith.cmpi slt, %select_n3A_654, %lt3A_660 : i32
        %ne3A_662 = arith.xori %lt3A_659, %lt3A_661 : i1
        %and3A_663 = arith.andi %ne3A_662, %ne3A_657 : i1
        %add3A_664 = arith.addi %rem3A_655, %select_n3A_654 : i32
        %select_n3A_665 = arith.select %and3A_663, %add3A_664, %rem3A_655 : i32
        %mul3A_666 = arith.constant 32 : i32
        %mul3A_667 = arith.muli %select_n3A_665, %mul3A_666 : i32
        %dma_wait3A_668 = arith.constant 0 : i32
        %dma_wait3A_669 = tpu.memref_slice %arg4[%select_n3A_649, %select_n3A, %mul3A_667, %select_n3A_30, %dma_wait3A_668] : memref<200x4x128x8x128xf32, #tpu.memory_space<hbm>> -> memref<1x1x32x1x128xf32, #tpu.memory_space<hbm>>
        %dma_wait3A_670 = tpu.memref_squeeze %dma_wait3A_669 : memref<1x1x32x1x128xf32, #tpu.memory_space<hbm>> -> memref<32x128xf32, #tpu.memory_space<hbm>>
        %dma_wait3A_671 = arith.constant 0 : i32
        %dma_wait3A_672 = tpu.memref_slice %arg4[%select_n3A_649, %select_n3A, %mul3A_667, %select_n3A_30, %dma_wait3A_671] : memref<200x4x128x8x128xf32, #tpu.memory_space<hbm>> -> memref<1x1x32x1x128xf32, #tpu.memory_space<hbm>>
        %dma_wait3A_673 = tpu.memref_squeeze %dma_wait3A_672 : memref<1x1x32x1x128xf32, #tpu.memory_space<hbm>> -> memref<32x128xf32, #tpu.memory_space<hbm>>
        tpu.wait_dma2 semaphore(%arg16 : memref<!tpu.dma_semaphore, #tpu.memory_space<semaphore_mem>>) src(%arg9 : memref<32x128xf32, #tpu.memory_space<vmem>>) dst(%dma_wait3A_673 : memref<32x128xf32, #tpu.memory_space<hbm>>)
      } else {
      }
      %parallel_loop3A_260 = arith.constant 0 : i32
      %parallel_loop3A_261 = arith.constant 32 : i32
      %parallel_loop3A_262 = arith.constant 1 : i32
      scf.for %parallel_loop3A_624 = %parallel_loop3A_260 to %parallel_loop3A_261 step %parallel_loop3A_262  : i32 {
        %parallel_loop3A_625 = arith.index_cast %parallel_loop3A_624 : i32 to index
        %parallel_loop3A_626 = arith.constant 0 : index
        %parallel_loop3A_627 = tpu.vector_load %arg6[%parallel_loop3A_625, %parallel_loop3A_626] {strides = array<i32>} : memref<32x128xi32, #tpu.memory_space<vmem>>, vector<16xi32>,
        %parallel_loop3A_628 = tpu.vector_load_idx %arg5[%parallel_loop3A_627] : memref<100096xf32, #tpu.memory_space<vmem>>[vector<16xi32>], vector<16xf32>,
        %parallel_loop3A_629 = arith.index_cast %parallel_loop3A_624 : i32 to index
        %parallel_loop3A_630 = arith.constant 0 : index
        %parallel_loop3A_631 = tpu.vector_load %arg9[%parallel_loop3A_629, %parallel_loop3A_630] {strides = array<i32>} : memref<32x128xf32, #tpu.memory_space<vmem>>, vector<16xf32>,
        tpu.vector_store %arg9[%parallel_loop3A_629, %parallel_loop3A_630], %parallel_loop3A_628 {strides = array<i32>} : memref<32x128xf32, #tpu.memory_space<vmem>>, vector<16xf32>,
        %parallel_loop3A_632 = arith.index_cast %parallel_loop3A_624 : i32 to index
        %parallel_loop3A_633 = arith.constant 16 : index
        %parallel_loop3A_634 = tpu.vector_load %arg6[%parallel_loop3A_632, %parallel_loop3A_633] {strides = array<i32>} : memref<32x128xi32, #tpu.memory_space<vmem>>, vector<16xi32>,
        %parallel_loop3A_635 = tpu.vector_load_idx %arg5[%parallel_loop3A_634] : memref<100096xf32, #tpu.memory_space<vmem>>[vector<16xi32>], vector<16xf32>,
        %parallel_loop3A_636 = arith.index_cast %parallel_loop3A_624 : i32 to index
        %parallel_loop3A_637 = arith.constant 16 : index
        %parallel_loop3A_638 = tpu.vector_load %arg9[%parallel_loop3A_636, %parallel_loop3A_637] {strides = array<i32>} : memref<32x128xf32, #tpu.memory_space<vmem>>, vector<16xf32>,
        tpu.vector_store %arg9[%parallel_loop3A_636, %parallel_loop3A_637], %parallel_loop3A_635 {strides = array<i32>} : memref<32x128xf32, #tpu.memory_space<vmem>>, vector<16xf32>,
        %parallel_loop3A_639 = arith.index_cast %parallel_loop3A_624 : i32 to index
        %parallel_loop3A_640 = arith.constant 32 : index
        %parallel_loop3A_641 = tpu.vector_load %arg6[%parallel_loop3A_639, %parallel_loop3A_640] {strides = array<i32>} : memref<32x128xi32, #tpu.memory_space<vmem>>, vector<16xi32>,
        %parallel_loop3A_642 = tpu.vector_load_idx %arg5[%parallel_loop3A_641] : memref<100096xf32, #tpu.memory_space<vmem>>[vector<16xi32>], vector<16xf32>,
        %parallel_loop3A_643 = arith.index_cast %parallel_loop3A_624 : i32 to index
        %parallel_loop3A_644 = arith.constant 32 : index
        %parallel_loop3A_645 = tpu.vector_load %arg9[%parallel_loop3A_643, %parallel_loop3A_644] {strides = array<i32>} : memref<32x128xf32, #tpu.memory_space<vmem>>, vector<16xf32>,
        tpu.vector_store %arg9[%parallel_loop3A_643, %parallel_loop3A_644], %parallel_loop3A_642 {strides = array<i32>} : memref<32x128xf32, #tpu.memory_space<vmem>>, vector<16xf32>,
        %parallel_loop3A_646 = arith.index_cast %parallel_loop3A_624 : i32 to index
        %parallel_loop3A_647 = arith.constant 48 : index
        %parallel_loop3A_648 = tpu.vector_load %arg6[%parallel_loop3A_646, %parallel_loop3A_647] {strides = array<i32>} : memref<32x128xi32, #tpu.memory_space<vmem>>, vector<16xi32>,
        %parallel_loop3A_649 = tpu.vector_load_idx %arg5[%parallel_loop3A_648] : memref<100096xf32, #tpu.memory_space<vmem>>[vector<16xi32>], vector<16xf32>,
        %parallel_loop3A_650 = arith.index_cast %parallel_loop3A_624 : i32 to index
        %parallel_loop3A_651 = arith.constant 48 : index
        %parallel_loop3A_652 = tpu.vector_load %arg9[%parallel_loop3A_650, %parallel_loop3A_651] {strides = array<i32>} : memref<32x128xf32, #tpu.memory_space<vmem>>, vector<16xf32>,
        tpu.vector_store %arg9[%parallel_loop3A_650, %parallel_loop3A_651], %parallel_loop3A_649 {strides = array<i32>} : memref<32x128xf32, #tpu.memory_space<vmem>>, vector<16xf32>,
        %parallel_loop3A_653 = arith.index_cast %parallel_loop3A_624 : i32 to index
        %parallel_loop3A_654 = arith.constant 64 : index
        %parallel_loop3A_655 = tpu.vector_load %arg6[%parallel_loop3A_653, %parallel_loop3A_654] {strides = array<i32>} : memref<32x128xi32, #tpu.memory_space<vmem>>, vector<16xi32>,
        %parallel_loop3A_656 = tpu.vector_load_idx %arg5[%parallel_loop3A_655] : memref<100096xf32, #tpu.memory_space<vmem>>[vector<16xi32>], vector<16xf32>,
        %parallel_loop3A_657 = arith.index_cast %parallel_loop3A_624 : i32 to index
        %parallel_loop3A_658 = arith.constant 64 : index
        %parallel_loop3A_659 = tpu.vector_load %arg9[%parallel_loop3A_657, %parallel_loop3A_658] {strides = array<i32>} : memref<32x128xf32, #tpu.memory_space<vmem>>, vector<16xf32>,
        tpu.vector_store %arg9[%parallel_loop3A_657, %parallel_loop3A_658], %parallel_loop3A_656 {strides = array<i32>} : memref<32x128xf32, #tpu.memory_space<vmem>>, vector<16xf32>,
        %parallel_loop3A_660 = arith.index_cast %parallel_loop3A_624 : i32 to index
        %parallel_loop3A_661 = arith.constant 80 : index
        %parallel_loop3A_662 = tpu.vector_load %arg6[%parallel_loop3A_660, %parallel_loop3A_661] {strides = array<i32>} : memref<32x128xi32, #tpu.memory_space<vmem>>, vector<16xi32>,
        %parallel_loop3A_663 = tpu.vector_load_idx %arg5[%parallel_loop3A_662] : memref<100096xf32, #tpu.memory_space<vmem>>[vector<16xi32>], vector<16xf32>,
        %parallel_loop3A_664 = arith.index_cast %parallel_loop3A_624 : i32 to index
        %parallel_loop3A_665 = arith.constant 80 : index
        %parallel_loop3A_666 = tpu.vector_load %arg9[%parallel_loop3A_664, %parallel_loop3A_665] {strides = array<i32>} : memref<32x128xf32, #tpu.memory_space<vmem>>, vector<16xf32>,
        tpu.vector_store %arg9[%parallel_loop3A_664, %parallel_loop3A_665], %parallel_loop3A_663 {strides = array<i32>} : memref<32x128xf32, #tpu.memory_space<vmem>>, vector<16xf32>,
        %parallel_loop3A_667 = arith.index_cast %parallel_loop3A_624 : i32 to index
        %parallel_loop3A_668 = arith.constant 96 : index
        %parallel_loop3A_669 = tpu.vector_load %arg6[%parallel_loop3A_667, %parallel_loop3A_668] {strides = array<i32>} : memref<32x128xi32, #tpu.memory_space<vmem>>, vector<16xi32>,
        %parallel_loop3A_670 = tpu.vector_load_idx %arg5[%parallel_loop3A_669] : memref<100096xf32, #tpu.memory_space<vmem>>[vector<16xi32>], vector<16xf32>,
        %parallel_loop3A_671 = arith.index_cast %parallel_loop3A_624 : i32 to index
        %parallel_loop3A_672 = arith.constant 96 : index
        %parallel_loop3A_673 = tpu.vector_load %arg9[%parallel_loop3A_671, %parallel_loop3A_672] {strides = array<i32>} : memref<32x128xf32, #tpu.memory_space<vmem>>, vector<16xf32>,
        tpu.vector_store %arg9[%parallel_loop3A_671, %parallel_loop3A_672], %parallel_loop3A_670 {strides = array<i32>} : memref<32x128xf32, #tpu.memory_space<vmem>>, vector<16xf32>,
        %parallel_loop3A_674 = arith.index_cast %parallel_loop3A_624 : i32 to index
        %parallel_loop3A_675 = arith.constant 112 : index
        %parallel_loop3A_676 = tpu.vector_load %arg6[%parallel_loop3A_674, %parallel_loop3A_675] {strides = array<i32>} : memref<32x128xi32, #tpu.memory_space<vmem>>, vector<16xi32>,
        %parallel_loop3A_677 = tpu.vector_load_idx %arg5[%parallel_loop3A_676] : memref<100096xf32, #tpu.memory_space<vmem>>[vector<16xi32>], vector<16xf32>,
        %parallel_loop3A_678 = arith.index_cast %parallel_loop3A_624 : i32 to index
        %parallel_loop3A_679 = arith.constant 112 : index
        %parallel_loop3A_680 = tpu.vector_load %arg9[%parallel_loop3A_678, %parallel_loop3A_679] {strides = array<i32>} : memref<32x128xf32, #tpu.memory_space<vmem>>, vector<16xf32>,
        tpu.vector_store %arg9[%parallel_loop3A_678, %parallel_loop3A_679], %parallel_loop3A_677 {strides = array<i32>} : memref<32x128xf32, #tpu.memory_space<vmem>>, vector<16xf32>,
      } {sc.loop_unroll_factor = 8 : i64, sc.parallel_access}
      %add3A_263 = arith.constant 3 : i32
      %add3A_264 = arith.addi %add3A_169, %add3A_263 : i32
      %lt3A_265 = arith.constant 800 : i32
      %lt3A_266 = arith.cmpi slt, %add3A_264, %lt3A_265 : i32
      %convert_element_type3A_267 = arith.extui %lt3A_266 : i1 to i32
      %cond3A_268 = arith.constant 0 : i32
      %cond3A_269 = arith.cmpi ne, %convert_element_type3A_267, %cond3A_268 : i32
      scf.if %cond3A_269 {
        %add3A_624 = arith.constant 3 : i32
        %add3A_625 = arith.addi %add3A_169, %add3A_624 : i32
        %jit3A_626 = arith.constant 4 : i32
        %div3A_627 = arith.divsi %add3A_625, %jit3A_626 : i32
        %sign3A_628 = arith.constant 0 : i32
        %sign3A_629 = arith.cmpi sgt, %add3A_625, %sign3A_628 : i32
        %sign3A_630 = arith.extui %sign3A_629 : i1 to i32
        %sign3A_631 = arith.constant 0 : i32
        %sign3A_632 = arith.cmpi slt, %add3A_625, %sign3A_631 : i32
        %sign3A_633 = arith.extui %sign3A_632 : i1 to i32
        %sign3A_634 = arith.subi %sign3A_630, %sign3A_633 : i32
        %sign3A_635 = arith.constant 0 : i32
        %sign3A_636 = arith.cmpi sgt, %jit3A_626, %sign3A_635 : i32
        %sign3A_637 = arith.extui %sign3A_636 : i1 to i32
        %sign3A_638 = arith.constant 0 : i32
        %sign3A_639 = arith.cmpi slt, %jit3A_626, %sign3A_638 : i32
        %sign3A_640 = arith.extui %sign3A_639 : i1 to i32
        %sign3A_641 = arith.subi %sign3A_637, %sign3A_640 : i32
        %ne3A_642 = arith.cmpi ne, %sign3A_634, %sign3A_641 : i32
        %rem3A_643 = arith.remsi %add3A_625, %jit3A_626 : i32
        %ne3A_644 = arith.constant 0 : i32
        %ne3A_645 = arith.cmpi ne, %rem3A_643, %ne3A_644 : i32
        %and3A_646 = arith.andi %ne3A_642, %ne3A_645 : i1
        %sub3A_647 = arith.constant 1 : i32
        %sub3A_648 = arith.subi %div3A_627, %sub3A_647 : i32
        %select_n3A_649 = arith.select %and3A_646, %sub3A_648, %div3A_627 : i32
        %jit3A_650 = arith.constant 4 : i32
        %eq3A_651 = arith.constant 0 : i32
        %eq3A_652 = arith.cmpi eq, %jit3A_650, %eq3A_651 : i32
        %jit3A_653 = arith.constant 1 : i32
        %select_n3A_654 = arith.select %eq3A_652, %jit3A_653, %jit3A_650 : i32
        %rem3A_655 = arith.remsi %add3A_625, %select_n3A_654 : i32
        %ne3A_656 = arith.constant 0 : i32
        %ne3A_657 = arith.cmpi ne, %rem3A_655, %ne3A_656 : i32
        %lt3A_658 = arith.constant 0 : i32
        %lt3A_659 = arith.cmpi slt, %rem3A_655, %lt3A_658 : i32
        %lt3A_660 = arith.constant 0 : i32
        %lt3A_661 = arith.cmpi slt, %select_n3A_654, %lt3A_660 : i32
        %ne3A_662 = arith.xori %lt3A_659, %lt3A_661 : i1
        %and3A_663 = arith.andi %ne3A_662, %ne3A_657 : i1
        %add3A_664 = arith.addi %rem3A_655, %select_n3A_654 : i32
        %select_n3A_665 = arith.select %and3A_663, %add3A_664, %rem3A_655 : i32
        %jit3A_666 = arith.constant 8 : i32
        %div3A_667 = arith.divsi %select_n3A_649, %jit3A_666 : i32
        %sign3A_668 = arith.constant 0 : i32
        %sign3A_669 = arith.cmpi sgt, %select_n3A_649, %sign3A_668 : i32
        %sign3A_670 = arith.extui %sign3A_669 : i1 to i32
        %sign3A_671 = arith.constant 0 : i32
        %sign3A_672 = arith.cmpi slt, %select_n3A_649, %sign3A_671 : i32
        %sign3A_673 = arith.extui %sign3A_672 : i1 to i32
        %sign3A_674 = arith.subi %sign3A_670, %sign3A_673 : i32
        %sign3A_675 = arith.constant 0 : i32
        %sign3A_676 = arith.cmpi sgt, %jit3A_666, %sign3A_675 : i32
        %sign3A_677 = arith.extui %sign3A_676 : i1 to i32
        %sign3A_678 = arith.constant 0 : i32
        %sign3A_679 = arith.cmpi slt, %jit3A_666, %sign3A_678 : i32
        %sign3A_680 = arith.extui %sign3A_679 : i1 to i32
        %sign3A_681 = arith.subi %sign3A_677, %sign3A_680 : i32
        %ne3A_682 = arith.cmpi ne, %sign3A_674, %sign3A_681 : i32
        %rem3A_683 = arith.remsi %select_n3A_649, %jit3A_666 : i32
        %ne3A_684 = arith.constant 0 : i32
        %ne3A_685 = arith.cmpi ne, %rem3A_683, %ne3A_684 : i32
        %and3A_686 = arith.andi %ne3A_682, %ne3A_685 : i1
        %sub3A_687 = arith.constant 1 : i32
        %sub3A_688 = arith.subi %div3A_667, %sub3A_687 : i32
        %select_n3A_689 = arith.select %and3A_686, %sub3A_688, %div3A_667 : i32
        %mul3A_690 = arith.constant 32 : i32
        %mul3A_691 = arith.muli %select_n3A_665, %mul3A_690 : i32
        %jit3A_692 = arith.constant 8 : i32
        %eq3A_693 = arith.constant 0 : i32
        %eq3A_694 = arith.cmpi eq, %jit3A_692, %eq3A_693 : i32
        %jit3A_695 = arith.constant 1 : i32
        %select_n3A_696 = arith.select %eq3A_694, %jit3A_695, %jit3A_692 : i32
        %rem3A_697 = arith.remsi %select_n3A_649, %select_n3A_696 : i32
        %ne3A_698 = arith.constant 0 : i32
        %ne3A_699 = arith.cmpi ne, %rem3A_697, %ne3A_698 : i32
        %lt3A_700 = arith.constant 0 : i32
        %lt3A_701 = arith.cmpi slt, %rem3A_697, %lt3A_700 : i32
        %lt3A_702 = arith.constant 0 : i32
        %lt3A_703 = arith.cmpi slt, %select_n3A_696, %lt3A_702 : i32
        %ne3A_704 = arith.xori %lt3A_701, %lt3A_703 : i1
        %and3A_705 = arith.andi %ne3A_704, %ne3A_699 : i1
        %add3A_706 = arith.addi %rem3A_697, %select_n3A_696 : i32
        %select_n3A_707 = arith.select %and3A_705, %add3A_706, %rem3A_697 : i32
        %dma_start3A_708 = arith.constant 0 : i32
        %dma_start3A_709 = tpu.memref_slice %arg3[%select_n3A_689, %mul3A_691, %select_n3A_707, %dma_start3A_708] : memref<25x128x8x128xi32, #tpu.memory_space<hbm>> -> memref<1x32x1x128xi32, #tpu.memory_space<hbm>>
        %dma_start3A_710 = tpu.memref_squeeze %dma_start3A_709 : memref<1x32x1x128xi32, #tpu.memory_space<hbm>> -> memref<32x128xi32, #tpu.memory_space<hbm>>
        %dma_start3A_711 = arith.constant 0 : i32
        %dma_start3A_712 = tpu.memref_slice %arg3[%select_n3A_689, %mul3A_691, %select_n3A_707, %dma_start3A_711] : memref<25x128x8x128xi32, #tpu.memory_space<hbm>> -> memref<1x32x1x128xi32, #tpu.memory_space<hbm>>
        %dma_start3A_713 = tpu.memref_squeeze %dma_start3A_712 : memref<1x32x1x128xi32, #tpu.memory_space<hbm>> -> memref<32x128xi32, #tpu.memory_space<hbm>>
        tpu.enqueue_dma source(%dma_start3A_713 : memref<32x128xi32, #tpu.memory_space<hbm>>) target(%arg6 : memref<32x128xi32, #tpu.memory_space<vmem>>) target_semaphore(%arg13 : memref<!tpu.dma_semaphore, #tpu.memory_space<semaphore_mem>>)
      } else {
      }
      %jit3A_270 = arith.constant 4 : i32
      %div3A_271 = arith.divsi %add3A_169, %jit3A_270 : i32
      %sign3A_272 = arith.constant 0 : i32
      %sign3A_273 = arith.cmpi sgt, %add3A_169, %sign3A_272 : i32
      %sign3A_274 = arith.extui %sign3A_273 : i1 to i32
      %sign3A_275 = arith.constant 0 : i32
      %sign3A_276 = arith.cmpi slt, %add3A_169, %sign3A_275 : i32
      %sign3A_277 = arith.extui %sign3A_276 : i1 to i32
      %sign3A_278 = arith.subi %sign3A_274, %sign3A_277 : i32
      %sign3A_279 = arith.constant 0 : i32
      %sign3A_280 = arith.cmpi sgt, %jit3A_270, %sign3A_279 : i32
      %sign3A_281 = arith.extui %sign3A_280 : i1 to i32
      %sign3A_282 = arith.constant 0 : i32
      %sign3A_283 = arith.cmpi slt, %jit3A_270, %sign3A_282 : i32
      %sign3A_284 = arith.extui %sign3A_283 : i1 to i32
      %sign3A_285 = arith.subi %sign3A_281, %sign3A_284 : i32
      %ne3A_286 = arith.cmpi ne, %sign3A_278, %sign3A_285 : i32
      %rem3A_287 = arith.remsi %add3A_169, %jit3A_270 : i32
      %ne3A_288 = arith.constant 0 : i32
      %ne3A_289 = arith.cmpi ne, %rem3A_287, %ne3A_288 : i32
      %and3A_290 = arith.andi %ne3A_286, %ne3A_289 : i1
      %sub3A_291 = arith.constant 1 : i32
      %sub3A_292 = arith.subi %div3A_271, %sub3A_291 : i32
      %select_n3A_293 = arith.select %and3A_290, %sub3A_292, %div3A_271 : i32
      %jit3A_294 = arith.constant 4 : i32
      %eq3A_295 = arith.constant 0 : i32
      %eq3A_296 = arith.cmpi eq, %jit3A_294, %eq3A_295 : i32
      %jit3A_297 = arith.constant 1 : i32
      %select_n3A_298 = arith.select %eq3A_296, %jit3A_297, %jit3A_294 : i32
      %rem3A_299 = arith.remsi %add3A_169, %select_n3A_298 : i32
      %ne3A_300 = arith.constant 0 : i32
      %ne3A_301 = arith.cmpi ne, %rem3A_299, %ne3A_300 : i32
      %lt3A_302 = arith.constant 0 : i32
      %lt3A_303 = arith.cmpi slt, %rem3A_299, %lt3A_302 : i32
      %lt3A_304 = arith.constant 0 : i32
      %lt3A_305 = arith.cmpi slt, %select_n3A_298, %lt3A_304 : i32
      %ne3A_306 = arith.xori %lt3A_303, %lt3A_305 : i1
      %and3A_307 = arith.andi %ne3A_306, %ne3A_301 : i1
      %add3A_308 = arith.addi %rem3A_299, %select_n3A_298 : i32
      %select_n3A_309 = arith.select %and3A_307, %add3A_308, %rem3A_299 : i32
      %mul3A_310 = arith.constant 32 : i32
      %mul3A_311 = arith.muli %select_n3A_309, %mul3A_310 : i32
      %dma_start3A_312 = arith.constant 0 : i32
      %dma_start3A_313 = tpu.memref_slice %arg4[%select_n3A_293, %select_n3A, %mul3A_311, %select_n3A_30, %dma_start3A_312] : memref<200x4x128x8x128xf32, #tpu.memory_space<hbm>> -> memref<1x1x32x1x128xf32, #tpu.memory_space<hbm>>
      %dma_start3A_314 = tpu.memref_squeeze %dma_start3A_313 : memref<1x1x32x1x128xf32, #tpu.memory_space<hbm>> -> memref<32x128xf32, #tpu.memory_space<hbm>>
      %dma_start3A_315 = arith.constant 0 : i32
      %dma_start3A_316 = tpu.memref_slice %arg4[%select_n3A_293, %select_n3A, %mul3A_311, %select_n3A_30, %dma_start3A_315] : memref<200x4x128x8x128xf32, #tpu.memory_space<hbm>> -> memref<1x1x32x1x128xf32, #tpu.memory_space<hbm>>
      %dma_start3A_317 = tpu.memref_squeeze %dma_start3A_316 : memref<1x1x32x1x128xf32, #tpu.memory_space<hbm>> -> memref<32x128xf32, #tpu.memory_space<hbm>>
      tpu.enqueue_dma source(%arg9 : memref<32x128xf32, #tpu.memory_space<vmem>>) target(%dma_start3A_317 : memref<32x128xf32, #tpu.memory_space<hbm>>) target_semaphore(%arg16 : memref<!tpu.dma_semaphore, #tpu.memory_space<semaphore_mem>>)
      %add3A_318 = arith.constant 1 : i32
      %add3A_319 = arith.addi %add3A_167, %add3A_318 : i32
      %jit3A_320 = arith.constant 4 : i32
      %div3A_321 = arith.divsi %add3A_319, %jit3A_320 : i32
      %sign3A_322 = arith.constant 0 : i32
      %sign3A_323 = arith.cmpi sgt, %add3A_319, %sign3A_322 : i32
      %sign3A_324 = arith.extui %sign3A_323 : i1 to i32
      %sign3A_325 = arith.constant 0 : i32
      %sign3A_326 = arith.cmpi slt, %add3A_319, %sign3A_325 : i32
      %sign3A_327 = arith.extui %sign3A_326 : i1 to i32
      %sign3A_328 = arith.subi %sign3A_324, %sign3A_327 : i32
      %sign3A_329 = arith.constant 0 : i32
      %sign3A_330 = arith.cmpi sgt, %jit3A_320, %sign3A_329 : i32
      %sign3A_331 = arith.extui %sign3A_330 : i1 to i32
      %sign3A_332 = arith.constant 0 : i32
      %sign3A_333 = arith.cmpi slt, %jit3A_320, %sign3A_332 : i32
      %sign3A_334 = arith.extui %sign3A_333 : i1 to i32
      %sign3A_335 = arith.subi %sign3A_331, %sign3A_334 : i32
      %ne3A_336 = arith.cmpi ne, %sign3A_328, %sign3A_335 : i32
      %rem3A_337 = arith.remsi %add3A_319, %jit3A_320 : i32
      %ne3A_338 = arith.constant 0 : i32
      %ne3A_339 = arith.cmpi ne, %rem3A_337, %ne3A_338 : i32
      %and3A_340 = arith.andi %ne3A_336, %ne3A_339 : i1
      %sub3A_341 = arith.constant 1 : i32
      %sub3A_342 = arith.subi %div3A_321, %sub3A_341 : i32
      %select_n3A_343 = arith.select %and3A_340, %sub3A_342, %div3A_321 : i32
      %jit3A_344 = arith.constant 4 : i32
      %eq3A_345 = arith.constant 0 : i32
      %eq3A_346 = arith.cmpi eq, %jit3A_344, %eq3A_345 : i32
      %jit3A_347 = arith.constant 1 : i32
      %select_n3A_348 = arith.select %eq3A_346, %jit3A_347, %jit3A_344 : i32
      %rem3A_349 = arith.remsi %add3A_319, %select_n3A_348 : i32
      %ne3A_350 = arith.constant 0 : i32
      %ne3A_351 = arith.cmpi ne, %rem3A_349, %ne3A_350 : i32
      %lt3A_352 = arith.constant 0 : i32
      %lt3A_353 = arith.cmpi slt, %rem3A_349, %lt3A_352 : i32
      %lt3A_354 = arith.constant 0 : i32
      %lt3A_355 = arith.cmpi slt, %select_n3A_348, %lt3A_354 : i32
      %ne3A_356 = arith.xori %lt3A_353, %lt3A_355 : i1
      %and3A_357 = arith.andi %ne3A_356, %ne3A_351 : i1
      %add3A_358 = arith.addi %rem3A_349, %select_n3A_348 : i32
      %select_n3A_359 = arith.select %and3A_357, %add3A_358, %rem3A_349 : i32
      %jit3A_360 = arith.constant 8 : i32
      %div3A_361 = arith.divsi %select_n3A_343, %jit3A_360 : i32
      %sign3A_362 = arith.constant 0 : i32
      %sign3A_363 = arith.cmpi sgt, %select_n3A_343, %sign3A_362 : i32
      %sign3A_364 = arith.extui %sign3A_363 : i1 to i32
      %sign3A_365 = arith.constant 0 : i32
      %sign3A_366 = arith.cmpi slt, %select_n3A_343, %sign3A_365 : i32
      %sign3A_367 = arith.extui %sign3A_366 : i1 to i32
      %sign3A_368 = arith.subi %sign3A_364, %sign3A_367 : i32
      %sign3A_369 = arith.constant 0 : i32
      %sign3A_370 = arith.cmpi sgt, %jit3A_360, %sign3A_369 : i32
      %sign3A_371 = arith.extui %sign3A_370 : i1 to i32
      %sign3A_372 = arith.constant 0 : i32
      %sign3A_373 = arith.cmpi slt, %jit3A_360, %sign3A_372 : i32
      %sign3A_374 = arith.extui %sign3A_373 : i1 to i32
      %sign3A_375 = arith.subi %sign3A_371, %sign3A_374 : i32
      %ne3A_376 = arith.cmpi ne, %sign3A_368, %sign3A_375 : i32
      %rem3A_377 = arith.remsi %select_n3A_343, %jit3A_360 : i32
      %ne3A_378 = arith.constant 0 : i32
      %ne3A_379 = arith.cmpi ne, %rem3A_377, %ne3A_378 : i32
      %and3A_380 = arith.andi %ne3A_376, %ne3A_379 : i1
      %sub3A_381 = arith.constant 1 : i32
      %sub3A_382 = arith.subi %div3A_361, %sub3A_381 : i32
      %select_n3A_383 = arith.select %and3A_380, %sub3A_382, %div3A_361 : i32
      %mul3A_384 = arith.constant 32 : i32
      %mul3A_385 = arith.muli %select_n3A_359, %mul3A_384 : i32
      %jit3A_386 = arith.constant 8 : i32
      %eq3A_387 = arith.constant 0 : i32
      %eq3A_388 = arith.cmpi eq, %jit3A_386, %eq3A_387 : i32
      %jit3A_389 = arith.constant 1 : i32
      %select_n3A_390 = arith.select %eq3A_388, %jit3A_389, %jit3A_386 : i32
      %rem3A_391 = arith.remsi %select_n3A_343, %select_n3A_390 : i32
      %ne3A_392 = arith.constant 0 : i32
      %ne3A_393 = arith.cmpi ne, %rem3A_391, %ne3A_392 : i32
      %lt3A_394 = arith.constant 0 : i32
      %lt3A_395 = arith.cmpi slt, %rem3A_391, %lt3A_394 : i32
      %lt3A_396 = arith.constant 0 : i32
      %lt3A_397 = arith.cmpi slt, %select_n3A_390, %lt3A_396 : i32
      %ne3A_398 = arith.xori %lt3A_395, %lt3A_397 : i1
      %and3A_399 = arith.andi %ne3A_398, %ne3A_393 : i1
      %add3A_400 = arith.addi %rem3A_391, %select_n3A_390 : i32
      %select_n3A_401 = arith.select %and3A_399, %add3A_400, %rem3A_391 : i32
      %dma_wait3A_402 = arith.constant 0 : i32
      %dma_wait3A_403 = tpu.memref_slice %arg3[%select_n3A_383, %mul3A_385, %select_n3A_401, %dma_wait3A_402] : memref<25x128x8x128xi32, #tpu.memory_space<hbm>> -> memref<1x32x1x128xi32, #tpu.memory_space<hbm>>
      %dma_wait3A_404 = tpu.memref_squeeze %dma_wait3A_403 : memref<1x32x1x128xi32, #tpu.memory_space<hbm>> -> memref<32x128xi32, #tpu.memory_space<hbm>>
      %dma_wait3A_405 = arith.constant 0 : i32
      %dma_wait3A_406 = tpu.memref_slice %arg3[%select_n3A_383, %mul3A_385, %select_n3A_401, %dma_wait3A_405] : memref<25x128x8x128xi32, #tpu.memory_space<hbm>> -> memref<1x32x1x128xi32, #tpu.memory_space<hbm>>
      %dma_wait3A_407 = tpu.memref_squeeze %dma_wait3A_406 : memref<1x32x1x128xi32, #tpu.memory_space<hbm>> -> memref<32x128xi32, #tpu.memory_space<hbm>>
      tpu.wait_dma2 semaphore(%arg14 : memref<!tpu.dma_semaphore, #tpu.memory_space<semaphore_mem>>) src(%dma_wait3A_407 : memref<32x128xi32, #tpu.memory_space<hbm>>) dst(%arg7 : memref<32x128xi32, #tpu.memory_space<vmem>>)
      %ge3A_408 = arith.constant 3 : i32
      %ge3A_409 = arith.cmpi sge, %add3A_319, %ge3A_408 : i32
      %convert_element_type3A_410 = arith.extui %ge3A_409 : i1 to i32
      %cond3A_411 = arith.constant 0 : i32
      %cond3A_412 = arith.cmpi ne, %convert_element_type3A_410, %cond3A_411 : i32
      scf.if %cond3A_412 {
        %sub3A_624 = arith.constant 3 : i32
        %sub3A_625 = arith.subi %add3A_319, %sub3A_624 : i32
        %jit3A_626 = arith.constant 4 : i32
        %div3A_627 = arith.divsi %sub3A_625, %jit3A_626 : i32
        %sign3A_628 = arith.constant 0 : i32
        %sign3A_629 = arith.cmpi sgt, %sub3A_625, %sign3A_628 : i32
        %sign3A_630 = arith.extui %sign3A_629 : i1 to i32
        %sign3A_631 = arith.constant 0 : i32
        %sign3A_632 = arith.cmpi slt, %sub3A_625, %sign3A_631 : i32
        %sign3A_633 = arith.extui %sign3A_632 : i1 to i32
        %sign3A_634 = arith.subi %sign3A_630, %sign3A_633 : i32
        %sign3A_635 = arith.constant 0 : i32
        %sign3A_636 = arith.cmpi sgt, %jit3A_626, %sign3A_635 : i32
        %sign3A_637 = arith.extui %sign3A_636 : i1 to i32
        %sign3A_638 = arith.constant 0 : i32
        %sign3A_639 = arith.cmpi slt, %jit3A_626, %sign3A_638 : i32
        %sign3A_640 = arith.extui %sign3A_639 : i1 to i32
        %sign3A_641 = arith.subi %sign3A_637, %sign3A_640 : i32
        %ne3A_642 = arith.cmpi ne, %sign3A_634, %sign3A_641 : i32
        %rem3A_643 = arith.remsi %sub3A_625, %jit3A_626 : i32
        %ne3A_644 = arith.constant 0 : i32
        %ne3A_645 = arith.cmpi ne, %rem3A_643, %ne3A_644 : i32
        %and3A_646 = arith.andi %ne3A_642, %ne3A_645 : i1
        %sub3A_647 = arith.constant 1 : i32
        %sub3A_648 = arith.subi %div3A_627, %sub3A_647 : i32
        %select_n3A_649 = arith.select %and3A_646, %sub3A_648, %div3A_627 : i32
        %jit3A_650 = arith.constant 4 : i32
        %eq3A_651 = arith.constant 0 : i32
        %eq3A_652 = arith.cmpi eq, %jit3A_650, %eq3A_651 : i32
        %jit3A_653 = arith.constant 1 : i32
        %select_n3A_654 = arith.select %eq3A_652, %jit3A_653, %jit3A_650 : i32
        %rem3A_655 = arith.remsi %sub3A_625, %select_n3A_654 : i32
        %ne3A_656 = arith.constant 0 : i32
        %ne3A_657 = arith.cmpi ne, %rem3A_655, %ne3A_656 : i32
        %lt3A_658 = arith.constant 0 : i32
        %lt3A_659 = arith.cmpi slt, %rem3A_655, %lt3A_658 : i32
        %lt3A_660 = arith.constant 0 : i32
        %lt3A_661 = arith.cmpi slt, %select_n3A_654, %lt3A_660 : i32
        %ne3A_662 = arith.xori %lt3A_659, %lt3A_661 : i1
        %and3A_663 = arith.andi %ne3A_662, %ne3A_657 : i1
        %add3A_664 = arith.addi %rem3A_655, %select_n3A_654 : i32
        %select_n3A_665 = arith.select %and3A_663, %add3A_664, %rem3A_655 : i32
        %mul3A_666 = arith.constant 32 : i32
        %mul3A_667 = arith.muli %select_n3A_665, %mul3A_666 : i32
        %dma_wait3A_668 = arith.constant 0 : i32
        %dma_wait3A_669 = tpu.memref_slice %arg4[%select_n3A_649, %select_n3A, %mul3A_667, %select_n3A_30, %dma_wait3A_668] : memref<200x4x128x8x128xf32, #tpu.memory_space<hbm>> -> memref<1x1x32x1x128xf32, #tpu.memory_space<hbm>>
        %dma_wait3A_670 = tpu.memref_squeeze %dma_wait3A_669 : memref<1x1x32x1x128xf32, #tpu.memory_space<hbm>> -> memref<32x128xf32, #tpu.memory_space<hbm>>
        %dma_wait3A_671 = arith.constant 0 : i32
        %dma_wait3A_672 = tpu.memref_slice %arg4[%select_n3A_649, %select_n3A, %mul3A_667, %select_n3A_30, %dma_wait3A_671] : memref<200x4x128x8x128xf32, #tpu.memory_space<hbm>> -> memref<1x1x32x1x128xf32, #tpu.memory_space<hbm>>
        %dma_wait3A_673 = tpu.memref_squeeze %dma_wait3A_672 : memref<1x1x32x1x128xf32, #tpu.memory_space<hbm>> -> memref<32x128xf32, #tpu.memory_space<hbm>>
        tpu.wait_dma2 semaphore(%arg17 : memref<!tpu.dma_semaphore, #tpu.memory_space<semaphore_mem>>) src(%arg10 : memref<32x128xf32, #tpu.memory_space<vmem>>) dst(%dma_wait3A_673 : memref<32x128xf32, #tpu.memory_space<hbm>>)
      } else {
      }
      %parallel_loop3A_413 = arith.constant 0 : i32
      %parallel_loop3A_414 = arith.constant 32 : i32
      %parallel_loop3A_415 = arith.constant 1 : i32
      scf.for %parallel_loop3A_624 = %parallel_loop3A_413 to %parallel_loop3A_414 step %parallel_loop3A_415  : i32 {
        %parallel_loop3A_625 = arith.index_cast %parallel_loop3A_624 : i32 to index
        %parallel_loop3A_626 = arith.constant 0 : index
        %parallel_loop3A_627 = tpu.vector_load %arg7[%parallel_loop3A_625, %parallel_loop3A_626] {strides = array<i32>} : memref<32x128xi32, #tpu.memory_space<vmem>>, vector<16xi32>,
        %parallel_loop3A_628 = tpu.vector_load_idx %arg5[%parallel_loop3A_627] : memref<100096xf32, #tpu.memory_space<vmem>>[vector<16xi32>], vector<16xf32>,
        %parallel_loop3A_629 = arith.index_cast %parallel_loop3A_624 : i32 to index
        %parallel_loop3A_630 = arith.constant 0 : index
        %parallel_loop3A_631 = tpu.vector_load %arg10[%parallel_loop3A_629, %parallel_loop3A_630] {strides = array<i32>} : memref<32x128xf32, #tpu.memory_space<vmem>>, vector<16xf32>,
        tpu.vector_store %arg10[%parallel_loop3A_629, %parallel_loop3A_630], %parallel_loop3A_628 {strides = array<i32>} : memref<32x128xf32, #tpu.memory_space<vmem>>, vector<16xf32>,
        %parallel_loop3A_632 = arith.index_cast %parallel_loop3A_624 : i32 to index
        %parallel_loop3A_633 = arith.constant 16 : index
        %parallel_loop3A_634 = tpu.vector_load %arg7[%parallel_loop3A_632, %parallel_loop3A_633] {strides = array<i32>} : memref<32x128xi32, #tpu.memory_space<vmem>>, vector<16xi32>,
        %parallel_loop3A_635 = tpu.vector_load_idx %arg5[%parallel_loop3A_634] : memref<100096xf32, #tpu.memory_space<vmem>>[vector<16xi32>], vector<16xf32>,
        %parallel_loop3A_636 = arith.index_cast %parallel_loop3A_624 : i32 to index
        %parallel_loop3A_637 = arith.constant 16 : index
        %parallel_loop3A_638 = tpu.vector_load %arg10[%parallel_loop3A_636, %parallel_loop3A_637] {strides = array<i32>} : memref<32x128xf32, #tpu.memory_space<vmem>>, vector<16xf32>,
        tpu.vector_store %arg10[%parallel_loop3A_636, %parallel_loop3A_637], %parallel_loop3A_635 {strides = array<i32>} : memref<32x128xf32, #tpu.memory_space<vmem>>, vector<16xf32>,
        %parallel_loop3A_639 = arith.index_cast %parallel_loop3A_624 : i32 to index
        %parallel_loop3A_640 = arith.constant 32 : index
        %parallel_loop3A_641 = tpu.vector_load %arg7[%parallel_loop3A_639, %parallel_loop3A_640] {strides = array<i32>} : memref<32x128xi32, #tpu.memory_space<vmem>>, vector<16xi32>,
        %parallel_loop3A_642 = tpu.vector_load_idx %arg5[%parallel_loop3A_641] : memref<100096xf32, #tpu.memory_space<vmem>>[vector<16xi32>], vector<16xf32>,
        %parallel_loop3A_643 = arith.index_cast %parallel_loop3A_624 : i32 to index
        %parallel_loop3A_644 = arith.constant 32 : index
        %parallel_loop3A_645 = tpu.vector_load %arg10[%parallel_loop3A_643, %parallel_loop3A_644] {strides = array<i32>} : memref<32x128xf32, #tpu.memory_space<vmem>>, vector<16xf32>,
        tpu.vector_store %arg10[%parallel_loop3A_643, %parallel_loop3A_644], %parallel_loop3A_642 {strides = array<i32>} : memref<32x128xf32, #tpu.memory_space<vmem>>, vector<16xf32>,
        %parallel_loop3A_646 = arith.index_cast %parallel_loop3A_624 : i32 to index
        %parallel_loop3A_647 = arith.constant 48 : index
        %parallel_loop3A_648 = tpu.vector_load %arg7[%parallel_loop3A_646, %parallel_loop3A_647] {strides = array<i32>} : memref<32x128xi32, #tpu.memory_space<vmem>>, vector<16xi32>,
        %parallel_loop3A_649 = tpu.vector_load_idx %arg5[%parallel_loop3A_648] : memref<100096xf32, #tpu.memory_space<vmem>>[vector<16xi32>], vector<16xf32>,
        %parallel_loop3A_650 = arith.index_cast %parallel_loop3A_624 : i32 to index
        %parallel_loop3A_651 = arith.constant 48 : index
        %parallel_loop3A_652 = tpu.vector_load %arg10[%parallel_loop3A_650, %parallel_loop3A_651] {strides = array<i32>} : memref<32x128xf32, #tpu.memory_space<vmem>>, vector<16xf32>,
        tpu.vector_store %arg10[%parallel_loop3A_650, %parallel_loop3A_651], %parallel_loop3A_649 {strides = array<i32>} : memref<32x128xf32, #tpu.memory_space<vmem>>, vector<16xf32>,
        %parallel_loop3A_653 = arith.index_cast %parallel_loop3A_624 : i32 to index
        %parallel_loop3A_654 = arith.constant 64 : index
        %parallel_loop3A_655 = tpu.vector_load %arg7[%parallel_loop3A_653, %parallel_loop3A_654] {strides = array<i32>} : memref<32x128xi32, #tpu.memory_space<vmem>>, vector<16xi32>,
        %parallel_loop3A_656 = tpu.vector_load_idx %arg5[%parallel_loop3A_655] : memref<100096xf32, #tpu.memory_space<vmem>>[vector<16xi32>], vector<16xf32>,
        %parallel_loop3A_657 = arith.index_cast %parallel_loop3A_624 : i32 to index
        %parallel_loop3A_658 = arith.constant 64 : index
        %parallel_loop3A_659 = tpu.vector_load %arg10[%parallel_loop3A_657, %parallel_loop3A_658] {strides = array<i32>} : memref<32x128xf32, #tpu.memory_space<vmem>>, vector<16xf32>,
        tpu.vector_store %arg10[%parallel_loop3A_657, %parallel_loop3A_658], %parallel_loop3A_656 {strides = array<i32>} : memref<32x128xf32, #tpu.memory_space<vmem>>, vector<16xf32>,
        %parallel_loop3A_660 = arith.index_cast %parallel_loop3A_624 : i32 to index
        %parallel_loop3A_661 = arith.constant 80 : index
        %parallel_loop3A_662 = tpu.vector_load %arg7[%parallel_loop3A_660, %parallel_loop3A_661] {strides = array<i32>} : memref<32x128xi32, #tpu.memory_space<vmem>>, vector<16xi32>,
        %parallel_loop3A_663 = tpu.vector_load_idx %arg5[%parallel_loop3A_662] : memref<100096xf32, #tpu.memory_space<vmem>>[vector<16xi32>], vector<16xf32>,
        %parallel_loop3A_664 = arith.index_cast %parallel_loop3A_624 : i32 to index
        %parallel_loop3A_665 = arith.constant 80 : index
        %parallel_loop3A_666 = tpu.vector_load %arg10[%parallel_loop3A_664, %parallel_loop3A_665] {strides = array<i32>} : memref<32x128xf32, #tpu.memory_space<vmem>>, vector<16xf32>,
        tpu.vector_store %arg10[%parallel_loop3A_664, %parallel_loop3A_665], %parallel_loop3A_663 {strides = array<i32>} : memref<32x128xf32, #tpu.memory_space<vmem>>, vector<16xf32>,
        %parallel_loop3A_667 = arith.index_cast %parallel_loop3A_624 : i32 to index
        %parallel_loop3A_668 = arith.constant 96 : index
        %parallel_loop3A_669 = tpu.vector_load %arg7[%parallel_loop3A_667, %parallel_loop3A_668] {strides = array<i32>} : memref<32x128xi32, #tpu.memory_space<vmem>>, vector<16xi32>,
        %parallel_loop3A_670 = tpu.vector_load_idx %arg5[%parallel_loop3A_669] : memref<100096xf32, #tpu.memory_space<vmem>>[vector<16xi32>], vector<16xf32>,
        %parallel_loop3A_671 = arith.index_cast %parallel_loop3A_624 : i32 to index
        %parallel_loop3A_672 = arith.constant 96 : index
        %parallel_loop3A_673 = tpu.vector_load %arg10[%parallel_loop3A_671, %parallel_loop3A_672] {strides = array<i32>} : memref<32x128xf32, #tpu.memory_space<vmem>>, vector<16xf32>,
        tpu.vector_store %arg10[%parallel_loop3A_671, %parallel_loop3A_672], %parallel_loop3A_670 {strides = array<i32>} : memref<32x128xf32, #tpu.memory_space<vmem>>, vector<16xf32>,
        %parallel_loop3A_674 = arith.index_cast %parallel_loop3A_624 : i32 to index
        %parallel_loop3A_675 = arith.constant 112 : index
        %parallel_loop3A_676 = tpu.vector_load %arg7[%parallel_loop3A_674, %parallel_loop3A_675] {strides = array<i32>} : memref<32x128xi32, #tpu.memory_space<vmem>>, vector<16xi32>,
        %parallel_loop3A_677 = tpu.vector_load_idx %arg5[%parallel_loop3A_676] : memref<100096xf32, #tpu.memory_space<vmem>>[vector<16xi32>], vector<16xf32>,
        %parallel_loop3A_678 = arith.index_cast %parallel_loop3A_624 : i32 to index
        %parallel_loop3A_679 = arith.constant 112 : index
        %parallel_loop3A_680 = tpu.vector_load %arg10[%parallel_loop3A_678, %parallel_loop3A_679] {strides = array<i32>} : memref<32x128xf32, #tpu.memory_space<vmem>>, vector<16xf32>,
        tpu.vector_store %arg10[%parallel_loop3A_678, %parallel_loop3A_679], %parallel_loop3A_677 {strides = array<i32>} : memref<32x128xf32, #tpu.memory_space<vmem>>, vector<16xf32>,
      } {sc.loop_unroll_factor = 8 : i64, sc.parallel_access}
      %add3A_416 = arith.constant 3 : i32
      %add3A_417 = arith.addi %add3A_319, %add3A_416 : i32
      %lt3A_418 = arith.constant 800 : i32
      %lt3A_419 = arith.cmpi slt, %add3A_417, %lt3A_418 : i32
      %convert_element_type3A_420 = arith.extui %lt3A_419 : i1 to i32
      %cond3A_421 = arith.constant 0 : i32
      %cond3A_422 = arith.cmpi ne, %convert_element_type3A_420, %cond3A_421 : i32
      scf.if %cond3A_422 {
        %add3A_624 = arith.constant 3 : i32
        %add3A_625 = arith.addi %add3A_319, %add3A_624 : i32
        %jit3A_626 = arith.constant 4 : i32
        %div3A_627 = arith.divsi %add3A_625, %jit3A_626 : i32
        %sign3A_628 = arith.constant 0 : i32
        %sign3A_629 = arith.cmpi sgt, %add3A_625, %sign3A_628 : i32
        %sign3A_630 = arith.extui %sign3A_629 : i1 to i32
        %sign3A_631 = arith.constant 0 : i32
        %sign3A_632 = arith.cmpi slt, %add3A_625, %sign3A_631 : i32
        %sign3A_633 = arith.extui %sign3A_632 : i1 to i32
        %sign3A_634 = arith.subi %sign3A_630, %sign3A_633 : i32
        %sign3A_635 = arith.constant 0 : i32
        %sign3A_636 = arith.cmpi sgt, %jit3A_626, %sign3A_635 : i32
        %sign3A_637 = arith.extui %sign3A_636 : i1 to i32
        %sign3A_638 = arith.constant 0 : i32
        %sign3A_639 = arith.cmpi slt, %jit3A_626, %sign3A_638 : i32
        %sign3A_640 = arith.extui %sign3A_639 : i1 to i32
        %sign3A_641 = arith.subi %sign3A_637, %sign3A_640 : i32
        %ne3A_642 = arith.cmpi ne, %sign3A_634, %sign3A_641 : i32
        %rem3A_643 = arith.remsi %add3A_625, %jit3A_626 : i32
        %ne3A_644 = arith.constant 0 : i32
        %ne3A_645 = arith.cmpi ne, %rem3A_643, %ne3A_644 : i32
        %and3A_646 = arith.andi %ne3A_642, %ne3A_645 : i1
        %sub3A_647 = arith.constant 1 : i32
        %sub3A_648 = arith.subi %div3A_627, %sub3A_647 : i32
        %select_n3A_649 = arith.select %and3A_646, %sub3A_648, %div3A_627 : i32
        %jit3A_650 = arith.constant 4 : i32
        %eq3A_651 = arith.constant 0 : i32
        %eq3A_652 = arith.cmpi eq, %jit3A_650, %eq3A_651 : i32
        %jit3A_653 = arith.constant 1 : i32
        %select_n3A_654 = arith.select %eq3A_652, %jit3A_653, %jit3A_650 : i32
        %rem3A_655 = arith.remsi %add3A_625, %select_n3A_654 : i32
        %ne3A_656 = arith.constant 0 : i32
        %ne3A_657 = arith.cmpi ne, %rem3A_655, %ne3A_656 : i32
        %lt3A_658 = arith.constant 0 : i32
        %lt3A_659 = arith.cmpi slt, %rem3A_655, %lt3A_658 : i32
        %lt3A_660 = arith.constant 0 : i32
        %lt3A_661 = arith.cmpi slt, %select_n3A_654, %lt3A_660 : i32
        %ne3A_662 = arith.xori %lt3A_659, %lt3A_661 : i1
        %and3A_663 = arith.andi %ne3A_662, %ne3A_657 : i1
        %add3A_664 = arith.addi %rem3A_655, %select_n3A_654 : i32
        %select_n3A_665 = arith.select %and3A_663, %add3A_664, %rem3A_655 : i32
        %jit3A_666 = arith.constant 8 : i32
        %div3A_667 = arith.divsi %select_n3A_649, %jit3A_666 : i32
        %sign3A_668 = arith.constant 0 : i32
        %sign3A_669 = arith.cmpi sgt, %select_n3A_649, %sign3A_668 : i32
        %sign3A_670 = arith.extui %sign3A_669 : i1 to i32
        %sign3A_671 = arith.constant 0 : i32
        %sign3A_672 = arith.cmpi slt, %select_n3A_649, %sign3A_671 : i32
        %sign3A_673 = arith.extui %sign3A_672 : i1 to i32
        %sign3A_674 = arith.subi %sign3A_670, %sign3A_673 : i32
        %sign3A_675 = arith.constant 0 : i32
        %sign3A_676 = arith.cmpi sgt, %jit3A_666, %sign3A_675 : i32
        %sign3A_677 = arith.extui %sign3A_676 : i1 to i32
        %sign3A_678 = arith.constant 0 : i32
        %sign3A_679 = arith.cmpi slt, %jit3A_666, %sign3A_678 : i32
        %sign3A_680 = arith.extui %sign3A_679 : i1 to i32
        %sign3A_681 = arith.subi %sign3A_677, %sign3A_680 : i32
        %ne3A_682 = arith.cmpi ne, %sign3A_674, %sign3A_681 : i32
        %rem3A_683 = arith.remsi %select_n3A_649, %jit3A_666 : i32
        %ne3A_684 = arith.constant 0 : i32
        %ne3A_685 = arith.cmpi ne, %rem3A_683, %ne3A_684 : i32
        %and3A_686 = arith.andi %ne3A_682, %ne3A_685 : i1
        %sub3A_687 = arith.constant 1 : i32
        %sub3A_688 = arith.subi %div3A_667, %sub3A_687 : i32
        %select_n3A_689 = arith.select %and3A_686, %sub3A_688, %div3A_667 : i32
        %mul3A_690 = arith.constant 32 : i32
        %mul3A_691 = arith.muli %select_n3A_665, %mul3A_690 : i32
        %jit3A_692 = arith.constant 8 : i32
        %eq3A_693 = arith.constant 0 : i32
        %eq3A_694 = arith.cmpi eq, %jit3A_692, %eq3A_693 : i32
        %jit3A_695 = arith.constant 1 : i32
        %select_n3A_696 = arith.select %eq3A_694, %jit3A_695, %jit3A_692 : i32
        %rem3A_697 = arith.remsi %select_n3A_649, %select_n3A_696 : i32
        %ne3A_698 = arith.constant 0 : i32
        %ne3A_699 = arith.cmpi ne, %rem3A_697, %ne3A_698 : i32
        %lt3A_700 = arith.constant 0 : i32
        %lt3A_701 = arith.cmpi slt, %rem3A_697, %lt3A_700 : i32
        %lt3A_702 = arith.constant 0 : i32
        %lt3A_703 = arith.cmpi slt, %select_n3A_696, %lt3A_702 : i32
        %ne3A_704 = arith.xori %lt3A_701, %lt3A_703 : i1
        %and3A_705 = arith.andi %ne3A_704, %ne3A_699 : i1
        %add3A_706 = arith.addi %rem3A_697, %select_n3A_696 : i32
        %select_n3A_707 = arith.select %and3A_705, %add3A_706, %rem3A_697 : i32
        %dma_start3A_708 = arith.constant 0 : i32
        %dma_start3A_709 = tpu.memref_slice %arg3[%select_n3A_689, %mul3A_691, %select_n3A_707, %dma_start3A_708] : memref<25x128x8x128xi32, #tpu.memory_space<hbm>> -> memref<1x32x1x128xi32, #tpu.memory_space<hbm>>
        %dma_start3A_710 = tpu.memref_squeeze %dma_start3A_709 : memref<1x32x1x128xi32, #tpu.memory_space<hbm>> -> memref<32x128xi32, #tpu.memory_space<hbm>>
        %dma_start3A_711 = arith.constant 0 : i32
        %dma_start3A_712 = tpu.memref_slice %arg3[%select_n3A_689, %mul3A_691, %select_n3A_707, %dma_start3A_711] : memref<25x128x8x128xi32, #tpu.memory_space<hbm>> -> memref<1x32x1x128xi32, #tpu.memory_space<hbm>>
        %dma_start3A_713 = tpu.memref_squeeze %dma_start3A_712 : memref<1x32x1x128xi32, #tpu.memory_space<hbm>> -> memref<32x128xi32, #tpu.memory_space<hbm>>
        tpu.enqueue_dma source(%dma_start3A_713 : memref<32x128xi32, #tpu.memory_space<hbm>>) target(%arg7 : memref<32x128xi32, #tpu.memory_space<vmem>>) target_semaphore(%arg14 : memref<!tpu.dma_semaphore, #tpu.memory_space<semaphore_mem>>)
      } else {
      }
      %jit3A_423 = arith.constant 4 : i32
      %div3A_424 = arith.divsi %add3A_319, %jit3A_423 : i32
      %sign3A_425 = arith.constant 0 : i32
      %sign3A_426 = arith.cmpi sgt, %add3A_319, %sign3A_425 : i32
      %sign3A_427 = arith.extui %sign3A_426 : i1 to i32
      %sign3A_428 = arith.constant 0 : i32
      %sign3A_429 = arith.cmpi slt, %add3A_319, %sign3A_428 : i32
      %sign3A_430 = arith.extui %sign3A_429 : i1 to i32
      %sign3A_431 = arith.subi %sign3A_427, %sign3A_430 : i32
      %sign3A_432 = arith.constant 0 : i32
      %sign3A_433 = arith.cmpi sgt, %jit3A_423, %sign3A_432 : i32
      %sign3A_434 = arith.extui %sign3A_433 : i1 to i32
      %sign3A_435 = arith.constant 0 : i32
      %sign3A_436 = arith.cmpi slt, %jit3A_423, %sign3A_435 : i32
      %sign3A_437 = arith.extui %sign3A_436 : i1 to i32
      %sign3A_438 = arith.subi %sign3A_434, %sign3A_437 : i32
      %ne3A_439 = arith.cmpi ne, %sign3A_431, %sign3A_438 : i32
      %rem3A_440 = arith.remsi %add3A_319, %jit3A_423 : i32
      %ne3A_441 = arith.constant 0 : i32
      %ne3A_442 = arith.cmpi ne, %rem3A_440, %ne3A_441 : i32
      %and3A_443 = arith.andi %ne3A_439, %ne3A_442 : i1
      %sub3A_444 = arith.constant 1 : i32
      %sub3A_445 = arith.subi %div3A_424, %sub3A_444 : i32
      %select_n3A_446 = arith.select %and3A_443, %sub3A_445, %div3A_424 : i32
      %jit3A_447 = arith.constant 4 : i32
      %eq3A_448 = arith.constant 0 : i32
      %eq3A_449 = arith.cmpi eq, %jit3A_447, %eq3A_448 : i32
      %jit3A_450 = arith.constant 1 : i32
      %select_n3A_451 = arith.select %eq3A_449, %jit3A_450, %jit3A_447 : i32
      %rem3A_452 = arith.remsi %add3A_319, %select_n3A_451 : i32
      %ne3A_453 = arith.constant 0 : i32
      %ne3A_454 = arith.cmpi ne, %rem3A_452, %ne3A_453 : i32
      %lt3A_455 = arith.constant 0 : i32
      %lt3A_456 = arith.cmpi slt, %rem3A_452, %lt3A_455 : i32
      %lt3A_457 = arith.constant 0 : i32
      %lt3A_458 = arith.cmpi slt, %select_n3A_451, %lt3A_457 : i32
      %ne3A_459 = arith.xori %lt3A_456, %lt3A_458 : i1
      %and3A_460 = arith.andi %ne3A_459, %ne3A_454 : i1
      %add3A_461 = arith.addi %rem3A_452, %select_n3A_451 : i32
      %select_n3A_462 = arith.select %and3A_460, %add3A_461, %rem3A_452 : i32
      %mul3A_463 = arith.constant 32 : i32
      %mul3A_464 = arith.muli %select_n3A_462, %mul3A_463 : i32
      %dma_start3A_465 = arith.constant 0 : i32
      %dma_start3A_466 = tpu.memref_slice %arg4[%select_n3A_446, %select_n3A, %mul3A_464, %select_n3A_30, %dma_start3A_465] : memref<200x4x128x8x128xf32, #tpu.memory_space<hbm>> -> memref<1x1x32x1x128xf32, #tpu.memory_space<hbm>>
      %dma_start3A_467 = tpu.memref_squeeze %dma_start3A_466 : memref<1x1x32x1x128xf32, #tpu.memory_space<hbm>> -> memref<32x128xf32, #tpu.memory_space<hbm>>
      %dma_start3A_468 = arith.constant 0 : i32
      %dma_start3A_469 = tpu.memref_slice %arg4[%select_n3A_446, %select_n3A, %mul3A_464, %select_n3A_30, %dma_start3A_468] : memref<200x4x128x8x128xf32, #tpu.memory_space<hbm>> -> memref<1x1x32x1x128xf32, #tpu.memory_space<hbm>>
      %dma_start3A_470 = tpu.memref_squeeze %dma_start3A_469 : memref<1x1x32x1x128xf32, #tpu.memory_space<hbm>> -> memref<32x128xf32, #tpu.memory_space<hbm>>
      tpu.enqueue_dma source(%arg10 : memref<32x128xf32, #tpu.memory_space<vmem>>) target(%dma_start3A_470 : memref<32x128xf32, #tpu.memory_space<hbm>>) target_semaphore(%arg17 : memref<!tpu.dma_semaphore, #tpu.memory_space<semaphore_mem>>)
      %add3A_471 = arith.constant 2 : i32
      %add3A_472 = arith.addi %add3A_167, %add3A_471 : i32
      %jit3A_473 = arith.constant 4 : i32
      %div3A_474 = arith.divsi %add3A_472, %jit3A_473 : i32
      %sign3A_475 = arith.constant 0 : i32
      %sign3A_476 = arith.cmpi sgt, %add3A_472, %sign3A_475 : i32
      %sign3A_477 = arith.extui %sign3A_476 : i1 to i32
      %sign3A_478 = arith.constant 0 : i32
      %sign3A_479 = arith.cmpi slt, %add3A_472, %sign3A_478 : i32
      %sign3A_480 = arith.extui %sign3A_479 : i1 to i32
      %sign3A_481 = arith.subi %sign3A_477, %sign3A_480 : i32
      %sign3A_482 = arith.constant 0 : i32
      %sign3A_483 = arith.cmpi sgt, %jit3A_473, %sign3A_482 : i32
      %sign3A_484 = arith.extui %sign3A_483 : i1 to i32
      %sign3A_485 = arith.constant 0 : i32
      %sign3A_486 = arith.cmpi slt, %jit3A_473, %sign3A_485 : i32
      %sign3A_487 = arith.extui %sign3A_486 : i1 to i32
      %sign3A_488 = arith.subi %sign3A_484, %sign3A_487 : i32
      %ne3A_489 = arith.cmpi ne, %sign3A_481, %sign3A_488 : i32
      %rem3A_490 = arith.remsi %add3A_472, %jit3A_473 : i32
      %ne3A_491 = arith.constant 0 : i32
      %ne3A_492 = arith.cmpi ne, %rem3A_490, %ne3A_491 : i32
      %and3A_493 = arith.andi %ne3A_489, %ne3A_492 : i1
      %sub3A_494 = arith.constant 1 : i32
      %sub3A_495 = arith.subi %div3A_474, %sub3A_494 : i32
      %select_n3A_496 = arith.select %and3A_493, %sub3A_495, %div3A_474 : i32
      %jit3A_497 = arith.constant 4 : i32
      %eq3A_498 = arith.constant 0 : i32
      %eq3A_499 = arith.cmpi eq, %jit3A_497, %eq3A_498 : i32
      %jit3A_500 = arith.constant 1 : i32
      %select_n3A_501 = arith.select %eq3A_499, %jit3A_500, %jit3A_497 : i32
      %rem3A_502 = arith.remsi %add3A_472, %select_n3A_501 : i32
      %ne3A_503 = arith.constant 0 : i32
      %ne3A_504 = arith.cmpi ne, %rem3A_502, %ne3A_503 : i32
      %lt3A_505 = arith.constant 0 : i32
      %lt3A_506 = arith.cmpi slt, %rem3A_502, %lt3A_505 : i32
      %lt3A_507 = arith.constant 0 : i32
      %lt3A_508 = arith.cmpi slt, %select_n3A_501, %lt3A_507 : i32
      %ne3A_509 = arith.xori %lt3A_506, %lt3A_508 : i1
      %and3A_510 = arith.andi %ne3A_509, %ne3A_504 : i1
      %add3A_511 = arith.addi %rem3A_502, %select_n3A_501 : i32
      %select_n3A_512 = arith.select %and3A_510, %add3A_511, %rem3A_502 : i32
      %jit3A_513 = arith.constant 8 : i32
      %div3A_514 = arith.divsi %select_n3A_496, %jit3A_513 : i32
      %sign3A_515 = arith.constant 0 : i32
      %sign3A_516 = arith.cmpi sgt, %select_n3A_496, %sign3A_515 : i32
      %sign3A_517 = arith.extui %sign3A_516 : i1 to i32
      %sign3A_518 = arith.constant 0 : i32
      %sign3A_519 = arith.cmpi slt, %select_n3A_496, %sign3A_518 : i32
      %sign3A_520 = arith.extui %sign3A_519 : i1 to i32
      %sign3A_521 = arith.subi %sign3A_517, %sign3A_520 : i32
      %sign3A_522 = arith.constant 0 : i32
      %sign3A_523 = arith.cmpi sgt, %jit3A_513, %sign3A_522 : i32
      %sign3A_524 = arith.extui %sign3A_523 : i1 to i32
      %sign3A_525 = arith.constant 0 : i32
      %sign3A_526 = arith.cmpi slt, %jit3A_513, %sign3A_525 : i32
      %sign3A_527 = arith.extui %sign3A_526 : i1 to i32
      %sign3A_528 = arith.subi %sign3A_524, %sign3A_527 : i32
      %ne3A_529 = arith.cmpi ne, %sign3A_521, %sign3A_528 : i32
      %rem3A_530 = arith.remsi %select_n3A_496, %jit3A_513 : i32
      %ne3A_531 = arith.constant 0 : i32
      %ne3A_532 = arith.cmpi ne, %rem3A_530, %ne3A_531 : i32
      %and3A_533 = arith.andi %ne3A_529, %ne3A_532 : i1
      %sub3A_534 = arith.constant 1 : i32
      %sub3A_535 = arith.subi %div3A_514, %sub3A_534 : i32
      %select_n3A_536 = arith.select %and3A_533, %sub3A_535, %div3A_514 : i32
      %mul3A_537 = arith.constant 32 : i32
      %mul3A_538 = arith.muli %select_n3A_512, %mul3A_537 : i32
      %jit3A_539 = arith.constant 8 : i32
      %eq3A_540 = arith.constant 0 : i32
      %eq3A_541 = arith.cmpi eq, %jit3A_539, %eq3A_540 : i32
      %jit3A_542 = arith.constant 1 : i32
      %select_n3A_543 = arith.select %eq3A_541, %jit3A_542, %jit3A_539 : i32
      %rem3A_544 = arith.remsi %select_n3A_496, %select_n3A_543 : i32
      %ne3A_545 = arith.constant 0 : i32
      %ne3A_546 = arith.cmpi ne, %rem3A_544, %ne3A_545 : i32
      %lt3A_547 = arith.constant 0 : i32
      %lt3A_548 = arith.cmpi slt, %rem3A_544, %lt3A_547 : i32
      %lt3A_549 = arith.constant 0 : i32
      %lt3A_550 = arith.cmpi slt, %select_n3A_543, %lt3A_549 : i32
      %ne3A_551 = arith.xori %lt3A_548, %lt3A_550 : i1
      %and3A_552 = arith.andi %ne3A_551, %ne3A_546 : i1
      %add3A_553 = arith.addi %rem3A_544, %select_n3A_543 : i32
      %select_n3A_554 = arith.select %and3A_552, %add3A_553, %rem3A_544 : i32
      %dma_wait3A_555 = arith.constant 0 : i32
      %dma_wait3A_556 = tpu.memref_slice %arg3[%select_n3A_536, %mul3A_538, %select_n3A_554, %dma_wait3A_555] : memref<25x128x8x128xi32, #tpu.memory_space<hbm>> -> memref<1x32x1x128xi32, #tpu.memory_space<hbm>>
      %dma_wait3A_557 = tpu.memref_squeeze %dma_wait3A_556 : memref<1x32x1x128xi32, #tpu.memory_space<hbm>> -> memref<32x128xi32, #tpu.memory_space<hbm>>
      %dma_wait3A_558 = arith.constant 0 : i32
      %dma_wait3A_559 = tpu.memref_slice %arg3[%select_n3A_536, %mul3A_538, %select_n3A_554, %dma_wait3A_558] : memref<25x128x8x128xi32, #tpu.memory_space<hbm>> -> memref<1x32x1x128xi32, #tpu.memory_space<hbm>>
      %dma_wait3A_560 = tpu.memref_squeeze %dma_wait3A_559 : memref<1x32x1x128xi32, #tpu.memory_space<hbm>> -> memref<32x128xi32, #tpu.memory_space<hbm>>
      tpu.wait_dma2 semaphore(%arg15 : memref<!tpu.dma_semaphore, #tpu.memory_space<semaphore_mem>>) src(%dma_wait3A_560 : memref<32x128xi32, #tpu.memory_space<hbm>>) dst(%arg8 : memref<32x128xi32, #tpu.memory_space<vmem>>)
      %ge3A_561 = arith.constant 3 : i32
      %ge3A_562 = arith.cmpi sge, %add3A_472, %ge3A_561 : i32
      %convert_element_type3A_563 = arith.extui %ge3A_562 : i1 to i32
      %cond3A_564 = arith.constant 0 : i32
      %cond3A_565 = arith.cmpi ne, %convert_element_type3A_563, %cond3A_564 : i32
      scf.if %cond3A_565 {
        %sub3A_624 = arith.constant 3 : i32
        %sub3A_625 = arith.subi %add3A_472, %sub3A_624 : i32
        %jit3A_626 = arith.constant 4 : i32
        %div3A_627 = arith.divsi %sub3A_625, %jit3A_626 : i32
        %sign3A_628 = arith.constant 0 : i32
        %sign3A_629 = arith.cmpi sgt, %sub3A_625, %sign3A_628 : i32
        %sign3A_630 = arith.extui %sign3A_629 : i1 to i32
        %sign3A_631 = arith.constant 0 : i32
        %sign3A_632 = arith.cmpi slt, %sub3A_625, %sign3A_631 : i32
        %sign3A_633 = arith.extui %sign3A_632 : i1 to i32
        %sign3A_634 = arith.subi %sign3A_630, %sign3A_633 : i32
        %sign3A_635 = arith.constant 0 : i32
        %sign3A_636 = arith.cmpi sgt, %jit3A_626, %sign3A_635 : i32
        %sign3A_637 = arith.extui %sign3A_636 : i1 to i32
        %sign3A_638 = arith.constant 0 : i32
        %sign3A_639 = arith.cmpi slt, %jit3A_626, %sign3A_638 : i32
        %sign3A_640 = arith.extui %sign3A_639 : i1 to i32
        %sign3A_641 = arith.subi %sign3A_637, %sign3A_640 : i32
        %ne3A_642 = arith.cmpi ne, %sign3A_634, %sign3A_641 : i32
        %rem3A_643 = arith.remsi %sub3A_625, %jit3A_626 : i32
        %ne3A_644 = arith.constant 0 : i32
        %ne3A_645 = arith.cmpi ne, %rem3A_643, %ne3A_644 : i32
        %and3A_646 = arith.andi %ne3A_642, %ne3A_645 : i1
        %sub3A_647 = arith.constant 1 : i32
        %sub3A_648 = arith.subi %div3A_627, %sub3A_647 : i32
        %select_n3A_649 = arith.select %and3A_646, %sub3A_648, %div3A_627 : i32
        %jit3A_650 = arith.constant 4 : i32
        %eq3A_651 = arith.constant 0 : i32
        %eq3A_652 = arith.cmpi eq, %jit3A_650, %eq3A_651 : i32
        %jit3A_653 = arith.constant 1 : i32
        %select_n3A_654 = arith.select %eq3A_652, %jit3A_653, %jit3A_650 : i32
        %rem3A_655 = arith.remsi %sub3A_625, %select_n3A_654 : i32
        %ne3A_656 = arith.constant 0 : i32
        %ne3A_657 = arith.cmpi ne, %rem3A_655, %ne3A_656 : i32
        %lt3A_658 = arith.constant 0 : i32
        %lt3A_659 = arith.cmpi slt, %rem3A_655, %lt3A_658 : i32
        %lt3A_660 = arith.constant 0 : i32
        %lt3A_661 = arith.cmpi slt, %select_n3A_654, %lt3A_660 : i32
        %ne3A_662 = arith.xori %lt3A_659, %lt3A_661 : i1
        %and3A_663 = arith.andi %ne3A_662, %ne3A_657 : i1
        %add3A_664 = arith.addi %rem3A_655, %select_n3A_654 : i32
        %select_n3A_665 = arith.select %and3A_663, %add3A_664, %rem3A_655 : i32
        %mul3A_666 = arith.constant 32 : i32
        %mul3A_667 = arith.muli %select_n3A_665, %mul3A_666 : i32
        %dma_wait3A_668 = arith.constant 0 : i32
        %dma_wait3A_669 = tpu.memref_slice %arg4[%select_n3A_649, %select_n3A, %mul3A_667, %select_n3A_30, %dma_wait3A_668] : memref<200x4x128x8x128xf32, #tpu.memory_space<hbm>> -> memref<1x1x32x1x128xf32, #tpu.memory_space<hbm>>
        %dma_wait3A_670 = tpu.memref_squeeze %dma_wait3A_669 : memref<1x1x32x1x128xf32, #tpu.memory_space<hbm>> -> memref<32x128xf32, #tpu.memory_space<hbm>>
        %dma_wait3A_671 = arith.constant 0 : i32
        %dma_wait3A_672 = tpu.memref_slice %arg4[%select_n3A_649, %select_n3A, %mul3A_667, %select_n3A_30, %dma_wait3A_671] : memref<200x4x128x8x128xf32, #tpu.memory_space<hbm>> -> memref<1x1x32x1x128xf32, #tpu.memory_space<hbm>>
        %dma_wait3A_673 = tpu.memref_squeeze %dma_wait3A_672 : memref<1x1x32x1x128xf32, #tpu.memory_space<hbm>> -> memref<32x128xf32, #tpu.memory_space<hbm>>
        tpu.wait_dma2 semaphore(%arg18 : memref<!tpu.dma_semaphore, #tpu.memory_space<semaphore_mem>>) src(%arg11 : memref<32x128xf32, #tpu.memory_space<vmem>>) dst(%dma_wait3A_673 : memref<32x128xf32, #tpu.memory_space<hbm>>)
      } else {
      }
      %parallel_loop3A_566 = arith.constant 0 : i32
      %parallel_loop3A_567 = arith.constant 32 : i32
      %parallel_loop3A_568 = arith.constant 1 : i32
      scf.for %parallel_loop3A_624 = %parallel_loop3A_566 to %parallel_loop3A_567 step %parallel_loop3A_568  : i32 {
        %parallel_loop3A_625 = arith.index_cast %parallel_loop3A_624 : i32 to index
        %parallel_loop3A_626 = arith.constant 0 : index
        %parallel_loop3A_627 = tpu.vector_load %arg8[%parallel_loop3A_625, %parallel_loop3A_626] {strides = array<i32>} : memref<32x128xi32, #tpu.memory_space<vmem>>, vector<16xi32>,
        %parallel_loop3A_628 = tpu.vector_load_idx %arg5[%parallel_loop3A_627] : memref<100096xf32, #tpu.memory_space<vmem>>[vector<16xi32>], vector<16xf32>,
        %parallel_loop3A_629 = arith.index_cast %parallel_loop3A_624 : i32 to index
        %parallel_loop3A_630 = arith.constant 0 : index
        %parallel_loop3A_631 = tpu.vector_load %arg11[%parallel_loop3A_629, %parallel_loop3A_630] {strides = array<i32>} : memref<32x128xf32, #tpu.memory_space<vmem>>, vector<16xf32>,
        tpu.vector_store %arg11[%parallel_loop3A_629, %parallel_loop3A_630], %parallel_loop3A_628 {strides = array<i32>} : memref<32x128xf32, #tpu.memory_space<vmem>>, vector<16xf32>,
        %parallel_loop3A_632 = arith.index_cast %parallel_loop3A_624 : i32 to index
        %parallel_loop3A_633 = arith.constant 16 : index
        %parallel_loop3A_634 = tpu.vector_load %arg8[%parallel_loop3A_632, %parallel_loop3A_633] {strides = array<i32>} : memref<32x128xi32, #tpu.memory_space<vmem>>, vector<16xi32>,
        %parallel_loop3A_635 = tpu.vector_load_idx %arg5[%parallel_loop3A_634] : memref<100096xf32, #tpu.memory_space<vmem>>[vector<16xi32>], vector<16xf32>,
        %parallel_loop3A_636 = arith.index_cast %parallel_loop3A_624 : i32 to index
        %parallel_loop3A_637 = arith.constant 16 : index
        %parallel_loop3A_638 = tpu.vector_load %arg11[%parallel_loop3A_636, %parallel_loop3A_637] {strides = array<i32>} : memref<32x128xf32, #tpu.memory_space<vmem>>, vector<16xf32>,
        tpu.vector_store %arg11[%parallel_loop3A_636, %parallel_loop3A_637], %parallel_loop3A_635 {strides = array<i32>} : memref<32x128xf32, #tpu.memory_space<vmem>>, vector<16xf32>,
        %parallel_loop3A_639 = arith.index_cast %parallel_loop3A_624 : i32 to index
        %parallel_loop3A_640 = arith.constant 32 : index
        %parallel_loop3A_641 = tpu.vector_load %arg8[%parallel_loop3A_639, %parallel_loop3A_640] {strides = array<i32>} : memref<32x128xi32, #tpu.memory_space<vmem>>, vector<16xi32>,
        %parallel_loop3A_642 = tpu.vector_load_idx %arg5[%parallel_loop3A_641] : memref<100096xf32, #tpu.memory_space<vmem>>[vector<16xi32>], vector<16xf32>,
        %parallel_loop3A_643 = arith.index_cast %parallel_loop3A_624 : i32 to index
        %parallel_loop3A_644 = arith.constant 32 : index
        %parallel_loop3A_645 = tpu.vector_load %arg11[%parallel_loop3A_643, %parallel_loop3A_644] {strides = array<i32>} : memref<32x128xf32, #tpu.memory_space<vmem>>, vector<16xf32>,
        tpu.vector_store %arg11[%parallel_loop3A_643, %parallel_loop3A_644], %parallel_loop3A_642 {strides = array<i32>} : memref<32x128xf32, #tpu.memory_space<vmem>>, vector<16xf32>,
        %parallel_loop3A_646 = arith.index_cast %parallel_loop3A_624 : i32 to index
        %parallel_loop3A_647 = arith.constant 48 : index
        %parallel_loop3A_648 = tpu.vector_load %arg8[%parallel_loop3A_646, %parallel_loop3A_647] {strides = array<i32>} : memref<32x128xi32, #tpu.memory_space<vmem>>, vector<16xi32>,
        %parallel_loop3A_649 = tpu.vector_load_idx %arg5[%parallel_loop3A_648] : memref<100096xf32, #tpu.memory_space<vmem>>[vector<16xi32>], vector<16xf32>,
        %parallel_loop3A_650 = arith.index_cast %parallel_loop3A_624 : i32 to index
        %parallel_loop3A_651 = arith.constant 48 : index
        %parallel_loop3A_652 = tpu.vector_load %arg11[%parallel_loop3A_650, %parallel_loop3A_651] {strides = array<i32>} : memref<32x128xf32, #tpu.memory_space<vmem>>, vector<16xf32>,
        tpu.vector_store %arg11[%parallel_loop3A_650, %parallel_loop3A_651], %parallel_loop3A_649 {strides = array<i32>} : memref<32x128xf32, #tpu.memory_space<vmem>>, vector<16xf32>,
        %parallel_loop3A_653 = arith.index_cast %parallel_loop3A_624 : i32 to index
        %parallel_loop3A_654 = arith.constant 64 : index
        %parallel_loop3A_655 = tpu.vector_load %arg8[%parallel_loop3A_653, %parallel_loop3A_654] {strides = array<i32>} : memref<32x128xi32, #tpu.memory_space<vmem>>, vector<16xi32>,
        %parallel_loop3A_656 = tpu.vector_load_idx %arg5[%parallel_loop3A_655] : memref<100096xf32, #tpu.memory_space<vmem>>[vector<16xi32>], vector<16xf32>,
        %parallel_loop3A_657 = arith.index_cast %parallel_loop3A_624 : i32 to index
        %parallel_loop3A_658 = arith.constant 64 : index
        %parallel_loop3A_659 = tpu.vector_load %arg11[%parallel_loop3A_657, %parallel_loop3A_658] {strides = array<i32>} : memref<32x128xf32, #tpu.memory_space<vmem>>, vector<16xf32>,
        tpu.vector_store %arg11[%parallel_loop3A_657, %parallel_loop3A_658], %parallel_loop3A_656 {strides = array<i32>} : memref<32x128xf32, #tpu.memory_space<vmem>>, vector<16xf32>,
        %parallel_loop3A_660 = arith.index_cast %parallel_loop3A_624 : i32 to index
        %parallel_loop3A_661 = arith.constant 80 : index
        %parallel_loop3A_662 = tpu.vector_load %arg8[%parallel_loop3A_660, %parallel_loop3A_661] {strides = array<i32>} : memref<32x128xi32, #tpu.memory_space<vmem>>, vector<16xi32>,
        %parallel_loop3A_663 = tpu.vector_load_idx %arg5[%parallel_loop3A_662] : memref<100096xf32, #tpu.memory_space<vmem>>[vector<16xi32>], vector<16xf32>,
        %parallel_loop3A_664 = arith.index_cast %parallel_loop3A_624 : i32 to index
        %parallel_loop3A_665 = arith.constant 80 : index
        %parallel_loop3A_666 = tpu.vector_load %arg11[%parallel_loop3A_664, %parallel_loop3A_665] {strides = array<i32>} : memref<32x128xf32, #tpu.memory_space<vmem>>, vector<16xf32>,
        tpu.vector_store %arg11[%parallel_loop3A_664, %parallel_loop3A_665], %parallel_loop3A_663 {strides = array<i32>} : memref<32x128xf32, #tpu.memory_space<vmem>>, vector<16xf32>,
        %parallel_loop3A_667 = arith.index_cast %parallel_loop3A_624 : i32 to index
        %parallel_loop3A_668 = arith.constant 96 : index
        %parallel_loop3A_669 = tpu.vector_load %arg8[%parallel_loop3A_667, %parallel_loop3A_668] {strides = array<i32>} : memref<32x128xi32, #tpu.memory_space<vmem>>, vector<16xi32>,
        %parallel_loop3A_670 = tpu.vector_load_idx %arg5[%parallel_loop3A_669] : memref<100096xf32, #tpu.memory_space<vmem>>[vector<16xi32>], vector<16xf32>,
        %parallel_loop3A_671 = arith.index_cast %parallel_loop3A_624 : i32 to index
        %parallel_loop3A_672 = arith.constant 96 : index
        %parallel_loop3A_673 = tpu.vector_load %arg11[%parallel_loop3A_671, %parallel_loop3A_672] {strides = array<i32>} : memref<32x128xf32, #tpu.memory_space<vmem>>, vector<16xf32>,
        tpu.vector_store %arg11[%parallel_loop3A_671, %parallel_loop3A_672], %parallel_loop3A_670 {strides = array<i32>} : memref<32x128xf32, #tpu.memory_space<vmem>>, vector<16xf32>,
        %parallel_loop3A_674 = arith.index_cast %parallel_loop3A_624 : i32 to index
        %parallel_loop3A_675 = arith.constant 112 : index
        %parallel_loop3A_676 = tpu.vector_load %arg8[%parallel_loop3A_674, %parallel_loop3A_675] {strides = array<i32>} : memref<32x128xi32, #tpu.memory_space<vmem>>, vector<16xi32>,
        %parallel_loop3A_677 = tpu.vector_load_idx %arg5[%parallel_loop3A_676] : memref<100096xf32, #tpu.memory_space<vmem>>[vector<16xi32>], vector<16xf32>,
        %parallel_loop3A_678 = arith.index_cast %parallel_loop3A_624 : i32 to index
        %parallel_loop3A_679 = arith.constant 112 : index
        %parallel_loop3A_680 = tpu.vector_load %arg11[%parallel_loop3A_678, %parallel_loop3A_679] {strides = array<i32>} : memref<32x128xf32, #tpu.memory_space<vmem>>, vector<16xf32>,
        tpu.vector_store %arg11[%parallel_loop3A_678, %parallel_loop3A_679], %parallel_loop3A_677 {strides = array<i32>} : memref<32x128xf32, #tpu.memory_space<vmem>>, vector<16xf32>,
      } {sc.loop_unroll_factor = 8 : i64, sc.parallel_access}
      %add3A_569 = arith.constant 3 : i32
      %add3A_570 = arith.addi %add3A_472, %add3A_569 : i32
      %lt3A_571 = arith.constant 800 : i32
      %lt3A_572 = arith.cmpi slt, %add3A_570, %lt3A_571 : i32
      %convert_element_type3A_573 = arith.extui %lt3A_572 : i1 to i32
      %cond3A_574 = arith.constant 0 : i32
      %cond3A_575 = arith.cmpi ne, %convert_element_type3A_573, %cond3A_574 : i32
      scf.if %cond3A_575 {
        %add3A_624 = arith.constant 3 : i32
        %add3A_625 = arith.addi %add3A_472, %add3A_624 : i32
        %jit3A_626 = arith.constant 4 : i32
        %div3A_627 = arith.divsi %add3A_625, %jit3A_626 : i32
        %sign3A_628 = arith.constant 0 : i32
        %sign3A_629 = arith.cmpi sgt, %add3A_625, %sign3A_628 : i32
        %sign3A_630 = arith.extui %sign3A_629 : i1 to i32
        %sign3A_631 = arith.constant 0 : i32
        %sign3A_632 = arith.cmpi slt, %add3A_625, %sign3A_631 : i32
        %sign3A_633 = arith.extui %sign3A_632 : i1 to i32
        %sign3A_634 = arith.subi %sign3A_630, %sign3A_633 : i32
        %sign3A_635 = arith.constant 0 : i32
        %sign3A_636 = arith.cmpi sgt, %jit3A_626, %sign3A_635 : i32
        %sign3A_637 = arith.extui %sign3A_636 : i1 to i32
        %sign3A_638 = arith.constant 0 : i32
        %sign3A_639 = arith.cmpi slt, %jit3A_626, %sign3A_638 : i32
        %sign3A_640 = arith.extui %sign3A_639 : i1 to i32
        %sign3A_641 = arith.subi %sign3A_637, %sign3A_640 : i32
        %ne3A_642 = arith.cmpi ne, %sign3A_634, %sign3A_641 : i32
        %rem3A_643 = arith.remsi %add3A_625, %jit3A_626 : i32
        %ne3A_644 = arith.constant 0 : i32
        %ne3A_645 = arith.cmpi ne, %rem3A_643, %ne3A_644 : i32
        %and3A_646 = arith.andi %ne3A_642, %ne3A_645 : i1
        %sub3A_647 = arith.constant 1 : i32
        %sub3A_648 = arith.subi %div3A_627, %sub3A_647 : i32
        %select_n3A_649 = arith.select %and3A_646, %sub3A_648, %div3A_627 : i32
        %jit3A_650 = arith.constant 4 : i32
        %eq3A_651 = arith.constant 0 : i32
        %eq3A_652 = arith.cmpi eq, %jit3A_650, %eq3A_651 : i32
        %jit3A_653 = arith.constant 1 : i32
        %select_n3A_654 = arith.select %eq3A_652, %jit3A_653, %jit3A_650 : i32
        %rem3A_655 = arith.remsi %add3A_625, %select_n3A_654 : i32
        %ne3A_656 = arith.constant 0 : i32
        %ne3A_657 = arith.cmpi ne, %rem3A_655, %ne3A_656 : i32
        %lt3A_658 = arith.constant 0 : i32
        %lt3A_659 = arith.cmpi slt, %rem3A_655, %lt3A_658 : i32
        %lt3A_660 = arith.constant 0 : i32
        %lt3A_661 = arith.cmpi slt, %select_n3A_654, %lt3A_660 : i32
        %ne3A_662 = arith.xori %lt3A_659, %lt3A_661 : i1
        %and3A_663 = arith.andi %ne3A_662, %ne3A_657 : i1
        %add3A_664 = arith.addi %rem3A_655, %select_n3A_654 : i32
        %select_n3A_665 = arith.select %and3A_663, %add3A_664, %rem3A_655 : i32
        %jit3A_666 = arith.constant 8 : i32
        %div3A_667 = arith.divsi %select_n3A_649, %jit3A_666 : i32
        %sign3A_668 = arith.constant 0 : i32
        %sign3A_669 = arith.cmpi sgt, %select_n3A_649, %sign3A_668 : i32
        %sign3A_670 = arith.extui %sign3A_669 : i1 to i32
        %sign3A_671 = arith.constant 0 : i32
        %sign3A_672 = arith.cmpi slt, %select_n3A_649, %sign3A_671 : i32
        %sign3A_673 = arith.extui %sign3A_672 : i1 to i32
        %sign3A_674 = arith.subi %sign3A_670, %sign3A_673 : i32
        %sign3A_675 = arith.constant 0 : i32
        %sign3A_676 = arith.cmpi sgt, %jit3A_666, %sign3A_675 : i32
        %sign3A_677 = arith.extui %sign3A_676 : i1 to i32
        %sign3A_678 = arith.constant 0 : i32
        %sign3A_679 = arith.cmpi slt, %jit3A_666, %sign3A_678 : i32
        %sign3A_680 = arith.extui %sign3A_679 : i1 to i32
        %sign3A_681 = arith.subi %sign3A_677, %sign3A_680 : i32
        %ne3A_682 = arith.cmpi ne, %sign3A_674, %sign3A_681 : i32
        %rem3A_683 = arith.remsi %select_n3A_649, %jit3A_666 : i32
        %ne3A_684 = arith.constant 0 : i32
        %ne3A_685 = arith.cmpi ne, %rem3A_683, %ne3A_684 : i32
        %and3A_686 = arith.andi %ne3A_682, %ne3A_685 : i1
        %sub3A_687 = arith.constant 1 : i32
        %sub3A_688 = arith.subi %div3A_667, %sub3A_687 : i32
        %select_n3A_689 = arith.select %and3A_686, %sub3A_688, %div3A_667 : i32
        %mul3A_690 = arith.constant 32 : i32
        %mul3A_691 = arith.muli %select_n3A_665, %mul3A_690 : i32
        %jit3A_692 = arith.constant 8 : i32
        %eq3A_693 = arith.constant 0 : i32
        %eq3A_694 = arith.cmpi eq, %jit3A_692, %eq3A_693 : i32
        %jit3A_695 = arith.constant 1 : i32
        %select_n3A_696 = arith.select %eq3A_694, %jit3A_695, %jit3A_692 : i32
        %rem3A_697 = arith.remsi %select_n3A_649, %select_n3A_696 : i32
        %ne3A_698 = arith.constant 0 : i32
        %ne3A_699 = arith.cmpi ne, %rem3A_697, %ne3A_698 : i32
        %lt3A_700 = arith.constant 0 : i32
        %lt3A_701 = arith.cmpi slt, %rem3A_697, %lt3A_700 : i32
        %lt3A_702 = arith.constant 0 : i32
        %lt3A_703 = arith.cmpi slt, %select_n3A_696, %lt3A_702 : i32
        %ne3A_704 = arith.xori %lt3A_701, %lt3A_703 : i1
        %and3A_705 = arith.andi %ne3A_704, %ne3A_699 : i1
        %add3A_706 = arith.addi %rem3A_697, %select_n3A_696 : i32
        %select_n3A_707 = arith.select %and3A_705, %add3A_706, %rem3A_697 : i32
        %dma_start3A_708 = arith.constant 0 : i32
        %dma_start3A_709 = tpu.memref_slice %arg3[%select_n3A_689, %mul3A_691, %select_n3A_707, %dma_start3A_708] : memref<25x128x8x128xi32, #tpu.memory_space<hbm>> -> memref<1x32x1x128xi32, #tpu.memory_space<hbm>>
        %dma_start3A_710 = tpu.memref_squeeze %dma_start3A_709 : memref<1x32x1x128xi32, #tpu.memory_space<hbm>> -> memref<32x128xi32, #tpu.memory_space<hbm>>
        %dma_start3A_711 = arith.constant 0 : i32
        %dma_start3A_712 = tpu.memref_slice %arg3[%select_n3A_689, %mul3A_691, %select_n3A_707, %dma_start3A_711] : memref<25x128x8x128xi32, #tpu.memory_space<hbm>> -> memref<1x32x1x128xi32, #tpu.memory_space<hbm>>
        %dma_start3A_713 = tpu.memref_squeeze %dma_start3A_712 : memref<1x32x1x128xi32, #tpu.memory_space<hbm>> -> memref<32x128xi32, #tpu.memory_space<hbm>>
        tpu.enqueue_dma source(%dma_start3A_713 : memref<32x128xi32, #tpu.memory_space<hbm>>) target(%arg8 : memref<32x128xi32, #tpu.memory_space<vmem>>) target_semaphore(%arg15 : memref<!tpu.dma_semaphore, #tpu.memory_space<semaphore_mem>>)
      } else {
      }
      %jit3A_576 = arith.constant 4 : i32
      %div3A_577 = arith.divsi %add3A_472, %jit3A_576 : i32
      %sign3A_578 = arith.constant 0 : i32
      %sign3A_579 = arith.cmpi sgt, %add3A_472, %sign3A_578 : i32
      %sign3A_580 = arith.extui %sign3A_579 : i1 to i32
      %sign3A_581 = arith.constant 0 : i32
      %sign3A_582 = arith.cmpi slt, %add3A_472, %sign3A_581 : i32
      %sign3A_583 = arith.extui %sign3A_582 : i1 to i32
      %sign3A_584 = arith.subi %sign3A_580, %sign3A_583 : i32
      %sign3A_585 = arith.constant 0 : i32
      %sign3A_586 = arith.cmpi sgt, %jit3A_576, %sign3A_585 : i32
      %sign3A_587 = arith.extui %sign3A_586 : i1 to i32
      %sign3A_588 = arith.constant 0 : i32
      %sign3A_589 = arith.cmpi slt, %jit3A_576, %sign3A_588 : i32
      %sign3A_590 = arith.extui %sign3A_589 : i1 to i32
      %sign3A_591 = arith.subi %sign3A_587, %sign3A_590 : i32
      %ne3A_592 = arith.cmpi ne, %sign3A_584, %sign3A_591 : i32
      %rem3A_593 = arith.remsi %add3A_472, %jit3A_576 : i32
      %ne3A_594 = arith.constant 0 : i32
      %ne3A_595 = arith.cmpi ne, %rem3A_593, %ne3A_594 : i32
      %and3A_596 = arith.andi %ne3A_592, %ne3A_595 : i1
      %sub3A_597 = arith.constant 1 : i32
      %sub3A_598 = arith.subi %div3A_577, %sub3A_597 : i32
      %select_n3A_599 = arith.select %and3A_596, %sub3A_598, %div3A_577 : i32
      %jit3A_600 = arith.constant 4 : i32
      %eq3A_601 = arith.constant 0 : i32
      %eq3A_602 = arith.cmpi eq, %jit3A_600, %eq3A_601 : i32
      %jit3A_603 = arith.constant 1 : i32
      %select_n3A_604 = arith.select %eq3A_602, %jit3A_603, %jit3A_600 : i32
      %rem3A_605 = arith.remsi %add3A_472, %select_n3A_604 : i32
      %ne3A_606 = arith.constant 0 : i32
      %ne3A_607 = arith.cmpi ne, %rem3A_605, %ne3A_606 : i32
      %lt3A_608 = arith.constant 0 : i32
      %lt3A_609 = arith.cmpi slt, %rem3A_605, %lt3A_608 : i32
      %lt3A_610 = arith.constant 0 : i32
      %lt3A_611 = arith.cmpi slt, %select_n3A_604, %lt3A_610 : i32
      %ne3A_612 = arith.xori %lt3A_609, %lt3A_611 : i1
      %and3A_613 = arith.andi %ne3A_612, %ne3A_607 : i1
      %add3A_614 = arith.addi %rem3A_605, %select_n3A_604 : i32
      %select_n3A_615 = arith.select %and3A_613, %add3A_614, %rem3A_605 : i32
      %mul3A_616 = arith.constant 32 : i32
      %mul3A_617 = arith.muli %select_n3A_615, %mul3A_616 : i32
      %dma_start3A_618 = arith.constant 0 : i32
      %dma_start3A_619 = tpu.memref_slice %arg4[%select_n3A_599, %select_n3A, %mul3A_617, %select_n3A_30, %dma_start3A_618] : memref<200x4x128x8x128xf32, #tpu.memory_space<hbm>> -> memref<1x1x32x1x128xf32, #tpu.memory_space<hbm>>
      %dma_start3A_620 = tpu.memref_squeeze %dma_start3A_619 : memref<1x1x32x1x128xf32, #tpu.memory_space<hbm>> -> memref<32x128xf32, #tpu.memory_space<hbm>>
      %dma_start3A_621 = arith.constant 0 : i32
      %dma_start3A_622 = tpu.memref_slice %arg4[%select_n3A_599, %select_n3A, %mul3A_617, %select_n3A_30, %dma_start3A_621] : memref<200x4x128x8x128xf32, #tpu.memory_space<hbm>> -> memref<1x1x32x1x128xf32, #tpu.memory_space<hbm>>
      %dma_start3A_623 = tpu.memref_squeeze %dma_start3A_622 : memref<1x1x32x1x128xf32, #tpu.memory_space<hbm>> -> memref<32x128xf32, #tpu.memory_space<hbm>>
      tpu.enqueue_dma source(%arg11 : memref<32x128xf32, #tpu.memory_space<vmem>>) target(%dma_start3A_623 : memref<32x128xf32, #tpu.memory_space<hbm>>) target_semaphore(%arg18 : memref<!tpu.dma_semaphore, #tpu.memory_space<semaphore_mem>>)
    }
    %scan3A_74 = arith.constant 266 : i32
    %dma_wait3A_75 = arith.constant 24 : i32
    %dma_wait3A_76 = arith.constant 7 : i32
    %dma_wait3A_77 = arith.constant 64 : i32
    %dma_wait3A_78 = arith.constant 0 : i32
    %dma_wait3A_79 = tpu.memref_slice %arg3[%dma_wait3A_75, %dma_wait3A_77, %dma_wait3A_76, %dma_wait3A_78] : memref<25x128x8x128xi32, #tpu.memory_space<hbm>> -> memref<1x32x1x128xi32, #tpu.memory_space<hbm>>
    %dma_wait3A_80 = tpu.memref_squeeze %dma_wait3A_79 : memref<1x32x1x128xi32, #tpu.memory_space<hbm>> -> memref<32x128xi32, #tpu.memory_space<hbm>>
    %dma_wait3A_81 = arith.constant 64 : i32
    %dma_wait3A_82 = arith.constant 0 : i32
    %dma_wait3A_83 = tpu.memref_slice %arg3[%dma_wait3A_75, %dma_wait3A_81, %dma_wait3A_76, %dma_wait3A_82] : memref<25x128x8x128xi32, #tpu.memory_space<hbm>> -> memref<1x32x1x128xi32, #tpu.memory_space<hbm>>
    %dma_wait3A_84 = tpu.memref_squeeze %dma_wait3A_83 : memref<1x32x1x128xi32, #tpu.memory_space<hbm>> -> memref<32x128xi32, #tpu.memory_space<hbm>>
    tpu.wait_dma2 semaphore(%arg13 : memref<!tpu.dma_semaphore, #tpu.memory_space<semaphore_mem>>) src(%dma_wait3A_84 : memref<32x128xi32, #tpu.memory_space<hbm>>) dst(%arg6 : memref<32x128xi32, #tpu.memory_space<vmem>>)
    %dma_wait3A_85 = arith.constant 198 : i32
    %dma_wait3A_86 = arith.constant 96 : i32
    %dma_wait3A_87 = arith.constant 0 : i32
    %dma_wait3A_88 = tpu.memref_slice %arg4[%dma_wait3A_85, %select_n3A, %dma_wait3A_86, %select_n3A_30, %dma_wait3A_87] : memref<200x4x128x8x128xf32, #tpu.memory_space<hbm>> -> memref<1x1x32x1x128xf32, #tpu.memory_space<hbm>>
    %dma_wait3A_89 = tpu.memref_squeeze %dma_wait3A_88 : memref<1x1x32x1x128xf32, #tpu.memory_space<hbm>> -> memref<32x128xf32, #tpu.memory_space<hbm>>
    %dma_wait3A_90 = arith.constant 96 : i32
    %dma_wait3A_91 = arith.constant 0 : i32
    %dma_wait3A_92 = tpu.memref_slice %arg4[%dma_wait3A_85, %select_n3A, %dma_wait3A_90, %select_n3A_30, %dma_wait3A_91] : memref<200x4x128x8x128xf32, #tpu.memory_space<hbm>> -> memref<1x1x32x1x128xf32, #tpu.memory_space<hbm>>
    %dma_wait3A_93 = tpu.memref_squeeze %dma_wait3A_92 : memref<1x1x32x1x128xf32, #tpu.memory_space<hbm>> -> memref<32x128xf32, #tpu.memory_space<hbm>>
    tpu.wait_dma2 semaphore(%arg16 : memref<!tpu.dma_semaphore, #tpu.memory_space<semaphore_mem>>) src(%arg9 : memref<32x128xf32, #tpu.memory_space<vmem>>) dst(%dma_wait3A_93 : memref<32x128xf32, #tpu.memory_space<hbm>>)
    %parallel_loop3A = arith.constant 0 : i32
    %parallel_loop3A_94 = arith.constant 32 : i32
    %parallel_loop3A_95 = arith.constant 1 : i32
    scf.for %parallel_loop3A_163 = %parallel_loop3A to %parallel_loop3A_94 step %parallel_loop3A_95  : i32 {
      %parallel_loop3A_164 = arith.index_cast %parallel_loop3A_163 : i32 to index
      %parallel_loop3A_165 = arith.constant 0 : index
      %parallel_loop3A_166 = tpu.vector_load %arg6[%parallel_loop3A_164, %parallel_loop3A_165] {strides = array<i32>} : memref<32x128xi32, #tpu.memory_space<vmem>>, vector<16xi32>,
      %parallel_loop3A_167 = tpu.vector_load_idx %arg5[%parallel_loop3A_166] : memref<100096xf32, #tpu.memory_space<vmem>>[vector<16xi32>], vector<16xf32>,
      %parallel_loop3A_168 = arith.index_cast %parallel_loop3A_163 : i32 to index
      %parallel_loop3A_169 = arith.constant 0 : index
      %parallel_loop3A_170 = tpu.vector_load %arg9[%parallel_loop3A_168, %parallel_loop3A_169] {strides = array<i32>} : memref<32x128xf32, #tpu.memory_space<vmem>>, vector<16xf32>,
      tpu.vector_store %arg9[%parallel_loop3A_168, %parallel_loop3A_169], %parallel_loop3A_167 {strides = array<i32>} : memref<32x128xf32, #tpu.memory_space<vmem>>, vector<16xf32>,
      %parallel_loop3A_171 = arith.index_cast %parallel_loop3A_163 : i32 to index
      %parallel_loop3A_172 = arith.constant 16 : index
      %parallel_loop3A_173 = tpu.vector_load %arg6[%parallel_loop3A_171, %parallel_loop3A_172] {strides = array<i32>} : memref<32x128xi32, #tpu.memory_space<vmem>>, vector<16xi32>,
      %parallel_loop3A_174 = tpu.vector_load_idx %arg5[%parallel_loop3A_173] : memref<100096xf32, #tpu.memory_space<vmem>>[vector<16xi32>], vector<16xf32>,
      %parallel_loop3A_175 = arith.index_cast %parallel_loop3A_163 : i32 to index
      %parallel_loop3A_176 = arith.constant 16 : index
      %parallel_loop3A_177 = tpu.vector_load %arg9[%parallel_loop3A_175, %parallel_loop3A_176] {strides = array<i32>} : memref<32x128xf32, #tpu.memory_space<vmem>>, vector<16xf32>,
      tpu.vector_store %arg9[%parallel_loop3A_175, %parallel_loop3A_176], %parallel_loop3A_174 {strides = array<i32>} : memref<32x128xf32, #tpu.memory_space<vmem>>, vector<16xf32>,
      %parallel_loop3A_178 = arith.index_cast %parallel_loop3A_163 : i32 to index
      %parallel_loop3A_179 = arith.constant 32 : index
      %parallel_loop3A_180 = tpu.vector_load %arg6[%parallel_loop3A_178, %parallel_loop3A_179] {strides = array<i32>} : memref<32x128xi32, #tpu.memory_space<vmem>>, vector<16xi32>,
      %parallel_loop3A_181 = tpu.vector_load_idx %arg5[%parallel_loop3A_180] : memref<100096xf32, #tpu.memory_space<vmem>>[vector<16xi32>], vector<16xf32>,
      %parallel_loop3A_182 = arith.index_cast %parallel_loop3A_163 : i32 to index
      %parallel_loop3A_183 = arith.constant 32 : index
      %parallel_loop3A_184 = tpu.vector_load %arg9[%parallel_loop3A_182, %parallel_loop3A_183] {strides = array<i32>} : memref<32x128xf32, #tpu.memory_space<vmem>>, vector<16xf32>,
      tpu.vector_store %arg9[%parallel_loop3A_182, %parallel_loop3A_183], %parallel_loop3A_181 {strides = array<i32>} : memref<32x128xf32, #tpu.memory_space<vmem>>, vector<16xf32>,
      %parallel_loop3A_185 = arith.index_cast %parallel_loop3A_163 : i32 to index
      %parallel_loop3A_186 = arith.constant 48 : index
      %parallel_loop3A_187 = tpu.vector_load %arg6[%parallel_loop3A_185, %parallel_loop3A_186] {strides = array<i32>} : memref<32x128xi32, #tpu.memory_space<vmem>>, vector<16xi32>,
      %parallel_loop3A_188 = tpu.vector_load_idx %arg5[%parallel_loop3A_187] : memref<100096xf32, #tpu.memory_space<vmem>>[vector<16xi32>], vector<16xf32>,
      %parallel_loop3A_189 = arith.index_cast %parallel_loop3A_163 : i32 to index
      %parallel_loop3A_190 = arith.constant 48 : index
      %parallel_loop3A_191 = tpu.vector_load %arg9[%parallel_loop3A_189, %parallel_loop3A_190] {strides = array<i32>} : memref<32x128xf32, #tpu.memory_space<vmem>>, vector<16xf32>,
      tpu.vector_store %arg9[%parallel_loop3A_189, %parallel_loop3A_190], %parallel_loop3A_188 {strides = array<i32>} : memref<32x128xf32, #tpu.memory_space<vmem>>, vector<16xf32>,
      %parallel_loop3A_192 = arith.index_cast %parallel_loop3A_163 : i32 to index
      %parallel_loop3A_193 = arith.constant 64 : index
      %parallel_loop3A_194 = tpu.vector_load %arg6[%parallel_loop3A_192, %parallel_loop3A_193] {strides = array<i32>} : memref<32x128xi32, #tpu.memory_space<vmem>>, vector<16xi32>,
      %parallel_loop3A_195 = tpu.vector_load_idx %arg5[%parallel_loop3A_194] : memref<100096xf32, #tpu.memory_space<vmem>>[vector<16xi32>], vector<16xf32>,
      %parallel_loop3A_196 = arith.index_cast %parallel_loop3A_163 : i32 to index
      %parallel_loop3A_197 = arith.constant 64 : index
      %parallel_loop3A_198 = tpu.vector_load %arg9[%parallel_loop3A_196, %parallel_loop3A_197] {strides = array<i32>} : memref<32x128xf32, #tpu.memory_space<vmem>>, vector<16xf32>,
      tpu.vector_store %arg9[%parallel_loop3A_196, %parallel_loop3A_197], %parallel_loop3A_195 {strides = array<i32>} : memref<32x128xf32, #tpu.memory_space<vmem>>, vector<16xf32>,
      %parallel_loop3A_199 = arith.index_cast %parallel_loop3A_163 : i32 to index
      %parallel_loop3A_200 = arith.constant 80 : index
      %parallel_loop3A_201 = tpu.vector_load %arg6[%parallel_loop3A_199, %parallel_loop3A_200] {strides = array<i32>} : memref<32x128xi32, #tpu.memory_space<vmem>>, vector<16xi32>,
      %parallel_loop3A_202 = tpu.vector_load_idx %arg5[%parallel_loop3A_201] : memref<100096xf32, #tpu.memory_space<vmem>>[vector<16xi32>], vector<16xf32>,
      %parallel_loop3A_203 = arith.index_cast %parallel_loop3A_163 : i32 to index
      %parallel_loop3A_204 = arith.constant 80 : index
      %parallel_loop3A_205 = tpu.vector_load %arg9[%parallel_loop3A_203, %parallel_loop3A_204] {strides = array<i32>} : memref<32x128xf32, #tpu.memory_space<vmem>>, vector<16xf32>,
      tpu.vector_store %arg9[%parallel_loop3A_203, %parallel_loop3A_204], %parallel_loop3A_202 {strides = array<i32>} : memref<32x128xf32, #tpu.memory_space<vmem>>, vector<16xf32>,
      %parallel_loop3A_206 = arith.index_cast %parallel_loop3A_163 : i32 to index
      %parallel_loop3A_207 = arith.constant 96 : index
      %parallel_loop3A_208 = tpu.vector_load %arg6[%parallel_loop3A_206, %parallel_loop3A_207] {strides = array<i32>} : memref<32x128xi32, #tpu.memory_space<vmem>>, vector<16xi32>,
      %parallel_loop3A_209 = tpu.vector_load_idx %arg5[%parallel_loop3A_208] : memref<100096xf32, #tpu.memory_space<vmem>>[vector<16xi32>], vector<16xf32>,
      %parallel_loop3A_210 = arith.index_cast %parallel_loop3A_163 : i32 to index
      %parallel_loop3A_211 = arith.constant 96 : index
      %parallel_loop3A_212 = tpu.vector_load %arg9[%parallel_loop3A_210, %parallel_loop3A_211] {strides = array<i32>} : memref<32x128xf32, #tpu.memory_space<vmem>>, vector<16xf32>,
      tpu.vector_store %arg9[%parallel_loop3A_210, %parallel_loop3A_211], %parallel_loop3A_209 {strides = array<i32>} : memref<32x128xf32, #tpu.memory_space<vmem>>, vector<16xf32>,
      %parallel_loop3A_213 = arith.index_cast %parallel_loop3A_163 : i32 to index
      %parallel_loop3A_214 = arith.constant 112 : index
      %parallel_loop3A_215 = tpu.vector_load %arg6[%parallel_loop3A_213, %parallel_loop3A_214] {strides = array<i32>} : memref<32x128xi32, #tpu.memory_space<vmem>>, vector<16xi32>,
      %parallel_loop3A_216 = tpu.vector_load_idx %arg5[%parallel_loop3A_215] : memref<100096xf32, #tpu.memory_space<vmem>>[vector<16xi32>], vector<16xf32>,
      %parallel_loop3A_217 = arith.index_cast %parallel_loop3A_163 : i32 to index
      %parallel_loop3A_218 = arith.constant 112 : index
      %parallel_loop3A_219 = tpu.vector_load %arg9[%parallel_loop3A_217, %parallel_loop3A_218] {strides = array<i32>} : memref<32x128xf32, #tpu.memory_space<vmem>>, vector<16xf32>,
      tpu.vector_store %arg9[%parallel_loop3A_217, %parallel_loop3A_218], %parallel_loop3A_216 {strides = array<i32>} : memref<32x128xf32, #tpu.memory_space<vmem>>, vector<16xf32>,
    } {sc.loop_unroll_factor = 8 : i64, sc.parallel_access}
    %dma_start3A_96 = arith.constant 199 : i32
    %dma_start3A_97 = arith.constant 64 : i32
    %dma_start3A_98 = arith.constant 0 : i32
    %dma_start3A_99 = tpu.memref_slice %arg4[%dma_start3A_96, %select_n3A, %dma_start3A_97, %select_n3A_30, %dma_start3A_98] : memref<200x4x128x8x128xf32, #tpu.memory_space<hbm>> -> memref<1x1x32x1x128xf32, #tpu.memory_space<hbm>>
    %dma_start3A_100 = tpu.memref_squeeze %dma_start3A_99 : memref<1x1x32x1x128xf32, #tpu.memory_space<hbm>> -> memref<32x128xf32, #tpu.memory_space<hbm>>
    %dma_start3A_101 = arith.constant 64 : i32
    %dma_start3A_102 = arith.constant 0 : i32
    %dma_start3A_103 = tpu.memref_slice %arg4[%dma_start3A_96, %select_n3A, %dma_start3A_101, %select_n3A_30, %dma_start3A_102] : memref<200x4x128x8x128xf32, #tpu.memory_space<hbm>> -> memref<1x1x32x1x128xf32, #tpu.memory_space<hbm>>
    %dma_start3A_104 = tpu.memref_squeeze %dma_start3A_103 : memref<1x1x32x1x128xf32, #tpu.memory_space<hbm>> -> memref<32x128xf32, #tpu.memory_space<hbm>>
    tpu.enqueue_dma source(%arg9 : memref<32x128xf32, #tpu.memory_space<vmem>>) target(%dma_start3A_104 : memref<32x128xf32, #tpu.memory_space<hbm>>) target_semaphore(%arg16 : memref<!tpu.dma_semaphore, #tpu.memory_space<semaphore_mem>>)
    %dma_wait3A_105 = arith.constant 24 : i32
    %dma_wait3A_106 = arith.constant 7 : i32
    %dma_wait3A_107 = arith.constant 96 : i32
    %dma_wait3A_108 = arith.constant 0 : i32
    %dma_wait3A_109 = tpu.memref_slice %arg3[%dma_wait3A_105, %dma_wait3A_107, %dma_wait3A_106, %dma_wait3A_108] : memref<25x128x8x128xi32, #tpu.memory_space<hbm>> -> memref<1x32x1x128xi32, #tpu.memory_space<hbm>>
    %dma_wait3A_110 = tpu.memref_squeeze %dma_wait3A_109 : memref<1x32x1x128xi32, #tpu.memory_space<hbm>> -> memref<32x128xi32, #tpu.memory_space<hbm>>
    %dma_wait3A_111 = arith.constant 96 : i32
    %dma_wait3A_112 = arith.constant 0 : i32
    %dma_wait3A_113 = tpu.memref_slice %arg3[%dma_wait3A_105, %dma_wait3A_111, %dma_wait3A_106, %dma_wait3A_112] : memref<25x128x8x128xi32, #tpu.memory_space<hbm>> -> memref<1x32x1x128xi32, #tpu.memory_space<hbm>>
    %dma_wait3A_114 = tpu.memref_squeeze %dma_wait3A_113 : memref<1x32x1x128xi32, #tpu.memory_space<hbm>> -> memref<32x128xi32, #tpu.memory_space<hbm>>
    tpu.wait_dma2 semaphore(%arg14 : memref<!tpu.dma_semaphore, #tpu.memory_space<semaphore_mem>>) src(%dma_wait3A_114 : memref<32x128xi32, #tpu.memory_space<hbm>>) dst(%arg7 : memref<32x128xi32, #tpu.memory_space<vmem>>)
    %dma_wait3A_115 = arith.constant 199 : i32
    %dma_wait3A_116 = arith.constant 0 : i32
    %dma_wait3A_117 = arith.constant 0 : i32
    %dma_wait3A_118 = tpu.memref_slice %arg4[%dma_wait3A_115, %select_n3A, %dma_wait3A_116, %select_n3A_30, %dma_wait3A_117] : memref<200x4x128x8x128xf32, #tpu.memory_space<hbm>> -> memref<1x1x32x1x128xf32, #tpu.memory_space<hbm>>
    %dma_wait3A_119 = tpu.memref_squeeze %dma_wait3A_118 : memref<1x1x32x1x128xf32, #tpu.memory_space<hbm>> -> memref<32x128xf32, #tpu.memory_space<hbm>>
    %dma_wait3A_120 = arith.constant 0 : i32
    %dma_wait3A_121 = arith.constant 0 : i32
    %dma_wait3A_122 = tpu.memref_slice %arg4[%dma_wait3A_115, %select_n3A, %dma_wait3A_120, %select_n3A_30, %dma_wait3A_121] : memref<200x4x128x8x128xf32, #tpu.memory_space<hbm>> -> memref<1x1x32x1x128xf32, #tpu.memory_space<hbm>>
    %dma_wait3A_123 = tpu.memref_squeeze %dma_wait3A_122 : memref<1x1x32x1x128xf32, #tpu.memory_space<hbm>> -> memref<32x128xf32, #tpu.memory_space<hbm>>
    tpu.wait_dma2 semaphore(%arg17 : memref<!tpu.dma_semaphore, #tpu.memory_space<semaphore_mem>>) src(%arg10 : memref<32x128xf32, #tpu.memory_space<vmem>>) dst(%dma_wait3A_123 : memref<32x128xf32, #tpu.memory_space<hbm>>)
    %parallel_loop3A_124 = arith.constant 0 : i32
    %parallel_loop3A_125 = arith.constant 32 : i32
    %parallel_loop3A_126 = arith.constant 1 : i32
    scf.for %parallel_loop3A_163 = %parallel_loop3A_124 to %parallel_loop3A_125 step %parallel_loop3A_126  : i32 {
      %parallel_loop3A_164 = arith.index_cast %parallel_loop3A_163 : i32 to index
      %parallel_loop3A_165 = arith.constant 0 : index
      %parallel_loop3A_166 = tpu.vector_load %arg7[%parallel_loop3A_164, %parallel_loop3A_165] {strides = array<i32>} : memref<32x128xi32, #tpu.memory_space<vmem>>, vector<16xi32>,
      %parallel_loop3A_167 = tpu.vector_load_idx %arg5[%parallel_loop3A_166] : memref<100096xf32, #tpu.memory_space<vmem>>[vector<16xi32>], vector<16xf32>,
      %parallel_loop3A_168 = arith.index_cast %parallel_loop3A_163 : i32 to index
      %parallel_loop3A_169 = arith.constant 0 : index
      %parallel_loop3A_170 = tpu.vector_load %arg10[%parallel_loop3A_168, %parallel_loop3A_169] {strides = array<i32>} : memref<32x128xf32, #tpu.memory_space<vmem>>, vector<16xf32>,
      tpu.vector_store %arg10[%parallel_loop3A_168, %parallel_loop3A_169], %parallel_loop3A_167 {strides = array<i32>} : memref<32x128xf32, #tpu.memory_space<vmem>>, vector<16xf32>,
      %parallel_loop3A_171 = arith.index_cast %parallel_loop3A_163 : i32 to index
      %parallel_loop3A_172 = arith.constant 16 : index
      %parallel_loop3A_173 = tpu.vector_load %arg7[%parallel_loop3A_171, %parallel_loop3A_172] {strides = array<i32>} : memref<32x128xi32, #tpu.memory_space<vmem>>, vector<16xi32>,
      %parallel_loop3A_174 = tpu.vector_load_idx %arg5[%parallel_loop3A_173] : memref<100096xf32, #tpu.memory_space<vmem>>[vector<16xi32>], vector<16xf32>,
      %parallel_loop3A_175 = arith.index_cast %parallel_loop3A_163 : i32 to index
      %parallel_loop3A_176 = arith.constant 16 : index
      %parallel_loop3A_177 = tpu.vector_load %arg10[%parallel_loop3A_175, %parallel_loop3A_176] {strides = array<i32>} : memref<32x128xf32, #tpu.memory_space<vmem>>, vector<16xf32>,
      tpu.vector_store %arg10[%parallel_loop3A_175, %parallel_loop3A_176], %parallel_loop3A_174 {strides = array<i32>} : memref<32x128xf32, #tpu.memory_space<vmem>>, vector<16xf32>,
      %parallel_loop3A_178 = arith.index_cast %parallel_loop3A_163 : i32 to index
      %parallel_loop3A_179 = arith.constant 32 : index
      %parallel_loop3A_180 = tpu.vector_load %arg7[%parallel_loop3A_178, %parallel_loop3A_179] {strides = array<i32>} : memref<32x128xi32, #tpu.memory_space<vmem>>, vector<16xi32>,
      %parallel_loop3A_181 = tpu.vector_load_idx %arg5[%parallel_loop3A_180] : memref<100096xf32, #tpu.memory_space<vmem>>[vector<16xi32>], vector<16xf32>,
      %parallel_loop3A_182 = arith.index_cast %parallel_loop3A_163 : i32 to index
      %parallel_loop3A_183 = arith.constant 32 : index
      %parallel_loop3A_184 = tpu.vector_load %arg10[%parallel_loop3A_182, %parallel_loop3A_183] {strides = array<i32>} : memref<32x128xf32, #tpu.memory_space<vmem>>, vector<16xf32>,
      tpu.vector_store %arg10[%parallel_loop3A_182, %parallel_loop3A_183], %parallel_loop3A_181 {strides = array<i32>} : memref<32x128xf32, #tpu.memory_space<vmem>>, vector<16xf32>,
      %parallel_loop3A_185 = arith.index_cast %parallel_loop3A_163 : i32 to index
      %parallel_loop3A_186 = arith.constant 48 : index
      %parallel_loop3A_187 = tpu.vector_load %arg7[%parallel_loop3A_185, %parallel_loop3A_186] {strides = array<i32>} : memref<32x128xi32, #tpu.memory_space<vmem>>, vector<16xi32>,
      %parallel_loop3A_188 = tpu.vector_load_idx %arg5[%parallel_loop3A_187] : memref<100096xf32, #tpu.memory_space<vmem>>[vector<16xi32>], vector<16xf32>,
      %parallel_loop3A_189 = arith.index_cast %parallel_loop3A_163 : i32 to index
      %parallel_loop3A_190 = arith.constant 48 : index
      %parallel_loop3A_191 = tpu.vector_load %arg10[%parallel_loop3A_189, %parallel_loop3A_190] {strides = array<i32>} : memref<32x128xf32, #tpu.memory_space<vmem>>, vector<16xf32>,
      tpu.vector_store %arg10[%parallel_loop3A_189, %parallel_loop3A_190], %parallel_loop3A_188 {strides = array<i32>} : memref<32x128xf32, #tpu.memory_space<vmem>>, vector<16xf32>,
      %parallel_loop3A_192 = arith.index_cast %parallel_loop3A_163 : i32 to index
      %parallel_loop3A_193 = arith.constant 64 : index
      %parallel_loop3A_194 = tpu.vector_load %arg7[%parallel_loop3A_192, %parallel_loop3A_193] {strides = array<i32>} : memref<32x128xi32, #tpu.memory_space<vmem>>, vector<16xi32>,
      %parallel_loop3A_195 = tpu.vector_load_idx %arg5[%parallel_loop3A_194] : memref<100096xf32, #tpu.memory_space<vmem>>[vector<16xi32>], vector<16xf32>,
      %parallel_loop3A_196 = arith.index_cast %parallel_loop3A_163 : i32 to index
      %parallel_loop3A_197 = arith.constant 64 : index
      %parallel_loop3A_198 = tpu.vector_load %arg10[%parallel_loop3A_196, %parallel_loop3A_197] {strides = array<i32>} : memref<32x128xf32, #tpu.memory_space<vmem>>, vector<16xf32>,
      tpu.vector_store %arg10[%parallel_loop3A_196, %parallel_loop3A_197], %parallel_loop3A_195 {strides = array<i32>} : memref<32x128xf32, #tpu.memory_space<vmem>>, vector<16xf32>,
      %parallel_loop3A_199 = arith.index_cast %parallel_loop3A_163 : i32 to index
      %parallel_loop3A_200 = arith.constant 80 : index
      %parallel_loop3A_201 = tpu.vector_load %arg7[%parallel_loop3A_199, %parallel_loop3A_200] {strides = array<i32>} : memref<32x128xi32, #tpu.memory_space<vmem>>, vector<16xi32>,
      %parallel_loop3A_202 = tpu.vector_load_idx %arg5[%parallel_loop3A_201] : memref<100096xf32, #tpu.memory_space<vmem>>[vector<16xi32>], vector<16xf32>,
      %parallel_loop3A_203 = arith.index_cast %parallel_loop3A_163 : i32 to index
      %parallel_loop3A_204 = arith.constant 80 : index
      %parallel_loop3A_205 = tpu.vector_load %arg10[%parallel_loop3A_203, %parallel_loop3A_204] {strides = array<i32>} : memref<32x128xf32, #tpu.memory_space<vmem>>, vector<16xf32>,
      tpu.vector_store %arg10[%parallel_loop3A_203, %parallel_loop3A_204], %parallel_loop3A_202 {strides = array<i32>} : memref<32x128xf32, #tpu.memory_space<vmem>>, vector<16xf32>,
      %parallel_loop3A_206 = arith.index_cast %parallel_loop3A_163 : i32 to index
      %parallel_loop3A_207 = arith.constant 96 : index
      %parallel_loop3A_208 = tpu.vector_load %arg7[%parallel_loop3A_206, %parallel_loop3A_207] {strides = array<i32>} : memref<32x128xi32, #tpu.memory_space<vmem>>, vector<16xi32>,
      %parallel_loop3A_209 = tpu.vector_load_idx %arg5[%parallel_loop3A_208] : memref<100096xf32, #tpu.memory_space<vmem>>[vector<16xi32>], vector<16xf32>,
      %parallel_loop3A_210 = arith.index_cast %parallel_loop3A_163 : i32 to index
      %parallel_loop3A_211 = arith.constant 96 : index
      %parallel_loop3A_212 = tpu.vector_load %arg10[%parallel_loop3A_210, %parallel_loop3A_211] {strides = array<i32>} : memref<32x128xf32, #tpu.memory_space<vmem>>, vector<16xf32>,
      tpu.vector_store %arg10[%parallel_loop3A_210, %parallel_loop3A_211], %parallel_loop3A_209 {strides = array<i32>} : memref<32x128xf32, #tpu.memory_space<vmem>>, vector<16xf32>,
      %parallel_loop3A_213 = arith.index_cast %parallel_loop3A_163 : i32 to index
      %parallel_loop3A_214 = arith.constant 112 : index
      %parallel_loop3A_215 = tpu.vector_load %arg7[%parallel_loop3A_213, %parallel_loop3A_214] {strides = array<i32>} : memref<32x128xi32, #tpu.memory_space<vmem>>, vector<16xi32>,
      %parallel_loop3A_216 = tpu.vector_load_idx %arg5[%parallel_loop3A_215] : memref<100096xf32, #tpu.memory_space<vmem>>[vector<16xi32>], vector<16xf32>,
      %parallel_loop3A_217 = arith.index_cast %parallel_loop3A_163 : i32 to index
      %parallel_loop3A_218 = arith.constant 112 : index
      %parallel_loop3A_219 = tpu.vector_load %arg10[%parallel_loop3A_217, %parallel_loop3A_218] {strides = array<i32>} : memref<32x128xf32, #tpu.memory_space<vmem>>, vector<16xf32>,
      tpu.vector_store %arg10[%parallel_loop3A_217, %parallel_loop3A_218], %parallel_loop3A_216 {strides = array<i32>} : memref<32x128xf32, #tpu.memory_space<vmem>>, vector<16xf32>,
    } {sc.loop_unroll_factor = 8 : i64, sc.parallel_access}
    %dma_start3A_127 = arith.constant 199 : i32
    %dma_start3A_128 = arith.constant 96 : i32
    %dma_start3A_129 = arith.constant 0 : i32
    %dma_start3A_130 = tpu.memref_slice %arg4[%dma_start3A_127, %select_n3A, %dma_start3A_128, %select_n3A_30, %dma_start3A_129] : memref<200x4x128x8x128xf32, #tpu.memory_space<hbm>> -> memref<1x1x32x1x128xf32, #tpu.memory_space<hbm>>
    %dma_start3A_131 = tpu.memref_squeeze %dma_start3A_130 : memref<1x1x32x1x128xf32, #tpu.memory_space<hbm>> -> memref<32x128xf32, #tpu.memory_space<hbm>>
    %dma_start3A_132 = arith.constant 96 : i32
    %dma_start3A_133 = arith.constant 0 : i32
    %dma_start3A_134 = tpu.memref_slice %arg4[%dma_start3A_127, %select_n3A, %dma_start3A_132, %select_n3A_30, %dma_start3A_133] : memref<200x4x128x8x128xf32, #tpu.memory_space<hbm>> -> memref<1x1x32x1x128xf32, #tpu.memory_space<hbm>>
    %dma_start3A_135 = tpu.memref_squeeze %dma_start3A_134 : memref<1x1x32x1x128xf32, #tpu.memory_space<hbm>> -> memref<32x128xf32, #tpu.memory_space<hbm>>
    tpu.enqueue_dma source(%arg10 : memref<32x128xf32, #tpu.memory_space<vmem>>) target(%dma_start3A_135 : memref<32x128xf32, #tpu.memory_space<hbm>>) target_semaphore(%arg17 : memref<!tpu.dma_semaphore, #tpu.memory_space<semaphore_mem>>)
    %dma_wait3A_136 = arith.constant 199 : i32
    %dma_wait3A_137 = arith.constant 32 : i32
    %dma_wait3A_138 = arith.constant 0 : i32
    %dma_wait3A_139 = tpu.memref_slice %arg4[%dma_wait3A_136, %select_n3A, %dma_wait3A_137, %select_n3A_30, %dma_wait3A_138] : memref<200x4x128x8x128xf32, #tpu.memory_space<hbm>> -> memref<1x1x32x1x128xf32, #tpu.memory_space<hbm>>
    %dma_wait3A_140 = tpu.memref_squeeze %dma_wait3A_139 : memref<1x1x32x1x128xf32, #tpu.memory_space<hbm>> -> memref<32x128xf32, #tpu.memory_space<hbm>>
    %dma_wait3A_141 = arith.constant 32 : i32
    %dma_wait3A_142 = arith.constant 0 : i32
    %dma_wait3A_143 = tpu.memref_slice %arg4[%dma_wait3A_136, %select_n3A, %dma_wait3A_141, %select_n3A_30, %dma_wait3A_142] : memref<200x4x128x8x128xf32, #tpu.memory_space<hbm>> -> memref<1x1x32x1x128xf32, #tpu.memory_space<hbm>>
    %dma_wait3A_144 = tpu.memref_squeeze %dma_wait3A_143 : memref<1x1x32x1x128xf32, #tpu.memory_space<hbm>> -> memref<32x128xf32, #tpu.memory_space<hbm>>
    tpu.wait_dma2 semaphore(%arg18 : memref<!tpu.dma_semaphore, #tpu.memory_space<semaphore_mem>>) src(%arg11 : memref<32x128xf32, #tpu.memory_space<vmem>>) dst(%dma_wait3A_144 : memref<32x128xf32, #tpu.memory_space<hbm>>)
    %dma_wait3A_145 = arith.constant 199 : i32
    %dma_wait3A_146 = arith.constant 64 : i32
    %dma_wait3A_147 = arith.constant 0 : i32
    %dma_wait3A_148 = tpu.memref_slice %arg4[%dma_wait3A_145, %select_n3A, %dma_wait3A_146, %select_n3A_30, %dma_wait3A_147] : memref<200x4x128x8x128xf32, #tpu.memory_space<hbm>> -> memref<1x1x32x1x128xf32, #tpu.memory_space<hbm>>
    %dma_wait3A_149 = tpu.memref_squeeze %dma_wait3A_148 : memref<1x1x32x1x128xf32, #tpu.memory_space<hbm>> -> memref<32x128xf32, #tpu.memory_space<hbm>>
    %dma_wait3A_150 = arith.constant 64 : i32
    %dma_wait3A_151 = arith.constant 0 : i32
    %dma_wait3A_152 = tpu.memref_slice %arg4[%dma_wait3A_145, %select_n3A, %dma_wait3A_150, %select_n3A_30, %dma_wait3A_151] : memref<200x4x128x8x128xf32, #tpu.memory_space<hbm>> -> memref<1x1x32x1x128xf32, #tpu.memory_space<hbm>>
    %dma_wait3A_153 = tpu.memref_squeeze %dma_wait3A_152 : memref<1x1x32x1x128xf32, #tpu.memory_space<hbm>> -> memref<32x128xf32, #tpu.memory_space<hbm>>
    tpu.wait_dma2 semaphore(%arg16 : memref<!tpu.dma_semaphore, #tpu.memory_space<semaphore_mem>>) src(%arg9 : memref<32x128xf32, #tpu.memory_space<vmem>>) dst(%dma_wait3A_153 : memref<32x128xf32, #tpu.memory_space<hbm>>)
    %dma_wait3A_154 = arith.constant 199 : i32
    %dma_wait3A_155 = arith.constant 96 : i32
    %dma_wait3A_156 = arith.constant 0 : i32
    %dma_wait3A_157 = tpu.memref_slice %arg4[%dma_wait3A_154, %select_n3A, %dma_wait3A_155, %select_n3A_30, %dma_wait3A_156] : memref<200x4x128x8x128xf32, #tpu.memory_space<hbm>> -> memref<1x1x32x1x128xf32, #tpu.memory_space<hbm>>
    %dma_wait3A_158 = tpu.memref_squeeze %dma_wait3A_157 : memref<1x1x32x1x128xf32, #tpu.memory_space<hbm>> -> memref<32x128xf32, #tpu.memory_space<hbm>>
    %dma_wait3A_159 = arith.constant 96 : i32
    %dma_wait3A_160 = arith.constant 0 : i32
    %dma_wait3A_161 = tpu.memref_slice %arg4[%dma_wait3A_154, %select_n3A, %dma_wait3A_159, %select_n3A_30, %dma_wait3A_160] : memref<200x4x128x8x128xf32, #tpu.memory_space<hbm>> -> memref<1x1x32x1x128xf32, #tpu.memory_space<hbm>>
    %dma_wait3A_162 = tpu.memref_squeeze %dma_wait3A_161 : memref<1x1x32x1x128xf32, #tpu.memory_space<hbm>> -> memref<32x128xf32, #tpu.memory_space<hbm>>
    tpu.wait_dma2 semaphore(%arg17 : memref<!tpu.dma_semaphore, #tpu.memory_space<semaphore_mem>>) src(%arg10 : memref<32x128xf32, #tpu.memory_space<vmem>>) dst(%dma_wait3A_162 : memref<32x128xf32, #tpu.memory_space<hbm>>)
    return
  }
}

module attributes {stable_mosaic.version = 14 : i64} {
  func.func @_lnt_body(%arg0: i32, %arg1: memref<4x34x8x128xf32, #tpu.memory_space<vmem>>, %arg2: memref<4x8xf32, #tpu.memory_space<vmem>>, %arg3: memref<4x8xf32, #tpu.memory_space<vmem>>, %arg4: memref<32x4352xf32, #tpu.memory_space<vmem>>) attributes {dimension_semantics = [#tpu.dimension_semantics<arbitrary>], iteration_bounds = array<i64: 23>, scalar_prefetch = 0 : i64, scratch_operands = 0 : i64, tpu.core_type = #tpu.core_type<tc>, window_params = [{transform_indices = @transform_0, window_bounds = array<i64: 4, 34, 8, 128>}, {pipeline_mode = #tpu.pipeline_mode<synchronous>, transform_indices = @transform_1, window_bounds = array<i64: 4, 8>}, {pipeline_mode = #tpu.pipeline_mode<synchronous>, transform_indices = @transform_2, window_bounds = array<i64: 4, 8>}, {transform_indices = @transform_3, window_bounds = array<i64: 32, 4352>}]} {
    %get3A = arith.constant 0 : index
    %get3A_0 = arith.constant 0 : index
    %get3A_1 = arith.constant 0 : index
    %get3A_2 = arith.constant 0 : index
    %get3A_3 = vector.load %arg1[%get3A, %get3A_0, %get3A_1, %get3A_2] : memref<4x34x8x128xf32, #tpu.memory_space<vmem>>, vector<4x34x8x128xf32>
    %reduce_sum3A = arith.constant dense<0.000000e+00> : vector<34x128xf32>
    %reduce_sum3A_4 = vector.multi_reduction <add>, %get3A_3, %reduce_sum3A [0, 2] : vector<4x34x8x128xf32> to vector<34x128xf32>
    %broadcast_in_dim3A = vector.shape_cast %reduce_sum3A_4 : vector<34x128xf32> to vector<1x34x1x128xf32>
    %div3A = arith.constant 3.200000e+01 : f32
    %div3A_5 = vector.broadcast %div3A : f32 to vector<1x34x1x128xf32>
    %div3A_6 = arith.divf %broadcast_in_dim3A, %div3A_5 : vector<1x34x1x128xf32>
    %sub3A = vector.broadcast %div3A_6 : vector<1x34x1x128xf32> to vector<4x34x8x128xf32>
    %sub3A_7 = arith.subf %get3A_3, %sub3A : vector<4x34x8x128xf32>
    %mul3A = arith.mulf %sub3A_7, %sub3A_7 : vector<4x34x8x128xf32>
    %reduce_sum3A_8 = arith.constant dense<0.000000e+00> : vector<34x128xf32>
    %reduce_sum3A_9 = vector.multi_reduction <add>, %mul3A, %reduce_sum3A_8 [0, 2] : vector<4x34x8x128xf32> to vector<34x128xf32>
    %broadcast_in_dim3A_10 = vector.shape_cast %reduce_sum3A_9 : vector<34x128xf32> to vector<1x34x1x128xf32>
    %div3A_11 = arith.constant 3.200000e+01 : f32
    %div3A_12 = vector.broadcast %div3A_11 : f32 to vector<1x34x1x128xf32>
    %div3A_13 = arith.divf %broadcast_in_dim3A_10, %div3A_12 : vector<1x34x1x128xf32>
    %get3A_14 = arith.constant 0 : index
    %get3A_15 = arith.constant 0 : index
    %get3A_16 = vector.load %arg2[%get3A_14, %get3A_15] : memref<4x8xf32, #tpu.memory_space<vmem>>, vector<4x8xf32>
    %reshape3A = vector.shape_cast %get3A_16 : vector<4x8xf32> to vector<4x1x8x1xf32>
    %get3A_17 = arith.constant 0 : index
    %get3A_18 = arith.constant 0 : index
    %get3A_19 = vector.load %arg3[%get3A_17, %get3A_18] : memref<4x8xf32, #tpu.memory_space<vmem>>, vector<4x8xf32>
    %reshape3A_20 = vector.shape_cast %get3A_19 : vector<4x8xf32> to vector<4x1x8x1xf32>
    %add3A = arith.constant 9.99999974E-6 : f32
    %add3A_21 = vector.broadcast %add3A : f32 to vector<1x34x1x128xf32>
    %add3A_22 = arith.addf %div3A_13, %add3A_21 : vector<1x34x1x128xf32>
    %rsqrt3A = math.rsqrt %add3A_22 : vector<1x34x1x128xf32>
    %mul3A_23 = vector.broadcast %rsqrt3A : vector<1x34x1x128xf32> to vector<4x34x8x128xf32>
    %mul3A_24 = arith.mulf %sub3A_7, %mul3A_23 : vector<4x34x8x128xf32>
    %mul3A_25 = vector.broadcast %reshape3A : vector<4x1x8x1xf32> to vector<4x34x8x128xf32>
    %mul3A_26 = arith.mulf %mul3A_24, %mul3A_25 : vector<4x34x8x128xf32>
    %add3A_27 = vector.broadcast %reshape3A_20 : vector<4x1x8x1xf32> to vector<4x34x8x128xf32>
    %add3A_28 = arith.addf %mul3A_26, %add3A_27 : vector<4x34x8x128xf32>
    %transpose3A = tpu.transpose %add3A_28, [0, 2, 1, 3] : vector<4x34x8x128xf32> -> vector<4x8x34x128xf32>
    %reshape3A_29 = vector.shape_cast %transpose3A : vector<4x8x34x128xf32> to vector<32x4352xf32>
    %swap3A = arith.constant 0 : index
    %swap3A_30 = arith.constant 0 : index
    %swap3A_31 = vector.load %arg4[%swap3A, %swap3A_30] : memref<32x4352xf32, #tpu.memory_space<vmem>>, vector<32x4352xf32>
    tpu.vector_store %arg4[%swap3A, %swap3A_30], %reshape3A_29 {strides = array<i32>} : memref<32x4352xf32, #tpu.memory_space<vmem>>, vector<32x4352xf32>,
    return
  }
  func.func @transform_0(%arg0: i32) -> (i32, i32, i32, i32) {
    %c0_i32 = arith.constant 0 : i32
    %c0_i32_0 = arith.constant 0 : i32
    %c0_i32_1 = arith.constant 0 : i32
    %c0_i32_2 = arith.constant 0 : i32
    return %c0_i32, %arg0, %c0_i32_0, %c0_i32_1 : i32, i32, i32, i32
  }
  func.func @transform_1(%arg0: i32) -> (i32, i32) {
    %c0_i32 = arith.constant 0 : i32
    %c0_i32_0 = arith.constant 0 : i32
    %c0_i32_1 = arith.constant 0 : i32
    return %c0_i32, %c0_i32_0 : i32, i32
  }
  func.func @transform_2(%arg0: i32) -> (i32, i32) {
    %c0_i32 = arith.constant 0 : i32
    %c0_i32_0 = arith.constant 0 : i32
    %c0_i32_1 = arith.constant 0 : i32
    return %c0_i32, %c0_i32_0 : i32, i32
  }
  func.func @transform_3(%arg0: i32) -> (i32, i32) {
    %c0_i32 = arith.constant 0 : i32
    %c0_i32_0 = arith.constant 0 : i32
    return %c0_i32, %arg0 : i32, i32
  }
}

</mosaic_0001>

<sc_bundles>
// kernel: kernel.4.cloned.1.call-start
scs
__scs_entry_jumppad:
0x0: {  	(pc) =	sbr.rel $0x88, $3  }
0x1: {  	(tag) =	ssettag $0x0;
	lr =	simm.s32 $0x1  }
0x2: {  	[smem:$0x3F9D] =	sst lr;
	_ =	strace $0xD0000000  }
0x3: {  	_ = 	snop  }
0x4: {  	_ = 	snop  }
0x5: {  	_ = 	snop  }
0x6: {  	_ = 	snop  }
0x7: {  	_ = 	snop  }
__scs_overlays_trampoline_lowered:
0x8: {  	[smem:$0x3FAC] =	sst s0  }
0x9: {  	[smem:$0x3FAD] =	sst s1  }
0xa: {  	[smem:$0x3FAE] =	sst s2  }
0xb: {  	[smem:$0x3FAF] =	sst s3  }
0xc: {  	[smem:$0x3FB0] =	sst s4  }
0xd: {  	[smem:$0x3FB1] =	sst s5  }
0xe: {  	[smem:$0x3FB2] =	sst s6  }
0xf: {  	[smem:$0x3FB3] =	sst s7  }
0x10: {  	[smem:$0x3FB4] =	sst s8  }
0x11: {  	[smem:$0x3FB5] =	sst s9;
	s0 =	simm.s32 @!p0 $0x0  }
0x12: {  	s1 =	sld [smem:$0x3F9B];
	s0 =	simm.s32 @p0 $0x1  }
0x13: {  	[smem:$0x3FB6] =	sst s0;
	s0 =	simm.s32 @!p1 $0x0  }
0x14: {  	s2 =	sld [smem:$0x3F9A];
	s0 =	simm.s32 @p1 $0x1  }
0x15: {  	[smem:$0x3FB7] =	sst s0;
	s0 =	simm.s32 @!p2 $0x0  }
0x16: {  	s3 =	sld [smem:$0x3FDB];
	s0 =	simm.s32 @p2 $0x1  }
0x17: {  	s4 =	simm.s32 $0x1BF5;
	[smem:$0x3FB9] =	sst s0  }
0x18: {  	s0 =	sld [smem:$0x3F9C];
	_ =	swait.ge [sflag:s4], $0x0  }
0x19: {  	s7 =	sld [smem:$0x3F9D]  }
0x1a: {  	s8 =	sadd.s32 $0xFFFFE003, lr  }
0x1b: {  	s9 =	sadd.s32 $0xFFFFFEF7, lr;
	s5 =	simm.s32 $0xFFFFFFFF;
	p2 =	slt.u32 s8, $0xFFFFF086  }
0x1c: {  	p1 =	slt.u32 s9, $0xF7A;
	s5 =	simm.s32 @!p2 $0x0  }
0x1d: {  	s5 =	simm.s32 @p1 $0x1;
	p0 =	seq.s32 s7, s2  }
0x1e: {  	s7 =	smul.u32 @!p0 $0xF7A, s2;
	p2 =	seq.s32 @!p0 s5, $0x0  }
0x1f: {  	s9 =	smul.u32 $0xF7A, s1;
	s8 =	simm.s32 @!p0 $0x1BF5;
	p2 =	por !p2, p0  }
0x20: {  	[sflag:s8] =	ssyncset.s32 @!p0 $0xFFFFF086;
	s6 =	sadd.s32 @!p0 s3, s7;
	s7 =	simm.s32 @!p0 $0x108  }
0x21: {  	s3 =	sadd.s32 s3, s9;
	s6 =	sadd.s32 @!p0 $0x88, s6;
	s7 =	simm.s32 @p2 $0x1082  }
0x22: {  	[simem:s7], [sflag:s8] =	dma.local @!p0 [hbm:s6], $0xF7A  }
0x23: {  	s9 =	sor.u32 $0xD0000000, s2;
	s6 =	simm.s32 $0x108;
	_ =	swait.ge @!p0 [sflag:s8], $0x0  }
0x24: {  	s3 =	sadd.s32 $0x88, s3;
	s6 =	simm.s32 @!p1 $0x1082;
	[sflag:s4] =	ssyncset.s32 $0xFFFFF086  }
0x25: {  	[simem:s6], [sflag:s4] =	dma.local [hbm:s3], $0xF7A  }
0x26: {  	[smem:$0x3F9D] =	sst s1;
	(tag) =	ssettag s2;
	_ =	strace s9  }
0x27: {  	s1 =	sld [smem:$0x3FAD]  }
0x28: {  	s2 =	sld [smem:$0x3FAE]  }
0x29: {  	s4 =	sld [smem:$0x3FB0]  }
0x2a: {  	p0 =	seq.s32 s5, $0x0;
	s5 =	sld [smem:$0x3FB1]  }
0x2b: {  	s6 =	sld [smem:$0x3FB2]  }
0x2c: {  	s7 =	sld [smem:$0x3FB3]  }
0x2d: {  	s3 =	simm.s32 $0x108;
	s8 =	sld [smem:$0x3FB4]  }
0x2e: {  	s3 =	simm.s32 @!p0 $0x1082;
	s9 =	sld [smem:$0x3FB5]  }
0x2f: {  	lr =	sadd.s32 s0, s3;
	s0 =	sld [smem:$0x3FAC]  }
0x30: {  	s3 =	sld [smem:$0x3FAF]  }
0x31: {  	[smem:$0x3FB8] =	sst s10  }
0x32: {  	s10 =	sld [smem:$0x3FB6];
	_ =	sdelay $0x3  }
0x33: {  	p0 =	seq.s32 s10, $0x1;
	s10 =	sld [smem:$0x3FB8];
	_ =	sdelay $0x3  }
0x34: {  	[smem:$0x3FB8] =	sst s10  }
0x35: {  	s10 =	sld [smem:$0x3FB7];
	_ =	sdelay $0x3  }
0x36: {  	p1 =	seq.s32 s10, $0x1;
	s10 =	sld [smem:$0x3FB8];
	_ =	sdelay $0x3  }
0x37: {  	[smem:$0x3FB8] =	sst s10  }
0x38: {  	s10 =	sld [smem:$0x3FB9]  }
0x39: {  	_ = 	snop;
	(pc) =	sbr.ind lr, $3  }
0x3a: {  	_ = 	snop  }
0x3b: {  	_ = 	snop  }
0x3c: {  	p2 =	seq.s32 s10, $0x1;
	s10 =	sld [smem:$0x3FB8]  }
0x3d: {  	_ =	shalt  }
0x3e: {  	_ =	shalt  }
0x3f: {  	_ =	shalt  }
0x40: {  	_ =	shalt  }
0x41: {  	_ =	shalt  }
0x42: {  	_ =	shalt  }
0x43: {  	_ =	shalt  }
0x44: {  	_ =	shalt  }
0x45: {  	_ =	shalt  }
0x46: {  	_ =	shalt  }
0x47: {  	_ =	shalt  }
0x48: {  	_ =	shalt  }
0x49: {  	_ =	shalt  }
0x4a: {  	_ =	shalt  }
0x4b: {  	_ =	shalt  }
0x4c: {  	_ =	shalt  }
0x4d: {  	_ =	shalt  }
0x4e: {  	_ =	shalt  }
0x4f: {  	_ =	shalt  }
0x50: {  	_ =	shalt  }
0x51: {  	_ =	shalt  }
0x52: {  	_ =	shalt  }
0x53: {  	_ =	shalt  }
0x54: {  	_ =	shalt  }
0x55: {  	_ =	shalt  }
0x56: {  	_ =	shalt  }
0x57: {  	_ =	shalt  }
0x58: {  	_ =	shalt  }
0x59: {  	_ =	shalt  }
0x5a: {  	_ =	shalt  }
0x5b: {  	_ =	shalt  }
0x5c: {  	_ =	shalt  }
0x5d: {  	_ =	shalt  }
0x5e: {  	_ =	shalt  }
0x5f: {  	_ =	shalt  }
0x60: {  	_ =	shalt  }
0x61: {  	_ =	shalt  }
0x62: {  	_ =	shalt  }
0x63: {  	_ =	shalt  }
0x64: {  	_ =	shalt  }
0x65: {  	_ =	shalt  }
0x66: {  	_ =	shalt  }
0x67: {  	_ =	shalt  }
0x68: {  	_ =	shalt  }
0x69: {  	_ =	shalt  }
0x6a: {  	_ =	shalt  }
0x6b: {  	_ =	shalt  }
0x6c: {  	_ =	shalt  }
0x6d: {  	_ =	shalt  }
0x6e: {  	_ =	shalt  }
0x6f: {  	_ =	shalt  }
0x70: {  	_ =	shalt  }
0x71: {  	_ =	shalt  }
0x72: {  	_ =	shalt  }
0x73: {  	_ =	shalt  }
0x74: {  	_ =	shalt  }
0x75: {  	_ =	shalt  }
0x76: {  	_ =	shalt  }
0x77: {  	_ =	shalt  }
0x78: {  	_ =	shalt  }
0x79: {  	_ =	shalt  }
0x7a: {  	_ =	shalt  }
0x7b: {  	_ =	shalt  }
0x7c: {  	_ =	shalt  }
0x7d: {  	_ =	shalt  }
0x7e: {  	_ =	shalt  }
0x7f: {  	_ =	shalt  }
0x80: {  	_ =	shalt  }
0x81: {  	_ =	shalt  }
0x82: {  	_ =	shalt  }
0x83: {  	_ =	shalt  }
0x84: {  	_ =	shalt  }
0x85: {  	_ =	shalt  }
0x86: {  	_ =	shalt  }
0x87: {  	_ =	shalt  }
.Lfunc_end0:
.L_simem_size_0:
called_computation_lowered:
.L_overlay_start_0:
0x88: {  	s2 =	sld [smem:$0x3FD9]  }
0x89: {  	s3 =	sld [smem:$0x3FFE];
	_ =	sdelay $0x1  }
0x8a: {  	s1 =	srdreg.scid  }
0x8b: {  	s0 =	sand.u32 $0x1, s1  }
0x8c: {  	s17 =	sshll.u32 s0, $0xA;
	s2 =	sadd.s32 s3, s2  }
0x8d: {  	s2 =	sadd.s32 s2, s17  }
0x8e: {  	[smem:$0x3FC4] =	sst s2  }
0x8f: {  	_ = 	snop  }
0x90: {  	s2 =	sld [smem:$0x3FC9]  }
0x91: {  	s18 =	sld [smem:$0x3FD0];
	(tm) =	ssettm $0x1  }
0x92: {  	s4 =	sld [smem:$0x3FFB];
	_ =	sdelay $0x3  }
0x93: {  	_ =	strace s4  }
0x94: {  	s4 =	sld [smem:$0x3FFC];
	_ =	sdelay $0x3  }
0x95: {  	_ =	strace s4  }
0x96: {  	s4 =	sld [smem:$0x3FFD];
	_ =	sdelay $0x3  }
0x97: {  	_ =	strace s4  }
0x98: {  	_ =	strace $0x8FFFFFFF  }
0x99: {  	s19 =	sld [smem:$0x3FDB];
	_ =	sdelay $0x1  }
0x9a: {  	s5 =	simm.s32 $_scs_section_size  }
0x9b: {  	s6 =	simm.s32 $_size__tile_overlayer_lowered;
	s7 =	simm.s32 $_tile_overlayer_lowered  }
0x9c: {  	s22 =	simm.s32 $0x1BFF;
	s21 =	sshll.u32 s7, $0x1;
	s4 =	sadd.s32 s5, s19  }
0x9d: {  	s8 =	simm.s32 $0x0;
	s20 =	sshll.u32 s6, $0x1;
	s6 =	sadd.s32 s21, s4  }
0x9e: {  	[timem:s8], [sflag:s22] =	dma.local [hbm:s6], s20  }
0x9f: {  	_ =	swait.ge [sflag:s22], s20  }
0xa0: {  	s5 =	ssub.s32 $0x0, s20;
	[sflag:s22] =	ssyncset.done $0x0  }
0xa1: {  	[sflag:s22] =	ssyncadd.s32 s5;
	_ =	sdelay $0x1  }
0xa2: {  	s23 =	simm.s32 $0x1B8B  }
0xa3: {  	_ =	swait.ge [sflag:s23], $0x1  }
0xa4: {  	[sflag:s23] =	ssyncset.done $0x0  }
0xa5: {  	s25 =	simm.s32 $0x1B8E;
	s24 =	sld [smem:$0x3FFE];
	[sflag:s23] =	ssyncadd.s32 $0xFFFFFFFF  }
0xa6: {  	s26 =	simm.s32 $execute0_lowered;
	[smem:$0x3FD2] =	sst s25  }
0xa7: {  	s6 =	sshll.u32 s26, $0x1;
	_ =	strace $0x80000046;
	[dreg:$0x1] =	wrdreg $0xFFFFFFFF  }
0xa8: {  	s28 =	simm.s32 $_size_execute0_lowered;
	s4 =	sadd.s32 s4, s6;
	[dreg:$0x0] =	wrdreg $0x0  }
0xa9: {  	s6 =	sshll.u32 s28, $0x1;
	[dreg:$0x2] =	wrdreg s4  }
0xaa: {  	[dreg:$0x3] =	wrdreg s6  }
0xab: {  	[dreg:$0x4] =	wrdreg $0xC0  }
0xac: {  	_ =	task [dreg:s8], $0x5FFFF  }
0xad: {  	[dreg:$0x1] =	wrdreg $0xFFFFFFFF  }
0xae: {  	[dreg:$0x0] =	wrdreg $0x60  }
0xaf: {  	[dreg:$0x2] =	wrdreg s24  }
0xb0: {  	[dreg:$0x3] =	wrdreg s2  }
0xb1: {  	[dreg:$0x4] =	wrdreg s18  }
0xb2: {  	[dreg:$0x5] =	wrdreg $0x9  }
0xb3: {  	_ =	task.clear_ibuf [dreg:s8], $0x6FFFF;
	_ =	strace $0x90000046  }
0xb4: {  	s29 =	simm.s32 $0x9;
	_ =	strace $0x80000048  }
0xb5: {  	_ =	swait.ge [sflag:s29], $0x1  }
0xb6: {  	[sflag:s29] =	ssyncadd.s32 $0xFFFFFFFF  }
0xb7: {  	_ =	strace $0x90000048  }
0xb8: {  	_ =	sfence  }
0xb9: {  	s30 =	sld [smem:$0x0];
	_ =	sdelay $0x2  }
0xba: {  	s31 =	sshll.u32 s1, $0xD;
	s1 =	sshrl.u32 s1, $0x2  }
0xbb: {  	s3 =	sand.u32 $0x4000, s31;
	s1 =	sadd.s32 s1, s30  }
0xbc: {  	s0 =	sor.u32 s3, s0;
	s1 =	sshll.u32 s1, $0x11  }
0xbd: {  	s0 =	sor.u32 s1, s0  }
0xbe: {  	s0 =	sadd.s32 $0x8F2B, s0  }
0xbf: {  	[sflag:s0] =	ssyncadd.remote.s32 $0x1  }
0xc0: {  	_ =	sfence.sel $0xFFFF  }
0xc1: {  	[dreg:$0x0] =	wrdreg $0xFFFFFFFF;
	(pc) =	sbr.abs _section_cstart, $3  }
0xc2: {  	[dreg:$0x1] =	wrdreg $0xFFFFFFFF  }
0xc3: {  	_ =	task.clear_ibuf [dreg:s8], $0x2FFFF;
	_ =	strace $0x9FFFFFFF  }
0xc4: {  	(tm) =	ssettm $0x7FFFFFFF  }
0xc5: {  	_ =	shalt  }
tec
execute0_lowered:
.L_overlay_start_1:
0x0: {  	(tag) =	ssettag $0x1  }
0x1: {  	s0 =	rddreg [dreg:$0x0]  }
0x2: {  	s2 =	rddreg [dreg:$0x1]  }
0x3: {  	s1 =	srdreg.scid;
	s6 =	stileid.u32  }
0x4: {  	s3 =	rddreg [dreg:$0x2];
	s12 =	simm.s32 $0x1;
	s13 =	simm.s32 $0x80  }
0x5: {  	s14 =	simm.s32 $0x400;
	s15 =	simm.s32 $0x18700;
	s16 =	simm.s32 $0x19700  }
0x6: {  	s18 =	simm.s32 $0x2;
	s19 =	simm.s32 $0x1B700;
	s20 =	simm.s32 $0x3  }
0x7: {  	s21 =	simm.s32 $0x1C700;
	s22 =	simm.s32 $0x4;
	s23 =	simm.s32 $0x1D700  }
0x8: {  	s28 =	simm.s32 $0x0;
	s1 =	sand.u32 $0x1, s1;
	s4 =	sshll.u32 s6, $0x1  }
0x9: {  	s6 =	sshll.u32 s6, $0xF;
	s30 =	sadd.s32 $0x1000, s2;
	s31 =	sadd.s32 $0x2000, s2  }
0xa: {  	s5 =	sor.u32 s1, s4;
	s4 =	simm.s32 $0x0;
	s1 =	ssub.s32 $0x2, s1  }
0xb: {  	s7 =	sshll.u32 s5, $0x7;
	[smem:$0x7FF] =	sst s4;
	s8 =	smul.u32 $0x30E0, s5  }
0xc: {  	s25 =	sshrl.u32 s1, $0x1;
	_ =	strace $0x80000047;
	[dreg:$0x5] =	wrdreg s30  }
0xd: {  	s24 =	sor.u32 s6, s7;
	s1 =	ssub.s32 s1, s25;
	[dreg:$0x6] =	wrdreg s31  }
0xe: {  	s25 =	simm.s32 $0x6;
	s5 =	sand.u32 $0x60380, s24;
	s0 =	sadd.s32 s8, s0  }
0xf: {  	s11 =	smax.u32 s1, $0x1;
	s26 =	sshrl.u32 s5, $0x3;
	s0 =	sadd.s32 $0x400, s0  }
0x10: {  	s24 =	simm.s32 $0x5;
	[dreg:$0x4] =	wrdreg s0;
	s29 =	sadd.s32 s26, s3  }
0x11: {  	s26 =	simm.s32 $0x7;
	s9 =	sadd.s32 $0xC72000, s29;
	s10 =	sadd.s32 $0xC73000, s29  }
.LBB2_1:
0x12: {  	s0 =	rddreg [dreg:$0x4]  }
0x13: {  	[tilespmem:s4], [sflag:$0x1] =	stream.linear.gather [hbm4b:s0+s4], $0x18700, $0x38;
	[tilespmem:$0x1E700] =	vst v63  }
0x14: {  	_ =	swait.ge [sflag:s12], $0x18700  }
0x15: {  	[sflag:s12] =	ssyncset.done $0x0  }
0x16: {  	[sflag:s12] =	ssyncadd.s32 $0xFFFE7900  }
0x17: {  	[tilespmem:s15], [sflag:$0x2] =	stream.strided.gather [hbm4b:s2+s13], $0x1000, s14, s13, $0x38;
	[tilespmem:$0x1E700] =	vst v63  }
0x18: {  	s30 =	rddreg [dreg:$0x5]  }
0x19: {  	[tilespmem:s16], [sflag:$0x3] =	stream.strided.gather [hbm4b:s30+s13], $0x1000, s14, s13, $0x38;
	[tilespmem:$0x1E700] =	vst v63  }
0x1a: {  	s1 =	simm.s32 $0x1A700;
	s29 =	simm.s32 $0x0;
	s31 =	rddreg [dreg:$0x6]  }
0x1b: {  	[tilespmem:s1], [sflag:$0x4] =	stream.strided.gather [hbm4b:s31+s13], $0x1000, s14, s13, $0x38;
	[tilespmem:$0x1E700] =	vst v63  }
.LBB2_2:
0x1c: {  	_ =	swait.ge [sflag:s18], $0x1000  }
0x1d: {  	p0 =	seq.s32 s29, $0x0;
	[sflag:s18] =	ssyncset.done $0x0  }
0x1e: {  	s0 =	simm.s32 @!p0 $0x5;
	[sflag:s18] =	ssyncadd.s32 $0xFFFFF000  }
0x1f: {  	_ =	swait.ge @!p0 [sflag:s0], $0x1000  }
0x20: {  	[sflag:s0] =	ssyncset.done @!p0 $0x0  }
0x21: {  	s8 =	simm.s32 $0x18900;
	[sflag:s0] =	ssyncadd.s32 @!p0 $0xFFFFF000  }
0x22: {  	v0 =	vld [tilespmem:s8+$0x180]  }
0x23: {  	v1 =	vld [tilespmem:s8+$0xFFFFFE80]  }
0x24: {  	v2 =	vld [tilespmem:s8+$0xFFFFFF00]  }
0x25: {  	v3 =	vld [tilespmem:s8+$0xFFFFFF80]  }
0x26: {  	v4 =	vld [tilespmem:s8+$0x0]  }
0x27: {  	v5 =	vld [tilespmem:s8+$0x80]  }
0x28: {  	v6 =	vld [tilespmem:s8+$0x100]  }
0x29: {  	v7 =	vld [tilespmem:s8+$0xFFFFFE00]  }
0x2a: {  	v0 =	vld.idx.msk [tilespmem:v0+s4+$0x0], $0xffff  }
0x2b: {  	v1 =	vld.idx.msk [tilespmem:v1+s4+$0x0], $0xffff  }
0x2c: {  	v2 =	vld.idx.msk [tilespmem:v2+s4+$0x0], $0xffff  }
0x2d: {  	v3 =	vld.idx.msk [tilespmem:v3+s4+$0x0], $0xffff  }
0x2e: {  	v4 =	vld.idx.msk [tilespmem:v4+s4+$0x0], $0xffff  }
0x2f: {  	s1 =	simm.s32 $0x1B900;
	v5 =	vld.idx.msk [tilespmem:v5+s4+$0x0], $0xffff  }
0x30: {  	v6 =	vld.idx.msk [tilespmem:v6+s4+$0x0], $0xffff;
	[tilespmem:s1+$0x180] =	vst v0  }
0x31: {  	[tilespmem:s1+$0xFFFFFE80] =	vst v1;
	v1 =	vld.idx.msk [tilespmem:v7+s4+$0x0], $0xffff  }
0x32: {  	v0 =	vld [tilespmem:s8+$0x190]  }
0x33: {  	[tilespmem:s1+$0xFFFFFF00] =	vst v2;
	v2 =	vld [tilespmem:s8+$0xFFFFFE90]  }
0x34: {  	[tilespmem:s1+$0xFFFFFF80] =	vst v3;
	v3 =	vld [tilespmem:s8+$0xFFFFFF10]  }
0x35: {  	[tilespmem:s1+$0x0] =	vst v4;
	v4 =	vld [tilespmem:s8+$0xFFFFFF90]  }
0x36: {  	[tilespmem:s1+$0x80] =	vst v5;
	v5 =	vld [tilespmem:s8+$0x10]  }
0x37: {  	[tilespmem:s1+$0x100] =	vst v6;
	v6 =	vld [tilespmem:s8+$0x90]  }
0x38: {  	v7 =	vld [tilespmem:s8+$0x110];
	[tilespmem:s1+$0xFFFFFE00] =	vst v1  }
0x39: {  	v1 =	vld [tilespmem:s8+$0xFFFFFE10]  }
0x3a: {  	v0 =	vld.idx.msk [tilespmem:v0+s4+$0x0], $0xffff  }
0x3b: {  	v2 =	vld.idx.msk [tilespmem:v2+s4+$0x0], $0xffff  }
0x3c: {  	v3 =	vld.idx.msk [tilespmem:v3+s4+$0x0], $0xffff  }
0x3d: {  	v4 =	vld.idx.msk [tilespmem:v4+s4+$0x0], $0xffff  }
0x3e: {  	v5 =	vld.idx.msk [tilespmem:v5+s4+$0x0], $0xffff  }
0x3f: {  	v6 =	vld.idx.msk [tilespmem:v6+s4+$0x0], $0xffff  }
0x40: {  	v7 =	vld.idx.msk [tilespmem:v7+s4+$0x0], $0xffff  }
0x41: {  	[tilespmem:s1+$0x190] =	vst v0;
	v1 =	vld.idx.msk [tilespmem:v1+s4+$0x0], $0xffff  }
0x42: {  	[tilespmem:s1+$0xFFFFFE90] =	vst v2;
	v0 =	vld [tilespmem:s8+$0x1A0]  }
0x43: {  	[tilespmem:s1+$0xFFFFFF10] =	vst v3;
	v2 =	vld [tilespmem:s8+$0xFFFFFEA0]  }
0x44: {  	[tilespmem:s1+$0xFFFFFF90] =	vst v4;
	v3 =	vld [tilespmem:s8+$0xFFFFFF20]  }
0x45: {  	[tilespmem:s1+$0x10] =	vst v5;
	v4 =	vld [tilespmem:s8+$0xFFFFFFA0]  }
0x46: {  	[tilespmem:s1+$0x90] =	vst v6;
	v5 =	vld [tilespmem:s8+$0x20]  }
0x47: {  	v6 =	vld [tilespmem:s8+$0xA0];
	[tilespmem:s1+$0xFFFFFE10] =	vst v1  }
0x48: {  	[tilespmem:s1+$0x110] =	vst v7;
	v1 =	vld [tilespmem:s8+$0xFFFFFE20]  }
0x49: {  	v7 =	vld [tilespmem:s8+$0x120]  }
0x4a: {  	v0 =	vld.idx.msk [tilespmem:v0+s4+$0x0], $0xffff  }
0x4b: {  	v2 =	vld.idx.msk [tilespmem:v2+s4+$0x0], $0xffff  }
0x4c: {  	v3 =	vld.idx.msk [tilespmem:v3+s4+$0x0], $0xffff  }
0x4d: {  	v4 =	vld.idx.msk [tilespmem:v4+s4+$0x0], $0xffff  }
0x4e: {  	v5 =	vld.idx.msk [tilespmem:v5+s4+$0x0], $0xffff  }
0x4f: {  	v6 =	vld.idx.msk [tilespmem:v6+s4+$0x0], $0xffff  }
0x50: {  	[tilespmem:s1+$0x1A0] =	vst v0;
	v1 =	vld.idx.msk [tilespmem:v1+s4+$0x0], $0xffff  }
0x51: {  	[tilespmem:s1+$0xFFFFFEA0] =	vst v2;
	v2 =	vld.idx.msk [tilespmem:v7+s4+$0x0], $0xffff  }
0x52: {  	[tilespmem:s1+$0xFFFFFF20] =	vst v3;
	v0 =	vld [tilespmem:s8+$0x1B0]  }
0x53: {  	[tilespmem:s1+$0xFFFFFFA0] =	vst v4;
	v3 =	vld [tilespmem:s8+$0xFFFFFEB0]  }
0x54: {  	[tilespmem:s1+$0x20] =	vst v5;
	v4 =	vld [tilespmem:s8+$0xFFFFFF30]  }
0x55: {  	[tilespmem:s1+$0xA0] =	vst v6;
	v5 =	vld [tilespmem:s8+$0xFFFFFFB0]  }
0x56: {  	v7 =	vld [tilespmem:s8+$0x30];
	[tilespmem:s1+$0xFFFFFE20] =	vst v1  }
0x57: {  	[tilespmem:s1+$0x120] =	vst v2;
	v2 =	vld [tilespmem:s8+$0xB0]  }
0x58: {  	v1 =	vld [tilespmem:s8+$0xFFFFFE30]  }
0x59: {  	v6 =	vld [tilespmem:s8+$0x130]  }
0x5a: {  	v0 =	vld.idx.msk [tilespmem:v0+s4+$0x0], $0xffff  }
0x5b: {  	v3 =	vld.idx.msk [tilespmem:v3+s4+$0x0], $0xffff  }
0x5c: {  	v4 =	vld.idx.msk [tilespmem:v4+s4+$0x0], $0xffff  }
0x5d: {  	v5 =	vld.idx.msk [tilespmem:v5+s4+$0x0], $0xffff  }
0x5e: {  	v7 =	vld.idx.msk [tilespmem:v7+s4+$0x0], $0xffff  }
0x5f: {  	v2 =	vld.idx.msk [tilespmem:v2+s4+$0x0], $0xffff  }
0x60: {  	[tilespmem:s1+$0x1B0] =	vst v0;
	v1 =	vld.idx.msk [tilespmem:v1+s4+$0x0], $0xffff  }
0x61: {  	[tilespmem:s1+$0xFFFFFEB0] =	vst v3;
	v3 =	vld.idx.msk [tilespmem:v6+s4+$0x0], $0xffff  }
0x62: {  	[tilespmem:s1+$0xFFFFFF30] =	vst v4;
	v0 =	vld [tilespmem:s8+$0x1C0]  }
0x63: {  	[tilespmem:s1+$0xFFFFFFB0] =	vst v5;
	v4 =	vld [tilespmem:s8+$0xFFFFFEC0]  }
0x64: {  	[tilespmem:s1+$0x30] =	vst v7;
	v5 =	vld [tilespmem:s8+$0xFFFFFF40]  }
0x65: {  	v6 =	vld [tilespmem:s8+$0xFFFFFFC0];
	[tilespmem:s1+$0xB0] =	vst v2  }
0x66: {  	v2 =	vld [tilespmem:s8+$0x40];
	[tilespmem:s1+$0xFFFFFE30] =	vst v1  }
0x67: {  	[tilespmem:s1+$0x130] =	vst v3;
	v3 =	vld [tilespmem:s8+$0xC0]  }
0x68: {  	v1 =	vld [tilespmem:s8+$0xFFFFFE40]  }
0x69: {  	v7 =	vld [tilespmem:s8+$0x140]  }
0x6a: {  	v0 =	vld.idx.msk [tilespmem:v0+s4+$0x0], $0xffff  }
0x6b: {  	v4 =	vld.idx.msk [tilespmem:v4+s4+$0x0], $0xffff  }
0x6c: {  	v5 =	vld.idx.msk [tilespmem:v5+s4+$0x0], $0xffff  }
0x6d: {  	v6 =	vld.idx.msk [tilespmem:v6+s4+$0x0], $0xffff  }
0x6e: {  	v2 =	vld.idx.msk [tilespmem:v2+s4+$0x0], $0xffff  }
0x6f: {  	v3 =	vld.idx.msk [tilespmem:v3+s4+$0x0], $0xffff  }
0x70: {  	[tilespmem:s1+$0x1C0] =	vst v0;
	v1 =	vld.idx.msk [tilespmem:v1+s4+$0x0], $0xffff  }
0x71: {  	[tilespmem:s1+$0xFFFFFEC0] =	vst v4;
	v4 =	vld.idx.msk [tilespmem:v7+s4+$0x0], $0xffff  }
0x72: {  	[tilespmem:s1+$0xFFFFFF40] =	vst v5;
	v0 =	vld [tilespmem:s8+$0x1D0]  }
0x73: {  	[tilespmem:s1+$0xFFFFFFC0] =	vst v6;
	v5 =	vld [tilespmem:s8+$0xFFFFFED0]  }
0x74: {  	v7 =	vld [tilespmem:s8+$0xFFFFFF50];
	[tilespmem:s1+$0x40] =	vst v2  }
0x75: {  	v2 =	vld [tilespmem:s8+$0xFFFFFFD0];
	[tilespmem:s1+$0xC0] =	vst v3  }
0x76: {  	v3 =	vld [tilespmem:s8+$0x50];
	[tilespmem:s1+$0xFFFFFE40] =	vst v1  }
0x77: {  	[tilespmem:s1+$0x140] =	vst v4;
	v4 =	vld [tilespmem:s8+$0xD0]  }
0x78: {  	v1 =	vld [tilespmem:s8+$0xFFFFFE50]  }
0x79: {  	v6 =	vld [tilespmem:s8+$0x150]  }
0x7a: {  	v0 =	vld.idx.msk [tilespmem:v0+s4+$0x0], $0xffff  }
0x7b: {  	v5 =	vld.idx.msk [tilespmem:v5+s4+$0x0], $0xffff  }
0x7c: {  	v7 =	vld.idx.msk [tilespmem:v7+s4+$0x0], $0xffff  }
0x7d: {  	v2 =	vld.idx.msk [tilespmem:v2+s4+$0x0], $0xffff  }
0x7e: {  	v3 =	vld.idx.msk [tilespmem:v3+s4+$0x0], $0xffff  }
0x7f: {  	v4 =	vld.idx.msk [tilespmem:v4+s4+$0x0], $0xffff  }
0x80: {  	[tilespmem:s1+$0x1D0] =	vst v0;
	v1 =	vld.idx.msk [tilespmem:v1+s4+$0x0], $0xffff  }
0x81: {  	[tilespmem:s1+$0xFFFFFED0] =	vst v5;
	v5 =	vld.idx.msk [tilespmem:v6+s4+$0x0], $0xffff  }
0x82: {  	[tilespmem:s1+$0xFFFFFF50] =	vst v7;
	v0 =	vld [tilespmem:s8+$0x1E0]  }
0x83: {  	v6 =	vld [tilespmem:s8+$0xFFFFFEE0];
	[tilespmem:s1+$0xFFFFFFD0] =	vst v2  }
0x84: {  	v2 =	vld [tilespmem:s8+$0xFFFFFF60];
	[tilespmem:s1+$0x50] =	vst v3  }
0x85: {  	v3 =	vld [tilespmem:s8+$0xFFFFFFE0];
	[tilespmem:s1+$0xFFFFFE50] =	vst v1  }
0x86: {  	v1 =	vld [tilespmem:s8+$0xFFFFFE60]  }
0x87: {  	[tilespmem:s1+$0xD0] =	vst v4;
	v4 =	vld [tilespmem:s8+$0x60]  }
0x88: {  	[tilespmem:s1+$0x150] =	vst v5;
	v5 =	vld [tilespmem:s8+$0xE0]  }
0x89: {  	v7 =	vld [tilespmem:s8+$0x160]  }
0x8a: {  	v0 =	vld.idx.msk [tilespmem:v0+s4+$0x0], $0xffff  }
0x8b: {  	v6 =	vld.idx.msk [tilespmem:v6+s4+$0x0], $0xffff  }
0x8c: {  	v2 =	vld.idx.msk [tilespmem:v2+s4+$0x0], $0xffff  }
0x8d: {  	v3 =	vld.idx.msk [tilespmem:v3+s4+$0x0], $0xffff  }
0x8e: {  	v1 =	vld.idx.msk [tilespmem:v1+s4+$0x0], $0xffff  }
0x8f: {  	v4 =	vld.idx.msk [tilespmem:v4+s4+$0x0], $0xffff  }
0x90: {  	v5 =	vld.idx.msk [tilespmem:v5+s4+$0x0], $0xffff;
	[tilespmem:s1+$0x1E0] =	vst v0  }
0x91: {  	[tilespmem:s1+$0xFFFFFEE0] =	vst v6;
	v0 =	vld [tilespmem:s8+$0x1F0]  }
0x92: {  	v7 =	vld.idx.msk [tilespmem:v7+s4+$0x0], $0xffff;
	[tilespmem:s1+$0xFFFFFF60] =	vst v2  }
0x93: {  	v2 =	vld [tilespmem:s8+$0xFFFFFEF0];
	[tilespmem:s1+$0xFFFFFE60] =	vst v1  }
0x94: {  	v1 =	vld [tilespmem:s8+$0xFFFFFE70]  }
0x95: {  	[tilespmem:s1+$0xFFFFFFE0] =	vst v3;
	v3 =	vld [tilespmem:s8+$0xFFFFFF70]  }
0x96: {  	[tilespmem:s1+$0x60] =	vst v4;
	v8 =	vld [tilespmem:s8+$0xFFFFFFF0]  }
0x97: {  	[tilespmem:s1+$0xE0] =	vst v5;
	v9 =	vld [tilespmem:s8+$0x70]  }
0x98: {  	v10 =	vld [tilespmem:s8+$0xF0]  }
0x99: {  	[tilespmem:s1+$0x160] =	vst v7;
	v11 =	vld.idx.msk [tilespmem:v0+s4+$0x0], $0xffff  }
0x9a: {  	v0 =	vld [tilespmem:s8+$0x170]  }
0x9b: {  	v5 =	vld.idx.msk [tilespmem:v2+s4+$0x0], $0xffff  }
0x9c: {  	v6 =	vld.idx.msk [tilespmem:v1+s4+$0x0], $0xffff  }
0x9d: {  	v4 =	vld.idx.msk [tilespmem:v3+s4+$0x0], $0xffff  }
0x9e: {  	s17 =	smul.u32 $0x18000, s29;
	v3 =	vld.idx.msk [tilespmem:v8+s4+$0x0], $0xffff  }
0x9f: {  	s30 =	smul.u32 $0x3, s29;
	s6 =	simm.s32 $0x0;
	v2 =	vld.idx.msk [tilespmem:v9+s4+$0x0], $0xffff  }
0xa0: {  	s7 =	simm.s32 $0x18D00;
	s31 =	sand.u32 $0x18000, s17;
	s0 =	simm.s32 $0x1B900;
	[tilespmem:s1+$0x1F0] =	vst v11;
	v1 =	vld.idx.msk [tilespmem:v10+s4+$0x0], $0xffff  }
.LBB2_3:
0xa1: {  	v7 =	vld [tilespmem:s7+$0x180];
	s6 =	sadd.s32 $0x8, s6;
	[tilespmem:s1+$0xFFFFFE70] =	vst v6  }
0xa2: {  	v6 =	vld [tilespmem:s7+$0xFFFFFE80];
	p1 =	slt.u32 s6, $0x18;
	[tilespmem:s1+$0xFFFFFEF0] =	vst v5  }
0xa3: {  	v5 =	vld [tilespmem:s7+$0xFFFFFF00];
	[tilespmem:s1+$0xFFFFFF70] =	vst v4  }
0xa4: {  	v4 =	vld [tilespmem:s7+$0xFFFFFF80];
	[tilespmem:s1+$0xFFFFFFF0] =	vst v3  }
0xa5: {  	v3 =	vld [tilespmem:s7+$0x0];
	[tilespmem:s1+$0x70] =	vst v2  }
0xa6: {  	v2 =	vld [tilespmem:s7+$0x80];
	[tilespmem:s1+$0xF0] =	vst v1  }
0xa7: {  	v1 =	vld [tilespmem:s7+$0x100]  }
0xa8: {  	v8 =	vld [tilespmem:s7+$0xFFFFFE00]  }
0xa9: {  	v7 =	vld.idx.msk [tilespmem:v7+s4+$0x0], $0xffff  }
0xaa: {  	v6 =	vld.idx.msk [tilespmem:v6+s4+$0x0], $0xffff  }
0xab: {  	v5 =	vld.idx.msk [tilespmem:v5+s4+$0x0], $0xffff  }
0xac: {  	v4 =	vld.idx.msk [tilespmem:v4+s4+$0x0], $0xffff  }
0xad: {  	v3 =	vld.idx.msk [tilespmem:v3+s4+$0x0], $0xffff  }
0xae: {  	s1 =	sadd.s32 $0x400, s1;
	v2 =	vld.idx.msk [tilespmem:v2+s4+$0x0], $0xffff  }
0xaf: {  	v1 =	vld.idx.msk [tilespmem:v1+s4+$0x0], $0xffff;
	[tilespmem:s1+$0x180] =	vst v7  }
0xb0: {  	[tilespmem:s1+$0xFFFFFE80] =	vst v6;
	v6 =	vld [tilespmem:s7+$0x190]  }
0xb1: {  	v7 =	vld.idx.msk [tilespmem:v8+s4+$0x0], $0xffff;
	[tilespmem:s1+$0xFFFFFF00] =	vst v5  }
0xb2: {  	v5 =	vld [tilespmem:s7+$0xFFFFFE90];
	[tilespmem:s1+$0xFFFFFF80] =	vst v4  }
0xb3: {  	v4 =	vld [tilespmem:s7+$0xFFFFFF10];
	[tilespmem:s1+$0x0] =	vst v3  }
0xb4: {  	v3 =	vld [tilespmem:s7+$0xFFFFFF90];
	[tilespmem:s1+$0x80] =	vst v2  }
0xb5: {  	v2 =	vld [tilespmem:s7+$0x10];
	[tilespmem:s1+$0x100] =	vst v1  }
0xb6: {  	v1 =	vld [tilespmem:s7+$0x90]  }
0xb7: {  	[tilespmem:s1+$0xFFFFFE00] =	vst v7;
	v7 =	vld [tilespmem:s7+$0x110]  }
0xb8: {  	v6 =	vld.idx.msk [tilespmem:v6+s4+$0x0], $0xffff  }
0xb9: {  	v8 =	vld [tilespmem:s7+$0xFFFFFE10]  }
0xba: {  	v5 =	vld.idx.msk [tilespmem:v5+s4+$0x0], $0xffff  }
0xbb: {  	v4 =	vld.idx.msk [tilespmem:v4+s4+$0x0], $0xffff  }
0xbc: {  	v3 =	vld.idx.msk [tilespmem:v3+s4+$0x0], $0xffff  }
0xbd: {  	v2 =	vld.idx.msk [tilespmem:v2+s4+$0x0], $0xffff  }
0xbe: {  	v1 =	vld.idx.msk [tilespmem:v1+s4+$0x0], $0xffff;
	[tilespmem:s1+$0x190] =	vst v6  }
0xbf: {  	v6 =	vld [tilespmem:s7+$0x1A0]  }
0xc0: {  	[tilespmem:s1+$0xFFFFFE90] =	vst v5;
	v5 =	vld.idx.msk [tilespmem:v7+s4+$0x0], $0xffff  }
0xc1: {  	v7 =	vld.idx.msk [tilespmem:v8+s4+$0x0], $0xffff;
	[tilespmem:s1+$0xFFFFFF10] =	vst v4  }
0xc2: {  	v4 =	vld [tilespmem:s7+$0xFFFFFEA0];
	[tilespmem:s1+$0xFFFFFF90] =	vst v3  }
0xc3: {  	v3 =	vld [tilespmem:s7+$0xFFFFFF20];
	[tilespmem:s1+$0x10] =	vst v2  }
0xc4: {  	v2 =	vld [tilespmem:s7+$0xFFFFFFA0];
	[tilespmem:s1+$0x90] =	vst v1  }
0xc5: {  	v1 =	vld [tilespmem:s7+$0x20]  }
0xc6: {  	v8 =	vld [tilespmem:s7+$0xA0];
	[tilespmem:s1+$0x110] =	vst v5  }
0xc7: {  	[tilespmem:s1+$0xFFFFFE10] =	vst v7;
	v5 =	vld.idx.msk [tilespmem:v6+s4+$0x0], $0xffff  }
0xc8: {  	v6 =	vld [tilespmem:s7+$0xFFFFFE20]  }
0xc9: {  	v7 =	vld [tilespmem:s7+$0x120]  }
0xca: {  	v4 =	vld.idx.msk [tilespmem:v4+s4+$0x0], $0xffff  }
0xcb: {  	v3 =	vld.idx.msk [tilespmem:v3+s4+$0x0], $0xffff  }
0xcc: {  	v2 =	vld.idx.msk [tilespmem:v2+s4+$0x0], $0xffff  }
0xcd: {  	v1 =	vld.idx.msk [tilespmem:v1+s4+$0x0], $0xffff;
	[tilespmem:s1+$0x1A0] =	vst v5  }
0xce: {  	v5 =	vld [tilespmem:s7+$0x1B0]  }
0xcf: {  	v8 =	vld.idx.msk [tilespmem:v8+s4+$0x0], $0xffff  }
0xd0: {  	v6 =	vld.idx.msk [tilespmem:v6+s4+$0x0], $0xffff;
	[tilespmem:s1+$0xFFFFFEA0] =	vst v4  }
0xd1: {  	[tilespmem:s1+$0xFFFFFF20] =	vst v3;
	v3 =	vld.idx.msk [tilespmem:v7+s4+$0x0], $0xffff  }
0xd2: {  	v4 =	vld [tilespmem:s7+$0xFFFFFEB0];
	[tilespmem:s1+$0xFFFFFFA0] =	vst v2  }
0xd3: {  	v2 =	vld [tilespmem:s7+$0xFFFFFF30];
	[tilespmem:s1+$0x20] =	vst v1  }
0xd4: {  	v1 =	vld [tilespmem:s7+$0xFFFFFFB0]  }
0xd5: {  	v7 =	vld [tilespmem:s7+$0x30];
	[tilespmem:s1+$0xA0] =	vst v8  }
0xd6: {  	[tilespmem:s1+$0xFFFFFE20] =	vst v6;
	v5 =	vld.idx.msk [tilespmem:v5+s4+$0x0], $0xffff  }
0xd7: {  	v6 =	vld [tilespmem:s7+$0xFFFFFE30];
	[tilespmem:s1+$0x120] =	vst v3  }
0xd8: {  	v3 =	vld [tilespmem:s7+$0xB0]  }
0xd9: {  	v8 =	vld [tilespmem:s7+$0x130]  }
0xda: {  	v4 =	vld.idx.msk [tilespmem:v4+s4+$0x0], $0xffff  }
0xdb: {  	v2 =	vld.idx.msk [tilespmem:v2+s4+$0x0], $0xffff  }
0xdc: {  	v1 =	vld.idx.msk [tilespmem:v1+s4+$0x0], $0xffff;
	[tilespmem:s1+$0x1B0] =	vst v5  }
0xdd: {  	v5 =	vld [tilespmem:s7+$0x1C0]  }
0xde: {  	v7 =	vld.idx.msk [tilespmem:v7+s4+$0x0], $0xffff  }
0xdf: {  	v6 =	vld.idx.msk [tilespmem:v6+s4+$0x0], $0xffff  }
0xe0: {  	[tilespmem:s1+$0xFFFFFEB0] =	vst v4;
	v3 =	vld.idx.msk [tilespmem:v3+s4+$0x0], $0xffff  }
0xe1: {  	[tilespmem:s1+$0xFFFFFF30] =	vst v2;
	v2 =	vld.idx.msk [tilespmem:v8+s4+$0x0], $0xffff  }
0xe2: {  	v4 =	vld [tilespmem:s7+$0xFFFFFEC0];
	[tilespmem:s1+$0xFFFFFFB0] =	vst v1  }
0xe3: {  	v1 =	vld [tilespmem:s7+$0xFFFFFF40]  }
0xe4: {  	v8 =	vld [tilespmem:s7+$0xFFFFFFC0];
	[tilespmem:s1+$0x30] =	vst v7  }
0xe5: {  	[tilespmem:s1+$0xFFFFFE30] =	vst v6;
	v5 =	vld.idx.msk [tilespmem:v5+s4+$0x0], $0xffff  }
0xe6: {  	v6 =	vld [tilespmem:s7+$0xFFFFFE40];
	[tilespmem:s1+$0xB0] =	vst v3  }
0xe7: {  	v3 =	vld [tilespmem:s7+$0x40];
	[tilespmem:s1+$0x130] =	vst v2  }
0xe8: {  	v2 =	vld [tilespmem:s7+$0xC0]  }
0xe9: {  	v7 =	vld [tilespmem:s7+$0x140]  }
0xea: {  	v4 =	vld.idx.msk [tilespmem:v4+s4+$0x0], $0xffff  }
0xeb: {  	v1 =	vld.idx.msk [tilespmem:v1+s4+$0x0], $0xffff;
	[tilespmem:s1+$0x1C0] =	vst v5  }
0xec: {  	v5 =	vld [tilespmem:s7+$0x1D0]  }
0xed: {  	v8 =	vld.idx.msk [tilespmem:v8+s4+$0x0], $0xffff  }
0xee: {  	v6 =	vld.idx.msk [tilespmem:v6+s4+$0x0], $0xffff  }
0xef: {  	v3 =	vld.idx.msk [tilespmem:v3+s4+$0x0], $0xffff  }
0xf0: {  	[tilespmem:s1+$0xFFFFFEC0] =	vst v4;
	v2 =	vld.idx.msk [tilespmem:v2+s4+$0x0], $0xffff  }
0xf1: {  	[tilespmem:s1+$0xFFFFFF40] =	vst v1;
	v1 =	vld.idx.msk [tilespmem:v7+s4+$0x0], $0xffff  }
0xf2: {  	v4 =	vld [tilespmem:s7+$0xFFFFFED0]  }
0xf3: {  	v7 =	vld [tilespmem:s7+$0xFFFFFF50];
	[tilespmem:s1+$0xFFFFFFC0] =	vst v8  }
0xf4: {  	[tilespmem:s1+$0xFFFFFE40] =	vst v6;
	v5 =	vld.idx.msk [tilespmem:v5+s4+$0x0], $0xffff  }
0xf5: {  	v6 =	vld [tilespmem:s7+$0xFFFFFE50];
	[tilespmem:s1+$0x40] =	vst v3  }
0xf6: {  	v3 =	vld [tilespmem:s7+$0xFFFFFFD0];
	[tilespmem:s1+$0xC0] =	vst v2  }
0xf7: {  	v2 =	vld [tilespmem:s7+$0x50];
	[tilespmem:s1+$0x140] =	vst v1  }
0xf8: {  	v1 =	vld [tilespmem:s7+$0xD0]  }
0xf9: {  	v8 =	vld [tilespmem:s7+$0x150]  }
0xfa: {  	v4 =	vld.idx.msk [tilespmem:v4+s4+$0x0], $0xffff;
	[tilespmem:s1+$0x1D0] =	vst v5  }
0xfb: {  	v5 =	vld [tilespmem:s7+$0x1E0]  }
0xfc: {  	v7 =	vld.idx.msk [tilespmem:v7+s4+$0x0], $0xffff  }
0xfd: {  	v6 =	vld.idx.msk [tilespmem:v6+s4+$0x0], $0xffff  }
0xfe: {  	v3 =	vld.idx.msk [tilespmem:v3+s4+$0x0], $0xffff  }
0xff: {  	v2 =	vld.idx.msk [tilespmem:v2+s4+$0x0], $0xffff  }
0x100: {  	[tilespmem:s1+$0xFFFFFED0] =	vst v4;
	v1 =	vld.idx.msk [tilespmem:v1+s4+$0x0], $0xffff  }
0x101: {  	v4 =	vld.idx.msk [tilespmem:v8+s4+$0x0], $0xffff  }
0x102: {  	v8 =	vld [tilespmem:s7+$0xFFFFFEE0];
	[tilespmem:s1+$0xFFFFFF50] =	vst v7  }
0x103: {  	[tilespmem:s1+$0xFFFFFE50] =	vst v6;
	v5 =	vld.idx.msk [tilespmem:v5+s4+$0x0], $0xffff  }
0x104: {  	v6 =	vld [tilespmem:s7+$0xFFFFFE60];
	[tilespmem:s1+$0xFFFFFFD0] =	vst v3  }
0x105: {  	v3 =	vld [tilespmem:s7+$0xFFFFFF60];
	[tilespmem:s1+$0x50] =	vst v2  }
0x106: {  	v2 =	vld [tilespmem:s7+$0xFFFFFFE0];
	[tilespmem:s1+$0xD0] =	vst v1  }
0x107: {  	v1 =	vld [tilespmem:s7+$0x60];
	[tilespmem:s1+$0x150] =	vst v4  }
0x108: {  	v4 =	vld [tilespmem:s7+$0xE0]  }
0x109: {  	v7 =	vld [tilespmem:s7+$0x160];
	[tilespmem:s1+$0x1E0] =	vst v5  }
0x10a: {  	v5 =	vld [tilespmem:s7+$0x1F0]  }
0x10b: {  	v8 =	vld.idx.msk [tilespmem:v8+s4+$0x0], $0xffff  }
0x10c: {  	v6 =	vld.idx.msk [tilespmem:v6+s4+$0x0], $0xffff  }
0x10d: {  	v3 =	vld.idx.msk [tilespmem:v3+s4+$0x0], $0xffff  }
0x10e: {  	v2 =	vld.idx.msk [tilespmem:v2+s4+$0x0], $0xffff  }
0x10f: {  	v1 =	vld.idx.msk [tilespmem:v1+s4+$0x0], $0xffff  }
0x110: {  	v4 =	vld.idx.msk [tilespmem:v4+s4+$0x0], $0xffff  }
0x111: {  	[tilespmem:s1+$0xFFFFFEE0] =	vst v8;
	v7 =	vld.idx.msk [tilespmem:v7+s4+$0x0], $0xffff  }
0x112: {  	[tilespmem:s1+$0xFFFFFE60] =	vst v6;
	v5 =	vld.idx.msk [tilespmem:v5+s4+$0x0], $0xffff  }
0x113: {  	v6 =	vld [tilespmem:s7+$0xFFFFFE70];
	[tilespmem:s1+$0xFFFFFF60] =	vst v3  }
0x114: {  	v3 =	vld [tilespmem:s7+$0xFFFFFEF0];
	[tilespmem:s1+$0xFFFFFFE0] =	vst v2  }
0x115: {  	v2 =	vld [tilespmem:s7+$0xFFFFFF70];
	[tilespmem:s1+$0x60] =	vst v1  }
0x116: {  	v1 =	vld [tilespmem:s7+$0xFFFFFFF0];
	[tilespmem:s1+$0xE0] =	vst v4  }
0x117: {  	v8 =	vld [tilespmem:s7+$0x70];
	[tilespmem:s1+$0x160] =	vst v7  }
0x118: {  	v7 =	vld [tilespmem:s7+$0xF0];
	[tilespmem:s1+$0x1F0] =	vst v5  }
0x119: {  	v9 =	vld [tilespmem:s7+$0x170]  }
0x11a: {  	v10 =	vld.idx.msk [tilespmem:v0+s4+$0x0], $0xffff  }
0x11b: {  	v6 =	vld.idx.msk [tilespmem:v6+s4+$0x0], $0xffff  }
.Ltmp0:
0x11c: {  	v5 =	vld.idx.msk [tilespmem:v3+s4+$0x0], $0xffff;
	(pc) =	sbr.rel @p1 .LBB2_3-.Ltmp0, $4  }
0x11d: {  	v4 =	vld.idx.msk [tilespmem:v2+s4+$0x0], $0xffff  }
0x11e: {  	v3 =	vld.idx.msk [tilespmem:v1+s4+$0x0], $0xffff;
	v0 =	vmov v9  }
0x11f: {  	v2 =	vld.idx.msk [tilespmem:v8+s4+$0x0], $0xffff  }
0x120: {  	s7 =	sadd.s32 $0x400, s7;
	v1 =	vld.idx.msk [tilespmem:v7+s4+$0x0], $0xffff;
	[tilespmem:s0+$0x170] =	vst v10;
	s0 =	smov.u32 s1  }
0x121: {  	_ =	sdelay $0x2  }
0x122: {  	[tilespmem:s1+$0xFFFFFE70] =	vst v6  }
0x123: {  	[tilespmem:s1+$0xFFFFFEF0] =	vst v5;
	v0 =	vld.idx.msk [tilespmem:v0+s4+$0x0], $0xffff  }
0x124: {  	s6 =	sadd.s32 $0x3, s30;
	[tilespmem:s1+$0xFFFFFF70] =	vst v4  }
0x125: {  	s7 =	sshll.u32 s6, $0x9;
	s8 =	sshll.u32 s6, $0xC;
	s6 =	sshll.u32 s6, $0x2;
	[tilespmem:s1+$0xFFFFFFF0] =	vst v3  }
0x126: {  	s7 =	sand.u32 $0x1FC000, s7;
	s8 =	sand.u32 $0x3000, s8;
	s6 =	sand.u32 $0x70, s6;
	[tilespmem:s1+$0x70] =	vst v2  }
0x127: {  	s17 =	sor.u32 s8, s7;
	s6 =	sadd.s32 s2, s6;
	[tilespmem:s1+$0xF0] =	vst v1  }
0x128: {  	s1 =	sadd.s32 s17, s6;
	s6 =	smul.u32 $0x60000, s29;
	[tilespmem:s0+$0x170] =	vst v0  }
0x129: {  	[tilespmem:s15], [sflag:$0x2] =	stream.strided.gather [hbm4b:s1+s13], $0x1000, s14, s13, $0x38;
	[tilespmem:$0x1E700] =	vst v63  }
0x12a: {  	s7 =	sand.u32 $0xFF80000, s6  }
0x12b: {  	s0 =	sor.u32 s5, s7  }
0x12c: {  	s0 =	sor.u32 s31, s0  }
0x12d: {  	s0 =	sshrl.u32 s0, $0x3  }
0x12e: {  	s0 =	sadd.s32 s3, s0  }
0x12f: {  	[hbm4b:s0+s13] =	stream.strided.scatter [tilespmem:s19], [sflag:$0x5], $0x1000, s14, s13, $0x38;
	[tilespmem:$0x1E700] =	vst v63  }
0x130: {  	_ =	swait.ge [sflag:s20], $0x1000  }
0x131: {  	[sflag:s20] =	ssyncset.done $0x0  }
0x132: {  	s0 =	simm.s32 @!p0 $0x6;
	[sflag:s20] =	ssyncadd.s32 $0xFFFFF000  }
0x133: {  	_ =	swait.ge @!p0 [sflag:s0], $0x1000  }
0x134: {  	[sflag:s0] =	ssyncset.done @!p0 $0x0  }
0x135: {  	s8 =	simm.s32 $0x19900;
	[sflag:s0] =	ssyncadd.s32 @!p0 $0xFFFFF000  }
0x136: {  	v0 =	vld [tilespmem:s8+$0x180]  }
0x137: {  	v1 =	vld [tilespmem:s8+$0xFFFFFE80]  }
0x138: {  	v2 =	vld [tilespmem:s8+$0xFFFFFF00]  }
0x139: {  	v3 =	vld [tilespmem:s8+$0xFFFFFF80]  }
0x13a: {  	v4 =	vld [tilespmem:s8+$0x0]  }
0x13b: {  	v5 =	vld [tilespmem:s8+$0x80]  }
0x13c: {  	v6 =	vld [tilespmem:s8+$0x100]  }
0x13d: {  	v7 =	vld [tilespmem:s8+$0xFFFFFE00]  }
0x13e: {  	v0 =	vld.idx.msk [tilespmem:v0+s4+$0x0], $0xffff  }
0x13f: {  	v1 =	vld.idx.msk [tilespmem:v1+s4+$0x0], $0xffff  }
0x140: {  	v2 =	vld.idx.msk [tilespmem:v2+s4+$0x0], $0xffff  }
0x141: {  	v3 =	vld.idx.msk [tilespmem:v3+s4+$0x0], $0xffff  }
0x142: {  	v4 =	vld.idx.msk [tilespmem:v4+s4+$0x0], $0xffff  }
0x143: {  	s1 =	simm.s32 $0x1C900;
	v5 =	vld.idx.msk [tilespmem:v5+s4+$0x0], $0xffff  }
0x144: {  	v6 =	vld.idx.msk [tilespmem:v6+s4+$0x0], $0xffff;
	[tilespmem:s1+$0x180] =	vst v0  }
0x145: {  	[tilespmem:s1+$0xFFFFFE80] =	vst v1;
	v1 =	vld.idx.msk [tilespmem:v7+s4+$0x0], $0xffff  }
0x146: {  	v0 =	vld [tilespmem:s8+$0x190]  }
0x147: {  	[tilespmem:s1+$0xFFFFFF00] =	vst v2;
	v2 =	vld [tilespmem:s8+$0xFFFFFE90]  }
0x148: {  	[tilespmem:s1+$0xFFFFFF80] =	vst v3;
	v3 =	vld [tilespmem:s8+$0xFFFFFF10]  }
0x149: {  	[tilespmem:s1+$0x0] =	vst v4;
	v4 =	vld [tilespmem:s8+$0xFFFFFF90]  }
0x14a: {  	[tilespmem:s1+$0x80] =	vst v5;
	v5 =	vld [tilespmem:s8+$0x10]  }
0x14b: {  	[tilespmem:s1+$0x100] =	vst v6;
	v6 =	vld [tilespmem:s8+$0x90]  }
0x14c: {  	v7 =	vld [tilespmem:s8+$0x110];
	[tilespmem:s1+$0xFFFFFE00] =	vst v1  }
0x14d: {  	v1 =	vld [tilespmem:s8+$0xFFFFFE10]  }
0x14e: {  	v0 =	vld.idx.msk [tilespmem:v0+s4+$0x0], $0xffff  }
0x14f: {  	v2 =	vld.idx.msk [tilespmem:v2+s4+$0x0], $0xffff  }
0x150: {  	v3 =	vld.idx.msk [tilespmem:v3+s4+$0x0], $0xffff  }
0x151: {  	v4 =	vld.idx.msk [tilespmem:v4+s4+$0x0], $0xffff  }
0x152: {  	v5 =	vld.idx.msk [tilespmem:v5+s4+$0x0], $0xffff  }
0x153: {  	v6 =	vld.idx.msk [tilespmem:v6+s4+$0x0], $0xffff  }
0x154: {  	v7 =	vld.idx.msk [tilespmem:v7+s4+$0x0], $0xffff  }
0x155: {  	[tilespmem:s1+$0x190] =	vst v0;
	v1 =	vld.idx.msk [tilespmem:v1+s4+$0x0], $0xffff  }
0x156: {  	[tilespmem:s1+$0xFFFFFE90] =	vst v2;
	v0 =	vld [tilespmem:s8+$0x1A0]  }
0x157: {  	[tilespmem:s1+$0xFFFFFF10] =	vst v3;
	v2 =	vld [tilespmem:s8+$0xFFFFFEA0]  }
0x158: {  	[tilespmem:s1+$0xFFFFFF90] =	vst v4;
	v3 =	vld [tilespmem:s8+$0xFFFFFF20]  }
0x159: {  	[tilespmem:s1+$0x10] =	vst v5;
	v4 =	vld [tilespmem:s8+$0xFFFFFFA0]  }
0x15a: {  	[tilespmem:s1+$0x90] =	vst v6;
	v5 =	vld [tilespmem:s8+$0x20]  }
0x15b: {  	v6 =	vld [tilespmem:s8+$0xA0];
	[tilespmem:s1+$0xFFFFFE10] =	vst v1  }
0x15c: {  	[tilespmem:s1+$0x110] =	vst v7;
	v1 =	vld [tilespmem:s8+$0xFFFFFE20]  }
0x15d: {  	v7 =	vld [tilespmem:s8+$0x120]  }
0x15e: {  	v0 =	vld.idx.msk [tilespmem:v0+s4+$0x0], $0xffff  }
0x15f: {  	v2 =	vld.idx.msk [tilespmem:v2+s4+$0x0], $0xffff  }
0x160: {  	v3 =	vld.idx.msk [tilespmem:v3+s4+$0x0], $0xffff  }
0x161: {  	v4 =	vld.idx.msk [tilespmem:v4+s4+$0x0], $0xffff  }
0x162: {  	v5 =	vld.idx.msk [tilespmem:v5+s4+$0x0], $0xffff  }
0x163: {  	v6 =	vld.idx.msk [tilespmem:v6+s4+$0x0], $0xffff  }
0x164: {  	[tilespmem:s1+$0x1A0] =	vst v0;
	v1 =	vld.idx.msk [tilespmem:v1+s4+$0x0], $0xffff  }
0x165: {  	[tilespmem:s1+$0xFFFFFEA0] =	vst v2;
	v2 =	vld.idx.msk [tilespmem:v7+s4+$0x0], $0xffff  }
0x166: {  	[tilespmem:s1+$0xFFFFFF20] =	vst v3;
	v0 =	vld [tilespmem:s8+$0x1B0]  }
0x167: {  	[tilespmem:s1+$0xFFFFFFA0] =	vst v4;
	v3 =	vld [tilespmem:s8+$0xFFFFFEB0]  }
0x168: {  	[tilespmem:s1+$0x20] =	vst v5;
	v4 =	vld [tilespmem:s8+$0xFFFFFF30]  }
0x169: {  	[tilespmem:s1+$0xA0] =	vst v6;
	v5 =	vld [tilespmem:s8+$0xFFFFFFB0]  }
0x16a: {  	v7 =	vld [tilespmem:s8+$0x30];
	[tilespmem:s1+$0xFFFFFE20] =	vst v1  }
0x16b: {  	[tilespmem:s1+$0x120] =	vst v2;
	v2 =	vld [tilespmem:s8+$0xB0]  }
0x16c: {  	v1 =	vld [tilespmem:s8+$0xFFFFFE30]  }
0x16d: {  	v6 =	vld [tilespmem:s8+$0x130]  }
0x16e: {  	v0 =	vld.idx.msk [tilespmem:v0+s4+$0x0], $0xffff  }
0x16f: {  	v3 =	vld.idx.msk [tilespmem:v3+s4+$0x0], $0xffff  }
0x170: {  	v4 =	vld.idx.msk [tilespmem:v4+s4+$0x0], $0xffff  }
0x171: {  	v5 =	vld.idx.msk [tilespmem:v5+s4+$0x0], $0xffff  }
0x172: {  	v7 =	vld.idx.msk [tilespmem:v7+s4+$0x0], $0xffff  }
0x173: {  	v2 =	vld.idx.msk [tilespmem:v2+s4+$0x0], $0xffff  }
0x174: {  	[tilespmem:s1+$0x1B0] =	vst v0;
	v1 =	vld.idx.msk [tilespmem:v1+s4+$0x0], $0xffff  }
0x175: {  	[tilespmem:s1+$0xFFFFFEB0] =	vst v3;
	v3 =	vld.idx.msk [tilespmem:v6+s4+$0x0], $0xffff  }
0x176: {  	[tilespmem:s1+$0xFFFFFF30] =	vst v4;
	v0 =	vld [tilespmem:s8+$0x1C0]  }
0x177: {  	[tilespmem:s1+$0xFFFFFFB0] =	vst v5;
	v4 =	vld [tilespmem:s8+$0xFFFFFEC0]  }
0x178: {  	[tilespmem:s1+$0x30] =	vst v7;
	v5 =	vld [tilespmem:s8+$0xFFFFFF40]  }
0x179: {  	v6 =	vld [tilespmem:s8+$0xFFFFFFC0];
	[tilespmem:s1+$0xB0] =	vst v2  }
0x17a: {  	v2 =	vld [tilespmem:s8+$0x40];
	[tilespmem:s1+$0xFFFFFE30] =	vst v1  }
0x17b: {  	[tilespmem:s1+$0x130] =	vst v3;
	v3 =	vld [tilespmem:s8+$0xC0]  }
0x17c: {  	v1 =	vld [tilespmem:s8+$0xFFFFFE40]  }
0x17d: {  	v7 =	vld [tilespmem:s8+$0x140]  }
0x17e: {  	v0 =	vld.idx.msk [tilespmem:v0+s4+$0x0], $0xffff  }
0x17f: {  	v4 =	vld.idx.msk [tilespmem:v4+s4+$0x0], $0xffff  }
0x180: {  	v5 =	vld.idx.msk [tilespmem:v5+s4+$0x0], $0xffff  }
0x181: {  	v6 =	vld.idx.msk [tilespmem:v6+s4+$0x0], $0xffff  }
0x182: {  	v2 =	vld.idx.msk [tilespmem:v2+s4+$0x0], $0xffff  }
0x183: {  	v3 =	vld.idx.msk [tilespmem:v3+s4+$0x0], $0xffff  }
0x184: {  	[tilespmem:s1+$0x1C0] =	vst v0;
	v1 =	vld.idx.msk [tilespmem:v1+s4+$0x0], $0xffff  }
0x185: {  	[tilespmem:s1+$0xFFFFFEC0] =	vst v4;
	v4 =	vld.idx.msk [tilespmem:v7+s4+$0x0], $0xffff  }
0x186: {  	[tilespmem:s1+$0xFFFFFF40] =	vst v5;
	v0 =	vld [tilespmem:s8+$0x1D0]  }
0x187: {  	[tilespmem:s1+$0xFFFFFFC0] =	vst v6;
	v5 =	vld [tilespmem:s8+$0xFFFFFED0]  }
0x188: {  	v7 =	vld [tilespmem:s8+$0xFFFFFF50];
	[tilespmem:s1+$0x40] =	vst v2  }
0x189: {  	v2 =	vld [tilespmem:s8+$0xFFFFFFD0];
	[tilespmem:s1+$0xC0] =	vst v3  }
0x18a: {  	v3 =	vld [tilespmem:s8+$0x50];
	[tilespmem:s1+$0xFFFFFE40] =	vst v1  }
0x18b: {  	[tilespmem:s1+$0x140] =	vst v4;
	v4 =	vld [tilespmem:s8+$0xD0]  }
0x18c: {  	v1 =	vld [tilespmem:s8+$0xFFFFFE50]  }
0x18d: {  	v6 =	vld [tilespmem:s8+$0x150]  }
0x18e: {  	v0 =	vld.idx.msk [tilespmem:v0+s4+$0x0], $0xffff  }
0x18f: {  	v5 =	vld.idx.msk [tilespmem:v5+s4+$0x0], $0xffff  }
0x190: {  	v7 =	vld.idx.msk [tilespmem:v7+s4+$0x0], $0xffff  }
0x191: {  	v2 =	vld.idx.msk [tilespmem:v2+s4+$0x0], $0xffff  }
0x192: {  	v3 =	vld.idx.msk [tilespmem:v3+s4+$0x0], $0xffff  }
0x193: {  	v4 =	vld.idx.msk [tilespmem:v4+s4+$0x0], $0xffff  }
0x194: {  	[tilespmem:s1+$0x1D0] =	vst v0;
	v1 =	vld.idx.msk [tilespmem:v1+s4+$0x0], $0xffff  }
0x195: {  	[tilespmem:s1+$0xFFFFFED0] =	vst v5;
	v5 =	vld.idx.msk [tilespmem:v6+s4+$0x0], $0xffff  }
0x196: {  	[tilespmem:s1+$0xFFFFFF50] =	vst v7;
	v0 =	vld [tilespmem:s8+$0x1E0]  }
0x197: {  	v6 =	vld [tilespmem:s8+$0xFFFFFEE0];
	[tilespmem:s1+$0xFFFFFFD0] =	vst v2  }
0x198: {  	v2 =	vld [tilespmem:s8+$0xFFFFFF60];
	[tilespmem:s1+$0x50] =	vst v3  }
0x199: {  	v3 =	vld [tilespmem:s8+$0xFFFFFFE0];
	[tilespmem:s1+$0xFFFFFE50] =	vst v1  }
0x19a: {  	v1 =	vld [tilespmem:s8+$0xFFFFFE60]  }
0x19b: {  	[tilespmem:s1+$0xD0] =	vst v4;
	v4 =	vld [tilespmem:s8+$0x60]  }
0x19c: {  	[tilespmem:s1+$0x150] =	vst v5;
	v5 =	vld [tilespmem:s8+$0xE0]  }
0x19d: {  	v7 =	vld [tilespmem:s8+$0x160]  }
0x19e: {  	v0 =	vld.idx.msk [tilespmem:v0+s4+$0x0], $0xffff  }
0x19f: {  	v6 =	vld.idx.msk [tilespmem:v6+s4+$0x0], $0xffff  }
0x1a0: {  	v2 =	vld.idx.msk [tilespmem:v2+s4+$0x0], $0xffff  }
0x1a1: {  	v3 =	vld.idx.msk [tilespmem:v3+s4+$0x0], $0xffff  }
0x1a2: {  	v1 =	vld.idx.msk [tilespmem:v1+s4+$0x0], $0xffff  }
0x1a3: {  	v4 =	vld.idx.msk [tilespmem:v4+s4+$0x0], $0xffff  }
0x1a4: {  	v5 =	vld.idx.msk [tilespmem:v5+s4+$0x0], $0xffff;
	[tilespmem:s1+$0x1E0] =	vst v0  }
0x1a5: {  	[tilespmem:s1+$0xFFFFFEE0] =	vst v6;
	v0 =	vld [tilespmem:s8+$0x1F0]  }
0x1a6: {  	v7 =	vld.idx.msk [tilespmem:v7+s4+$0x0], $0xffff;
	[tilespmem:s1+$0xFFFFFF60] =	vst v2  }
0x1a7: {  	v2 =	vld [tilespmem:s8+$0xFFFFFEF0];
	[tilespmem:s1+$0xFFFFFE60] =	vst v1  }
0x1a8: {  	[tilespmem:s1+$0xFFFFFFE0] =	vst v3;
	v1 =	vld [tilespmem:s8+$0xFFFFFE70]  }
0x1a9: {  	v3 =	vld [tilespmem:s8+$0xFFFFFF70];
	[tilespmem:s1+$0x60] =	vst v4  }
0x1aa: {  	v9 =	vld [tilespmem:s8+$0x70]  }
0x1ab: {  	v8 =	vld [tilespmem:s8+$0xFFFFFFF0];
	[tilespmem:s1+$0xE0] =	vst v5  }
0x1ac: {  	v10 =	vld [tilespmem:s8+$0xF0]  }
0x1ad: {  	[tilespmem:s1+$0x160] =	vst v7;
	v11 =	vld.idx.msk [tilespmem:v0+s4+$0x0], $0xffff  }
0x1ae: {  	v0 =	vld [tilespmem:s8+$0x170]  }
0x1af: {  	v5 =	vld.idx.msk [tilespmem:v2+s4+$0x0], $0xffff  }
0x1b0: {  	v6 =	vld.idx.msk [tilespmem:v1+s4+$0x0], $0xffff  }
0x1b1: {  	v4 =	vld.idx.msk [tilespmem:v3+s4+$0x0], $0xffff  }
0x1b2: {  	s0 =	sadd.s32 $0x1, s30;
	v2 =	vld.idx.msk [tilespmem:v9+s4+$0x0], $0xffff  }
0x1b3: {  	s6 =	simm.s32 $0x1C900;
	s17 =	sshll.u32 s0, $0xF;
	v1 =	vld.idx.msk [tilespmem:v8+s4+$0x0], $0xffff  }
0x1b4: {  	s7 =	simm.s32 $0x0;
	s17 =	sand.u32 $0x18000, s17;
	s8 =	simm.s32 $0x19D00;
	v3 =	vld.idx.msk [tilespmem:v10+s4+$0x0], $0xffff;
	[tilespmem:s1+$0x1F0] =	vst v11  }
.LBB2_5:
0x1b5: {  	v7 =	vld [tilespmem:s8+$0x180];
	s7 =	sadd.s32 $0x8, s7;
	[tilespmem:s1+$0xFFFFFE70] =	vst v6  }
0x1b6: {  	v6 =	vld [tilespmem:s8+$0xFFFFFE80];
	p1 =	slt.u32 s7, $0x18;
	[tilespmem:s1+$0xFFFFFEF0] =	vst v5  }
0x1b7: {  	v5 =	vld [tilespmem:s8+$0xFFFFFF00];
	[tilespmem:s1+$0xFFFFFF70] =	vst v4  }
0x1b8: {  	v4 =	vld [tilespmem:s8+$0xFFFFFF80];
	[tilespmem:s1+$0xFFFFFFF0] =	vst v1  }
0x1b9: {  	v1 =	vld [tilespmem:s8+$0x0];
	[tilespmem:s1+$0x70] =	vst v2  }
0x1ba: {  	v2 =	vld [tilespmem:s8+$0x80];
	[tilespmem:s1+$0xF0] =	vst v3  }
0x1bb: {  	v3 =	vld [tilespmem:s8+$0x100]  }
0x1bc: {  	v8 =	vld [tilespmem:s8+$0xFFFFFE00]  }
0x1bd: {  	v7 =	vld.idx.msk [tilespmem:v7+s4+$0x0], $0xffff  }
0x1be: {  	v6 =	vld.idx.msk [tilespmem:v6+s4+$0x0], $0xffff  }
0x1bf: {  	v5 =	vld.idx.msk [tilespmem:v5+s4+$0x0], $0xffff  }
0x1c0: {  	v4 =	vld.idx.msk [tilespmem:v4+s4+$0x0], $0xffff  }
0x1c1: {  	v1 =	vld.idx.msk [tilespmem:v1+s4+$0x0], $0xffff  }
0x1c2: {  	s1 =	sadd.s32 $0x400, s1;
	v2 =	vld.idx.msk [tilespmem:v2+s4+$0x0], $0xffff  }
0x1c3: {  	v3 =	vld.idx.msk [tilespmem:v3+s4+$0x0], $0xffff;
	[tilespmem:s1+$0x180] =	vst v7  }
0x1c4: {  	[tilespmem:s1+$0xFFFFFE80] =	vst v6;
	v6 =	vld [tilespmem:s8+$0x190]  }
0x1c5: {  	v7 =	vld.idx.msk [tilespmem:v8+s4+$0x0], $0xffff;
	[tilespmem:s1+$0xFFFFFF00] =	vst v5  }
0x1c6: {  	v5 =	vld [tilespmem:s8+$0xFFFFFE90];
	[tilespmem:s1+$0xFFFFFF80] =	vst v4  }
0x1c7: {  	v4 =	vld [tilespmem:s8+$0xFFFFFF10];
	[tilespmem:s1+$0x0] =	vst v1  }
0x1c8: {  	v1 =	vld [tilespmem:s8+$0xFFFFFF90];
	[tilespmem:s1+$0x80] =	vst v2  }
0x1c9: {  	v2 =	vld [tilespmem:s8+$0x10];
	[tilespmem:s1+$0x100] =	vst v3  }
0x1ca: {  	v3 =	vld [tilespmem:s8+$0x90]  }
0x1cb: {  	[tilespmem:s1+$0xFFFFFE00] =	vst v7;
	v7 =	vld [tilespmem:s8+$0x110]  }
0x1cc: {  	v6 =	vld.idx.msk [tilespmem:v6+s4+$0x0], $0xffff  }
0x1cd: {  	v8 =	vld [tilespmem:s8+$0xFFFFFE10]  }
0x1ce: {  	v5 =	vld.idx.msk [tilespmem:v5+s4+$0x0], $0xffff  }
0x1cf: {  	v4 =	vld.idx.msk [tilespmem:v4+s4+$0x0], $0xffff  }
0x1d0: {  	v1 =	vld.idx.msk [tilespmem:v1+s4+$0x0], $0xffff  }
0x1d1: {  	v2 =	vld.idx.msk [tilespmem:v2+s4+$0x0], $0xffff  }
0x1d2: {  	v3 =	vld.idx.msk [tilespmem:v3+s4+$0x0], $0xffff;
	[tilespmem:s1+$0x190] =	vst v6  }
0x1d3: {  	v6 =	vld [tilespmem:s8+$0x1A0]  }
0x1d4: {  	[tilespmem:s1+$0xFFFFFE90] =	vst v5;
	v5 =	vld.idx.msk [tilespmem:v7+s4+$0x0], $0xffff  }
0x1d5: {  	v7 =	vld.idx.msk [tilespmem:v8+s4+$0x0], $0xffff;
	[tilespmem:s1+$0xFFFFFF10] =	vst v4  }
0x1d6: {  	v4 =	vld [tilespmem:s8+$0xFFFFFEA0];
	[tilespmem:s1+$0xFFFFFF90] =	vst v1  }
0x1d7: {  	v1 =	vld [tilespmem:s8+$0xFFFFFF20];
	[tilespmem:s1+$0x10] =	vst v2  }
0x1d8: {  	v2 =	vld [tilespmem:s8+$0xFFFFFFA0];
	[tilespmem:s1+$0x90] =	vst v3  }
0x1d9: {  	v3 =	vld [tilespmem:s8+$0x20]  }
0x1da: {  	v8 =	vld [tilespmem:s8+$0xA0];
	[tilespmem:s1+$0x110] =	vst v5  }
0x1db: {  	[tilespmem:s1+$0xFFFFFE10] =	vst v7;
	v5 =	vld.idx.msk [tilespmem:v6+s4+$0x0], $0xffff  }
0x1dc: {  	v6 =	vld [tilespmem:s8+$0xFFFFFE20]  }
0x1dd: {  	v7 =	vld [tilespmem:s8+$0x120]  }
0x1de: {  	v4 =	vld.idx.msk [tilespmem:v4+s4+$0x0], $0xffff  }
0x1df: {  	v1 =	vld.idx.msk [tilespmem:v1+s4+$0x0], $0xffff  }
0x1e0: {  	v2 =	vld.idx.msk [tilespmem:v2+s4+$0x0], $0xffff  }
0x1e1: {  	v3 =	vld.idx.msk [tilespmem:v3+s4+$0x0], $0xffff;
	[tilespmem:s1+$0x1A0] =	vst v5  }
0x1e2: {  	v5 =	vld [tilespmem:s8+$0x1B0]  }
0x1e3: {  	v8 =	vld.idx.msk [tilespmem:v8+s4+$0x0], $0xffff  }
0x1e4: {  	v6 =	vld.idx.msk [tilespmem:v6+s4+$0x0], $0xffff;
	[tilespmem:s1+$0xFFFFFEA0] =	vst v4  }
0x1e5: {  	[tilespmem:s1+$0xFFFFFF20] =	vst v1;
	v1 =	vld.idx.msk [tilespmem:v7+s4+$0x0], $0xffff  }
0x1e6: {  	v4 =	vld [tilespmem:s8+$0xFFFFFEB0];
	[tilespmem:s1+$0xFFFFFFA0] =	vst v2  }
0x1e7: {  	v2 =	vld [tilespmem:s8+$0xFFFFFF30];
	[tilespmem:s1+$0x20] =	vst v3  }
0x1e8: {  	v3 =	vld [tilespmem:s8+$0xFFFFFFB0]  }
0x1e9: {  	v7 =	vld [tilespmem:s8+$0x30];
	[tilespmem:s1+$0xA0] =	vst v8  }
0x1ea: {  	[tilespmem:s1+$0xFFFFFE20] =	vst v6;
	v5 =	vld.idx.msk [tilespmem:v5+s4+$0x0], $0xffff  }
0x1eb: {  	v6 =	vld [tilespmem:s8+$0xFFFFFE30];
	[tilespmem:s1+$0x120] =	vst v1  }
0x1ec: {  	v1 =	vld [tilespmem:s8+$0xB0]  }
0x1ed: {  	v8 =	vld [tilespmem:s8+$0x130]  }
0x1ee: {  	v4 =	vld.idx.msk [tilespmem:v4+s4+$0x0], $0xffff  }
0x1ef: {  	v2 =	vld.idx.msk [tilespmem:v2+s4+$0x0], $0xffff  }
0x1f0: {  	v3 =	vld.idx.msk [tilespmem:v3+s4+$0x0], $0xffff;
	[tilespmem:s1+$0x1B0] =	vst v5  }
0x1f1: {  	v5 =	vld [tilespmem:s8+$0x1C0]  }
0x1f2: {  	v7 =	vld.idx.msk [tilespmem:v7+s4+$0x0], $0xffff  }
0x1f3: {  	v6 =	vld.idx.msk [tilespmem:v6+s4+$0x0], $0xffff  }
0x1f4: {  	[tilespmem:s1+$0xFFFFFEB0] =	vst v4;
	v1 =	vld.idx.msk [tilespmem:v1+s4+$0x0], $0xffff  }
0x1f5: {  	[tilespmem:s1+$0xFFFFFF30] =	vst v2;
	v2 =	vld.idx.msk [tilespmem:v8+s4+$0x0], $0xffff  }
0x1f6: {  	v4 =	vld [tilespmem:s8+$0xFFFFFEC0];
	[tilespmem:s1+$0xFFFFFFB0] =	vst v3  }
0x1f7: {  	v3 =	vld [tilespmem:s8+$0xFFFFFF40]  }
0x1f8: {  	v8 =	vld [tilespmem:s8+$0xFFFFFFC0];
	[tilespmem:s1+$0x30] =	vst v7  }
0x1f9: {  	[tilespmem:s1+$0xFFFFFE30] =	vst v6;
	v5 =	vld.idx.msk [tilespmem:v5+s4+$0x0], $0xffff  }
0x1fa: {  	v6 =	vld [tilespmem:s8+$0xFFFFFE40];
	[tilespmem:s1+$0xB0] =	vst v1  }
0x1fb: {  	v1 =	vld [tilespmem:s8+$0x40];
	[tilespmem:s1+$0x130] =	vst v2  }
0x1fc: {  	v2 =	vld [tilespmem:s8+$0xC0]  }
0x1fd: {  	v7 =	vld [tilespmem:s8+$0x140]  }
0x1fe: {  	v4 =	vld.idx.msk [tilespmem:v4+s4+$0x0], $0xffff  }
0x1ff: {  	v3 =	vld.idx.msk [tilespmem:v3+s4+$0x0], $0xffff;
	[tilespmem:s1+$0x1C0] =	vst v5  }
0x200: {  	v5 =	vld [tilespmem:s8+$0x1D0]  }
0x201: {  	v8 =	vld.idx.msk [tilespmem:v8+s4+$0x0], $0xffff  }
0x202: {  	v6 =	vld.idx.msk [tilespmem:v6+s4+$0x0], $0xffff  }
0x203: {  	v1 =	vld.idx.msk [tilespmem:v1+s4+$0x0], $0xffff  }
0x204: {  	[tilespmem:s1+$0xFFFFFEC0] =	vst v4;
	v2 =	vld.idx.msk [tilespmem:v2+s4+$0x0], $0xffff  }
0x205: {  	[tilespmem:s1+$0xFFFFFF40] =	vst v3;
	v3 =	vld.idx.msk [tilespmem:v7+s4+$0x0], $0xffff  }
0x206: {  	v4 =	vld [tilespmem:s8+$0xFFFFFED0]  }
0x207: {  	v7 =	vld [tilespmem:s8+$0xFFFFFF50];
	[tilespmem:s1+$0xFFFFFFC0] =	vst v8  }
0x208: {  	[tilespmem:s1+$0xFFFFFE40] =	vst v6;
	v5 =	vld.idx.msk [tilespmem:v5+s4+$0x0], $0xffff  }
0x209: {  	v6 =	vld [tilespmem:s8+$0xFFFFFE50];
	[tilespmem:s1+$0x40] =	vst v1  }
0x20a: {  	v1 =	vld [tilespmem:s8+$0xFFFFFFD0];
	[tilespmem:s1+$0xC0] =	vst v2  }
0x20b: {  	v2 =	vld [tilespmem:s8+$0x50];
	[tilespmem:s1+$0x140] =	vst v3  }
0x20c: {  	v3 =	vld [tilespmem:s8+$0xD0]  }
0x20d: {  	v8 =	vld [tilespmem:s8+$0x150]  }
0x20e: {  	v4 =	vld.idx.msk [tilespmem:v4+s4+$0x0], $0xffff;
	[tilespmem:s1+$0x1D0] =	vst v5  }
0x20f: {  	v5 =	vld [tilespmem:s8+$0x1E0]  }
0x210: {  	v7 =	vld.idx.msk [tilespmem:v7+s4+$0x0], $0xffff  }
0x211: {  	v6 =	vld.idx.msk [tilespmem:v6+s4+$0x0], $0xffff  }
0x212: {  	v1 =	vld.idx.msk [tilespmem:v1+s4+$0x0], $0xffff  }
0x213: {  	v2 =	vld.idx.msk [tilespmem:v2+s4+$0x0], $0xffff  }
0x214: {  	[tilespmem:s1+$0xFFFFFED0] =	vst v4;
	v3 =	vld.idx.msk [tilespmem:v3+s4+$0x0], $0xffff  }
0x215: {  	v4 =	vld.idx.msk [tilespmem:v8+s4+$0x0], $0xffff  }
0x216: {  	v8 =	vld [tilespmem:s8+$0xFFFFFEE0];
	[tilespmem:s1+$0xFFFFFF50] =	vst v7  }
0x217: {  	[tilespmem:s1+$0xFFFFFE50] =	vst v6;
	v5 =	vld.idx.msk [tilespmem:v5+s4+$0x0], $0xffff  }
0x218: {  	v6 =	vld [tilespmem:s8+$0xFFFFFE60];
	[tilespmem:s1+$0xFFFFFFD0] =	vst v1  }
0x219: {  	v1 =	vld [tilespmem:s8+$0xFFFFFF60];
	[tilespmem:s1+$0x50] =	vst v2  }
0x21a: {  	v2 =	vld [tilespmem:s8+$0xFFFFFFE0];
	[tilespmem:s1+$0xD0] =	vst v3  }
0x21b: {  	v3 =	vld [tilespmem:s8+$0x60];
	[tilespmem:s1+$0x150] =	vst v4  }
0x21c: {  	v4 =	vld [tilespmem:s8+$0xE0]  }
0x21d: {  	v7 =	vld [tilespmem:s8+$0x160];
	[tilespmem:s1+$0x1E0] =	vst v5  }
0x21e: {  	v5 =	vld [tilespmem:s8+$0x1F0]  }
0x21f: {  	v8 =	vld.idx.msk [tilespmem:v8+s4+$0x0], $0xffff  }
0x220: {  	v6 =	vld.idx.msk [tilespmem:v6+s4+$0x0], $0xffff  }
0x221: {  	v1 =	vld.idx.msk [tilespmem:v1+s4+$0x0], $0xffff  }
0x222: {  	v2 =	vld.idx.msk [tilespmem:v2+s4+$0x0], $0xffff  }
0x223: {  	v3 =	vld.idx.msk [tilespmem:v3+s4+$0x0], $0xffff  }
0x224: {  	v4 =	vld.idx.msk [tilespmem:v4+s4+$0x0], $0xffff  }
0x225: {  	[tilespmem:s1+$0xFFFFFEE0] =	vst v8;
	v7 =	vld.idx.msk [tilespmem:v7+s4+$0x0], $0xffff  }
0x226: {  	[tilespmem:s1+$0xFFFFFE60] =	vst v6;
	v5 =	vld.idx.msk [tilespmem:v5+s4+$0x0], $0xffff  }
0x227: {  	v6 =	vld [tilespmem:s8+$0xFFFFFE70];
	[tilespmem:s1+$0xFFFFFF60] =	vst v1  }
0x228: {  	v1 =	vld [tilespmem:s8+$0xFFFFFEF0];
	[tilespmem:s1+$0xFFFFFFE0] =	vst v2  }
0x229: {  	v2 =	vld [tilespmem:s8+$0xFFFFFF70];
	[tilespmem:s1+$0x60] =	vst v3  }
0x22a: {  	v3 =	vld [tilespmem:s8+$0xFFFFFFF0];
	[tilespmem:s1+$0xE0] =	vst v4  }
0x22b: {  	v8 =	vld [tilespmem:s8+$0x70];
	[tilespmem:s1+$0x160] =	vst v7  }
0x22c: {  	v7 =	vld [tilespmem:s8+$0xF0];
	[tilespmem:s1+$0x1F0] =	vst v5  }
0x22d: {  	v9 =	vld [tilespmem:s8+$0x170]  }
0x22e: {  	v10 =	vld.idx.msk [tilespmem:v0+s4+$0x0], $0xffff  }
0x22f: {  	v6 =	vld.idx.msk [tilespmem:v6+s4+$0x0], $0xffff  }
.Ltmp1:
0x230: {  	v5 =	vld.idx.msk [tilespmem:v1+s4+$0x0], $0xffff;
	(pc) =	sbr.rel @p1 .LBB2_5-.Ltmp1, $4  }
0x231: {  	v4 =	vld.idx.msk [tilespmem:v2+s4+$0x0], $0xffff  }
0x232: {  	v1 =	vld.idx.msk [tilespmem:v3+s4+$0x0], $0xffff;
	v0 =	vmov v9  }
0x233: {  	v2 =	vld.idx.msk [tilespmem:v8+s4+$0x0], $0xffff  }
0x234: {  	s8 =	sadd.s32 $0x400, s8;
	v3 =	vld.idx.msk [tilespmem:v7+s4+$0x0], $0xffff;
	[tilespmem:s6+$0x170] =	vst v10;
	s6 =	smov.u32 s1  }
0x235: {  	_ =	sdelay $0x2  }
0x236: {  	[tilespmem:s1+$0xFFFFFE70] =	vst v6;
	s7 =	sadd.s32 $0x4, s30  }
0x237: {  	[tilespmem:s1+$0xFFFFFEF0] =	vst v5;
	v0 =	vld.idx.msk [tilespmem:v0+s4+$0x0], $0xffff;
	s8 =	sshll.u32 s7, $0xC;
	s7 =	sshll.u32 s7, $0x5  }
0x238: {  	s0 =	sshll.u32 s0, $0x11;
	[tilespmem:s1+$0xFFFFFF70] =	vst v4;
	s8 =	sand.u32 $0xFE0000, s8;
	s7 =	sand.u32 $0x380, s7  }
0x239: {  	s0 =	sand.u32 $0x1FF80000, s0;
	[tilespmem:s1+$0xFFFFFFF0] =	vst v1;
	s7 =	sor.u32 s8, s7  }
0x23a: {  	s0 =	sor.u32 s0, s17;
	[tilespmem:s1+$0x70] =	vst v2;
	s7 =	sor.u32 s31, s7  }
0x23b: {  	s0 =	sor.u32 s5, s0;
	[tilespmem:s1+$0xF0] =	vst v3;
	s7 =	sshrl.u32 s7, $0x3  }
0x23c: {  	s0 =	sshrl.u32 s0, $0x3;
	[tilespmem:s6+$0x170] =	vst v0;
	s1 =	sadd.s32 s2, s7  }
0x23d: {  	[tilespmem:s16], [sflag:$0x3] =	stream.strided.gather [hbm4b:s1+s13], $0x1000, s14, s13, $0x38;
	[tilespmem:$0x1E700] =	vst v63  }
0x23e: {  	s0 =	sadd.s32 s3, s0  }
0x23f: {  	[hbm4b:s0+s13] =	stream.strided.scatter [tilespmem:s21], [sflag:$0x6], $0x1000, s14, s13, $0x38;
	[tilespmem:$0x1E700] =	vst v63  }
0x240: {  	_ =	swait.ge [sflag:s22], $0x1000  }
0x241: {  	[sflag:s22] =	ssyncset.done $0x0  }
0x242: {  	s0 =	simm.s32 @!p0 $0x7;
	[sflag:s22] =	ssyncadd.s32 $0xFFFFF000  }
0x243: {  	_ =	swait.ge @!p0 [sflag:s0], $0x1000  }
0x244: {  	[sflag:s0] =	ssyncset.done @!p0 $0x0  }
0x245: {  	s8 =	simm.s32 $0x1A900;
	[sflag:s0] =	ssyncadd.s32 @!p0 $0xFFFFF000  }
0x246: {  	v0 =	vld [tilespmem:s8+$0x180]  }
0x247: {  	v1 =	vld [tilespmem:s8+$0xFFFFFE80]  }
0x248: {  	v2 =	vld [tilespmem:s8+$0xFFFFFF00]  }
0x249: {  	v3 =	vld [tilespmem:s8+$0xFFFFFF80]  }
0x24a: {  	v4 =	vld [tilespmem:s8+$0x0]  }
0x24b: {  	v5 =	vld [tilespmem:s8+$0x80]  }
0x24c: {  	v6 =	vld [tilespmem:s8+$0x100]  }
0x24d: {  	v7 =	vld [tilespmem:s8+$0xFFFFFE00]  }
0x24e: {  	v0 =	vld.idx.msk [tilespmem:v0+s4+$0x0], $0xffff  }
0x24f: {  	v1 =	vld.idx.msk [tilespmem:v1+s4+$0x0], $0xffff  }
0x250: {  	v2 =	vld.idx.msk [tilespmem:v2+s4+$0x0], $0xffff  }
0x251: {  	v3 =	vld.idx.msk [tilespmem:v3+s4+$0x0], $0xffff  }
0x252: {  	v4 =	vld.idx.msk [tilespmem:v4+s4+$0x0], $0xffff  }
0x253: {  	s31 =	simm.s32 $0x1D900;
	v5 =	vld.idx.msk [tilespmem:v5+s4+$0x0], $0xffff  }
0x254: {  	v6 =	vld.idx.msk [tilespmem:v6+s4+$0x0], $0xffff;
	[tilespmem:s31+$0x180] =	vst v0  }
0x255: {  	[tilespmem:s31+$0xFFFFFE80] =	vst v1;
	v1 =	vld.idx.msk [tilespmem:v7+s4+$0x0], $0xffff  }
0x256: {  	v0 =	vld [tilespmem:s8+$0x190]  }
0x257: {  	[tilespmem:s31+$0xFFFFFF00] =	vst v2;
	v2 =	vld [tilespmem:s8+$0xFFFFFE90]  }
0x258: {  	[tilespmem:s31+$0xFFFFFF80] =	vst v3;
	v3 =	vld [tilespmem:s8+$0xFFFFFF10]  }
0x259: {  	[tilespmem:s31+$0x0] =	vst v4;
	v4 =	vld [tilespmem:s8+$0xFFFFFF90]  }
0x25a: {  	[tilespmem:s31+$0x80] =	vst v5;
	v5 =	vld [tilespmem:s8+$0x10]  }
0x25b: {  	[tilespmem:s31+$0x100] =	vst v6;
	v6 =	vld [tilespmem:s8+$0x90]  }
0x25c: {  	v7 =	vld [tilespmem:s8+$0x110];
	[tilespmem:s31+$0xFFFFFE00] =	vst v1  }
0x25d: {  	v1 =	vld [tilespmem:s8+$0xFFFFFE10]  }
0x25e: {  	v0 =	vld.idx.msk [tilespmem:v0+s4+$0x0], $0xffff  }
0x25f: {  	v2 =	vld.idx.msk [tilespmem:v2+s4+$0x0], $0xffff  }
0x260: {  	v3 =	vld.idx.msk [tilespmem:v3+s4+$0x0], $0xffff  }
0x261: {  	v4 =	vld.idx.msk [tilespmem:v4+s4+$0x0], $0xffff  }
0x262: {  	v5 =	vld.idx.msk [tilespmem:v5+s4+$0x0], $0xffff  }
0x263: {  	v6 =	vld.idx.msk [tilespmem:v6+s4+$0x0], $0xffff  }
0x264: {  	v7 =	vld.idx.msk [tilespmem:v7+s4+$0x0], $0xffff  }
0x265: {  	[tilespmem:s31+$0x190] =	vst v0;
	v1 =	vld.idx.msk [tilespmem:v1+s4+$0x0], $0xffff  }
0x266: {  	[tilespmem:s31+$0xFFFFFE90] =	vst v2;
	v0 =	vld [tilespmem:s8+$0x1A0]  }
0x267: {  	[tilespmem:s31+$0xFFFFFF10] =	vst v3;
	v2 =	vld [tilespmem:s8+$0xFFFFFEA0]  }
0x268: {  	[tilespmem:s31+$0xFFFFFF90] =	vst v4;
	v3 =	vld [tilespmem:s8+$0xFFFFFF20]  }
0x269: {  	[tilespmem:s31+$0x10] =	vst v5;
	v4 =	vld [tilespmem:s8+$0xFFFFFFA0]  }
0x26a: {  	[tilespmem:s31+$0x90] =	vst v6;
	v5 =	vld [tilespmem:s8+$0x20]  }
0x26b: {  	v6 =	vld [tilespmem:s8+$0xA0];
	[tilespmem:s31+$0xFFFFFE10] =	vst v1  }
0x26c: {  	[tilespmem:s31+$0x110] =	vst v7;
	v1 =	vld [tilespmem:s8+$0xFFFFFE20]  }
0x26d: {  	v7 =	vld [tilespmem:s8+$0x120]  }
0x26e: {  	v0 =	vld.idx.msk [tilespmem:v0+s4+$0x0], $0xffff  }
0x26f: {  	v2 =	vld.idx.msk [tilespmem:v2+s4+$0x0], $0xffff  }
0x270: {  	v3 =	vld.idx.msk [tilespmem:v3+s4+$0x0], $0xffff  }
0x271: {  	v4 =	vld.idx.msk [tilespmem:v4+s4+$0x0], $0xffff  }
0x272: {  	v5 =	vld.idx.msk [tilespmem:v5+s4+$0x0], $0xffff  }
0x273: {  	v6 =	vld.idx.msk [tilespmem:v6+s4+$0x0], $0xffff  }
0x274: {  	[tilespmem:s31+$0x1A0] =	vst v0;
	v1 =	vld.idx.msk [tilespmem:v1+s4+$0x0], $0xffff  }
0x275: {  	[tilespmem:s31+$0xFFFFFEA0] =	vst v2;
	v2 =	vld.idx.msk [tilespmem:v7+s4+$0x0], $0xffff  }
0x276: {  	[tilespmem:s31+$0xFFFFFF20] =	vst v3;
	v0 =	vld [tilespmem:s8+$0x1B0]  }
0x277: {  	[tilespmem:s31+$0xFFFFFFA0] =	vst v4;
	v3 =	vld [tilespmem:s8+$0xFFFFFEB0]  }
0x278: {  	[tilespmem:s31+$0x20] =	vst v5;
	v4 =	vld [tilespmem:s8+$0xFFFFFF30]  }
0x279: {  	[tilespmem:s31+$0xA0] =	vst v6;
	v5 =	vld [tilespmem:s8+$0xFFFFFFB0]  }
0x27a: {  	v7 =	vld [tilespmem:s8+$0x30];
	[tilespmem:s31+$0xFFFFFE20] =	vst v1  }
0x27b: {  	[tilespmem:s31+$0x120] =	vst v2;
	v2 =	vld [tilespmem:s8+$0xB0]  }
0x27c: {  	v1 =	vld [tilespmem:s8+$0xFFFFFE30]  }
0x27d: {  	v6 =	vld [tilespmem:s8+$0x130]  }
0x27e: {  	v0 =	vld.idx.msk [tilespmem:v0+s4+$0x0], $0xffff  }
0x27f: {  	v3 =	vld.idx.msk [tilespmem:v3+s4+$0x0], $0xffff  }
0x280: {  	v4 =	vld.idx.msk [tilespmem:v4+s4+$0x0], $0xffff  }
0x281: {  	v5 =	vld.idx.msk [tilespmem:v5+s4+$0x0], $0xffff  }
0x282: {  	v7 =	vld.idx.msk [tilespmem:v7+s4+$0x0], $0xffff  }
0x283: {  	v2 =	vld.idx.msk [tilespmem:v2+s4+$0x0], $0xffff  }
0x284: {  	[tilespmem:s31+$0x1B0] =	vst v0;
	v1 =	vld.idx.msk [tilespmem:v1+s4+$0x0], $0xffff  }
0x285: {  	[tilespmem:s31+$0xFFFFFEB0] =	vst v3;
	v3 =	vld.idx.msk [tilespmem:v6+s4+$0x0], $0xffff  }
0x286: {  	[tilespmem:s31+$0xFFFFFF30] =	vst v4;
	v0 =	vld [tilespmem:s8+$0x1C0]  }
0x287: {  	[tilespmem:s31+$0xFFFFFFB0] =	vst v5;
	v4 =	vld [tilespmem:s8+$0xFFFFFEC0]  }
0x288: {  	[tilespmem:s31+$0x30] =	vst v7;
	v5 =	vld [tilespmem:s8+$0xFFFFFF40]  }
0x289: {  	v6 =	vld [tilespmem:s8+$0xFFFFFFC0];
	[tilespmem:s31+$0xB0] =	vst v2  }
0x28a: {  	v2 =	vld [tilespmem:s8+$0x40];
	[tilespmem:s31+$0xFFFFFE30] =	vst v1  }
0x28b: {  	[tilespmem:s31+$0x130] =	vst v3;
	v3 =	vld [tilespmem:s8+$0xC0]  }
0x28c: {  	v1 =	vld [tilespmem:s8+$0xFFFFFE40]  }
0x28d: {  	v7 =	vld [tilespmem:s8+$0x140]  }
0x28e: {  	v0 =	vld.idx.msk [tilespmem:v0+s4+$0x0], $0xffff  }
0x28f: {  	v4 =	vld.idx.msk [tilespmem:v4+s4+$0x0], $0xffff  }
0x290: {  	v5 =	vld.idx.msk [tilespmem:v5+s4+$0x0], $0xffff  }
0x291: {  	v6 =	vld.idx.msk [tilespmem:v6+s4+$0x0], $0xffff  }
0x292: {  	v2 =	vld.idx.msk [tilespmem:v2+s4+$0x0], $0xffff  }
0x293: {  	v3 =	vld.idx.msk [tilespmem:v3+s4+$0x0], $0xffff  }
0x294: {  	[tilespmem:s31+$0x1C0] =	vst v0;
	v1 =	vld.idx.msk [tilespmem:v1+s4+$0x0], $0xffff  }
0x295: {  	[tilespmem:s31+$0xFFFFFEC0] =	vst v4;
	v4 =	vld.idx.msk [tilespmem:v7+s4+$0x0], $0xffff  }
0x296: {  	[tilespmem:s31+$0xFFFFFF40] =	vst v5;
	v0 =	vld [tilespmem:s8+$0x1D0]  }
0x297: {  	[tilespmem:s31+$0xFFFFFFC0] =	vst v6;
	v5 =	vld [tilespmem:s8+$0xFFFFFED0]  }
0x298: {  	v7 =	vld [tilespmem:s8+$0xFFFFFF50];
	[tilespmem:s31+$0x40] =	vst v2  }
0x299: {  	v2 =	vld [tilespmem:s8+$0xFFFFFFD0];
	[tilespmem:s31+$0xC0] =	vst v3  }
0x29a: {  	v3 =	vld [tilespmem:s8+$0x50];
	[tilespmem:s31+$0xFFFFFE40] =	vst v1  }
0x29b: {  	[tilespmem:s31+$0x140] =	vst v4;
	v4 =	vld [tilespmem:s8+$0xD0]  }
0x29c: {  	v1 =	vld [tilespmem:s8+$0xFFFFFE50]  }
0x29d: {  	v6 =	vld [tilespmem:s8+$0x150]  }
0x29e: {  	v0 =	vld.idx.msk [tilespmem:v0+s4+$0x0], $0xffff  }
0x29f: {  	v5 =	vld.idx.msk [tilespmem:v5+s4+$0x0], $0xffff  }
0x2a0: {  	v7 =	vld.idx.msk [tilespmem:v7+s4+$0x0], $0xffff  }
0x2a1: {  	v2 =	vld.idx.msk [tilespmem:v2+s4+$0x0], $0xffff  }
0x2a2: {  	v3 =	vld.idx.msk [tilespmem:v3+s4+$0x0], $0xffff  }
0x2a3: {  	v4 =	vld.idx.msk [tilespmem:v4+s4+$0x0], $0xffff  }
0x2a4: {  	[tilespmem:s31+$0x1D0] =	vst v0;
	v1 =	vld.idx.msk [tilespmem:v1+s4+$0x0], $0xffff  }
0x2a5: {  	[tilespmem:s31+$0xFFFFFED0] =	vst v5;
	v5 =	vld.idx.msk [tilespmem:v6+s4+$0x0], $0xffff  }
0x2a6: {  	[tilespmem:s31+$0xFFFFFF50] =	vst v7;
	v0 =	vld [tilespmem:s8+$0x1E0]  }
0x2a7: {  	v6 =	vld [tilespmem:s8+$0xFFFFFEE0];
	[tilespmem:s31+$0xFFFFFFD0] =	vst v2  }
0x2a8: {  	v2 =	vld [tilespmem:s8+$0xFFFFFF60];
	[tilespmem:s31+$0x50] =	vst v3  }
0x2a9: {  	v3 =	vld [tilespmem:s8+$0xFFFFFFE0];
	[tilespmem:s31+$0xFFFFFE50] =	vst v1  }
0x2aa: {  	v1 =	vld [tilespmem:s8+$0xFFFFFE60]  }
0x2ab: {  	[tilespmem:s31+$0xD0] =	vst v4;
	v4 =	vld [tilespmem:s8+$0x60]  }
0x2ac: {  	[tilespmem:s31+$0x150] =	vst v5;
	v5 =	vld [tilespmem:s8+$0xE0]  }
0x2ad: {  	v7 =	vld [tilespmem:s8+$0x160]  }
0x2ae: {  	v0 =	vld.idx.msk [tilespmem:v0+s4+$0x0], $0xffff  }
0x2af: {  	v6 =	vld.idx.msk [tilespmem:v6+s4+$0x0], $0xffff  }
0x2b0: {  	v2 =	vld.idx.msk [tilespmem:v2+s4+$0x0], $0xffff  }
0x2b1: {  	v3 =	vld.idx.msk [tilespmem:v3+s4+$0x0], $0xffff  }
0x2b2: {  	v1 =	vld.idx.msk [tilespmem:v1+s4+$0x0], $0xffff  }
0x2b3: {  	v4 =	vld.idx.msk [tilespmem:v4+s4+$0x0], $0xffff  }
0x2b4: {  	v5 =	vld.idx.msk [tilespmem:v5+s4+$0x0], $0xffff;
	[tilespmem:s31+$0x1E0] =	vst v0  }
0x2b5: {  	[tilespmem:s31+$0xFFFFFEE0] =	vst v6;
	v0 =	vld [tilespmem:s8+$0x1F0]  }
0x2b6: {  	v7 =	vld.idx.msk [tilespmem:v7+s4+$0x0], $0xffff;
	[tilespmem:s31+$0xFFFFFF60] =	vst v2  }
0x2b7: {  	v2 =	vld [tilespmem:s8+$0xFFFFFEF0];
	[tilespmem:s31+$0xFFFFFE60] =	vst v1  }
0x2b8: {  	v1 =	vld [tilespmem:s8+$0xFFFFFE70]  }
0x2b9: {  	[tilespmem:s31+$0xFFFFFFE0] =	vst v3;
	v3 =	vld [tilespmem:s8+$0xFFFFFF70]  }
0x2ba: {  	v8 =	vld [tilespmem:s8+$0xFFFFFFF0];
	[tilespmem:s31+$0xE0] =	vst v5  }
0x2bb: {  	[tilespmem:s31+$0x60] =	vst v4;
	v10 =	vld [tilespmem:s8+$0xF0]  }
0x2bc: {  	v9 =	vld [tilespmem:s8+$0x70]  }
0x2bd: {  	[tilespmem:s31+$0x160] =	vst v7;
	v11 =	vld.idx.msk [tilespmem:v0+s4+$0x0], $0xffff  }
0x2be: {  	v0 =	vld [tilespmem:s8+$0x170]  }
0x2bf: {  	v5 =	vld.idx.msk [tilespmem:v2+s4+$0x0], $0xffff  }
0x2c0: {  	v6 =	vld.idx.msk [tilespmem:v1+s4+$0x0], $0xffff  }
0x2c1: {  	v4 =	vld.idx.msk [tilespmem:v3+s4+$0x0], $0xffff  }
0x2c2: {  	s1 =	sadd.s32 $0x2, s30;
	v3 =	vld.idx.msk [tilespmem:v8+s4+$0x0], $0xffff  }
0x2c3: {  	s6 =	simm.s32 $0x0;
	s17 =	sshll.u32 s1, $0xF;
	v2 =	vld.idx.msk [tilespmem:v10+s4+$0x0], $0xffff  }
0x2c4: {  	s7 =	simm.s32 $0x1AD00;
	s0 =	sand.u32 $0x18000, s17;
	s17 =	simm.s32 $0x1D900;
	v1 =	vld.idx.msk [tilespmem:v9+s4+$0x0], $0xffff;
	[tilespmem:s31+$0x1F0] =	vst v11  }
.LBB2_7:
0x2c5: {  	v7 =	vld [tilespmem:s7+$0x180];
	s6 =	sadd.s32 $0x8, s6;
	[tilespmem:s31+$0xFFFFFE70] =	vst v6  }
0x2c6: {  	v6 =	vld [tilespmem:s7+$0xFFFFFE80];
	p0 =	slt.u32 s6, $0x18;
	[tilespmem:s31+$0xFFFFFEF0] =	vst v5  }
0x2c7: {  	v5 =	vld [tilespmem:s7+$0xFFFFFF00];
	[tilespmem:s31+$0xFFFFFF70] =	vst v4  }
0x2c8: {  	v4 =	vld [tilespmem:s7+$0xFFFFFF80];
	[tilespmem:s31+$0xFFFFFFF0] =	vst v3  }
0x2c9: {  	v3 =	vld [tilespmem:s7+$0x0];
	[tilespmem:s31+$0x70] =	vst v1  }
0x2ca: {  	v1 =	vld [tilespmem:s7+$0x80];
	[tilespmem:s31+$0xF0] =	vst v2  }
0x2cb: {  	v2 =	vld [tilespmem:s7+$0x100]  }
0x2cc: {  	v8 =	vld [tilespmem:s7+$0xFFFFFE00]  }
0x2cd: {  	v7 =	vld.idx.msk [tilespmem:v7+s4+$0x0], $0xffff  }
0x2ce: {  	v6 =	vld.idx.msk [tilespmem:v6+s4+$0x0], $0xffff  }
0x2cf: {  	v5 =	vld.idx.msk [tilespmem:v5+s4+$0x0], $0xffff  }
0x2d0: {  	v4 =	vld.idx.msk [tilespmem:v4+s4+$0x0], $0xffff  }
0x2d1: {  	v3 =	vld.idx.msk [tilespmem:v3+s4+$0x0], $0xffff  }
0x2d2: {  	s31 =	sadd.s32 $0x400, s31;
	v1 =	vld.idx.msk [tilespmem:v1+s4+$0x0], $0xffff  }
0x2d3: {  	v2 =	vld.idx.msk [tilespmem:v2+s4+$0x0], $0xffff;
	[tilespmem:s31+$0x180] =	vst v7  }
0x2d4: {  	[tilespmem:s31+$0xFFFFFE80] =	vst v6;
	v6 =	vld [tilespmem:s7+$0x190]  }
0x2d5: {  	v7 =	vld.idx.msk [tilespmem:v8+s4+$0x0], $0xffff;
	[tilespmem:s31+$0xFFFFFF00] =	vst v5  }
0x2d6: {  	v5 =	vld [tilespmem:s7+$0xFFFFFE90];
	[tilespmem:s31+$0xFFFFFF80] =	vst v4  }
0x2d7: {  	v4 =	vld [tilespmem:s7+$0xFFFFFF10];
	[tilespmem:s31+$0x0] =	vst v3  }
0x2d8: {  	v3 =	vld [tilespmem:s7+$0xFFFFFF90];
	[tilespmem:s31+$0x80] =	vst v1  }
0x2d9: {  	v1 =	vld [tilespmem:s7+$0x10];
	[tilespmem:s31+$0x100] =	vst v2  }
0x2da: {  	v2 =	vld [tilespmem:s7+$0x90]  }
0x2db: {  	[tilespmem:s31+$0xFFFFFE00] =	vst v7;
	v7 =	vld [tilespmem:s7+$0x110]  }
0x2dc: {  	v6 =	vld.idx.msk [tilespmem:v6+s4+$0x0], $0xffff  }
0x2dd: {  	v8 =	vld [tilespmem:s7+$0xFFFFFE10]  }
0x2de: {  	v5 =	vld.idx.msk [tilespmem:v5+s4+$0x0], $0xffff  }
0x2df: {  	v4 =	vld.idx.msk [tilespmem:v4+s4+$0x0], $0xffff  }
0x2e0: {  	v3 =	vld.idx.msk [tilespmem:v3+s4+$0x0], $0xffff  }
0x2e1: {  	v1 =	vld.idx.msk [tilespmem:v1+s4+$0x0], $0xffff  }
0x2e2: {  	v2 =	vld.idx.msk [tilespmem:v2+s4+$0x0], $0xffff;
	[tilespmem:s31+$0x190] =	vst v6  }
0x2e3: {  	v6 =	vld [tilespmem:s7+$0x1A0]  }
0x2e4: {  	[tilespmem:s31+$0xFFFFFE90] =	vst v5;
	v5 =	vld.idx.msk [tilespmem:v7+s4+$0x0], $0xffff  }
0x2e5: {  	v7 =	vld.idx.msk [tilespmem:v8+s4+$0x0], $0xffff;
	[tilespmem:s31+$0xFFFFFF10] =	vst v4  }
0x2e6: {  	v4 =	vld [tilespmem:s7+$0xFFFFFEA0];
	[tilespmem:s31+$0xFFFFFF90] =	vst v3  }
0x2e7: {  	v3 =	vld [tilespmem:s7+$0xFFFFFF20];
	[tilespmem:s31+$0x10] =	vst v1  }
0x2e8: {  	v1 =	vld [tilespmem:s7+$0xFFFFFFA0];
	[tilespmem:s31+$0x90] =	vst v2  }
0x2e9: {  	v2 =	vld [tilespmem:s7+$0x20]  }
0x2ea: {  	v8 =	vld [tilespmem:s7+$0xA0];
	[tilespmem:s31+$0x110] =	vst v5  }
0x2eb: {  	[tilespmem:s31+$0xFFFFFE10] =	vst v7;
	v5 =	vld.idx.msk [tilespmem:v6+s4+$0x0], $0xffff  }
0x2ec: {  	v6 =	vld [tilespmem:s7+$0xFFFFFE20]  }
0x2ed: {  	v7 =	vld [tilespmem:s7+$0x120]  }
0x2ee: {  	v4 =	vld.idx.msk [tilespmem:v4+s4+$0x0], $0xffff  }
0x2ef: {  	v3 =	vld.idx.msk [tilespmem:v3+s4+$0x0], $0xffff  }
0x2f0: {  	v1 =	vld.idx.msk [tilespmem:v1+s4+$0x0], $0xffff  }
0x2f1: {  	v2 =	vld.idx.msk [tilespmem:v2+s4+$0x0], $0xffff;
	[tilespmem:s31+$0x1A0] =	vst v5  }
0x2f2: {  	v5 =	vld [tilespmem:s7+$0x1B0]  }
0x2f3: {  	v8 =	vld.idx.msk [tilespmem:v8+s4+$0x0], $0xffff  }
0x2f4: {  	v6 =	vld.idx.msk [tilespmem:v6+s4+$0x0], $0xffff;
	[tilespmem:s31+$0xFFFFFEA0] =	vst v4  }
0x2f5: {  	[tilespmem:s31+$0xFFFFFF20] =	vst v3;
	v3 =	vld.idx.msk [tilespmem:v7+s4+$0x0], $0xffff  }
0x2f6: {  	v4 =	vld [tilespmem:s7+$0xFFFFFEB0];
	[tilespmem:s31+$0xFFFFFFA0] =	vst v1  }
0x2f7: {  	v1 =	vld [tilespmem:s7+$0xFFFFFF30];
	[tilespmem:s31+$0x20] =	vst v2  }
0x2f8: {  	v2 =	vld [tilespmem:s7+$0xFFFFFFB0]  }
0x2f9: {  	v7 =	vld [tilespmem:s7+$0x30];
	[tilespmem:s31+$0xA0] =	vst v8  }
0x2fa: {  	[tilespmem:s31+$0xFFFFFE20] =	vst v6;
	v5 =	vld.idx.msk [tilespmem:v5+s4+$0x0], $0xffff  }
0x2fb: {  	v6 =	vld [tilespmem:s7+$0xFFFFFE30];
	[tilespmem:s31+$0x120] =	vst v3  }
0x2fc: {  	v3 =	vld [tilespmem:s7+$0xB0]  }
0x2fd: {  	v8 =	vld [tilespmem:s7+$0x130]  }
0x2fe: {  	v4 =	vld.idx.msk [tilespmem:v4+s4+$0x0], $0xffff  }
0x2ff: {  	v1 =	vld.idx.msk [tilespmem:v1+s4+$0x0], $0xffff  }
0x300: {  	v2 =	vld.idx.msk [tilespmem:v2+s4+$0x0], $0xffff;
	[tilespmem:s31+$0x1B0] =	vst v5  }
0x301: {  	v5 =	vld [tilespmem:s7+$0x1C0]  }
0x302: {  	v7 =	vld.idx.msk [tilespmem:v7+s4+$0x0], $0xffff  }
0x303: {  	v6 =	vld.idx.msk [tilespmem:v6+s4+$0x0], $0xffff  }
0x304: {  	[tilespmem:s31+$0xFFFFFEB0] =	vst v4;
	v3 =	vld.idx.msk [tilespmem:v3+s4+$0x0], $0xffff  }
0x305: {  	[tilespmem:s31+$0xFFFFFF30] =	vst v1;
	v1 =	vld.idx.msk [tilespmem:v8+s4+$0x0], $0xffff  }
0x306: {  	v4 =	vld [tilespmem:s7+$0xFFFFFEC0];
	[tilespmem:s31+$0xFFFFFFB0] =	vst v2  }
0x307: {  	v2 =	vld [tilespmem:s7+$0xFFFFFF40]  }
0x308: {  	v8 =	vld [tilespmem:s7+$0xFFFFFFC0];
	[tilespmem:s31+$0x30] =	vst v7  }
0x309: {  	[tilespmem:s31+$0xFFFFFE30] =	vst v6;
	v5 =	vld.idx.msk [tilespmem:v5+s4+$0x0], $0xffff  }
0x30a: {  	v6 =	vld [tilespmem:s7+$0xFFFFFE40];
	[tilespmem:s31+$0xB0] =	vst v3  }
0x30b: {  	v3 =	vld [tilespmem:s7+$0x40];
	[tilespmem:s31+$0x130] =	vst v1  }
0x30c: {  	v1 =	vld [tilespmem:s7+$0xC0]  }
0x30d: {  	v7 =	vld [tilespmem:s7+$0x140]  }
0x30e: {  	v4 =	vld.idx.msk [tilespmem:v4+s4+$0x0], $0xffff  }
0x30f: {  	v2 =	vld.idx.msk [tilespmem:v2+s4+$0x0], $0xffff;
	[tilespmem:s31+$0x1C0] =	vst v5  }
0x310: {  	v5 =	vld [tilespmem:s7+$0x1D0]  }
0x311: {  	v8 =	vld.idx.msk [tilespmem:v8+s4+$0x0], $0xffff  }
0x312: {  	v6 =	vld.idx.msk [tilespmem:v6+s4+$0x0], $0xffff  }
0x313: {  	v3 =	vld.idx.msk [tilespmem:v3+s4+$0x0], $0xffff  }
0x314: {  	[tilespmem:s31+$0xFFFFFEC0] =	vst v4;
	v1 =	vld.idx.msk [tilespmem:v1+s4+$0x0], $0xffff  }
0x315: {  	[tilespmem:s31+$0xFFFFFF40] =	vst v2;
	v2 =	vld.idx.msk [tilespmem:v7+s4+$0x0], $0xffff  }
0x316: {  	v4 =	vld [tilespmem:s7+$0xFFFFFED0]  }
0x317: {  	v7 =	vld [tilespmem:s7+$0xFFFFFF50];
	[tilespmem:s31+$0xFFFFFFC0] =	vst v8  }
0x318: {  	[tilespmem:s31+$0xFFFFFE40] =	vst v6;
	v5 =	vld.idx.msk [tilespmem:v5+s4+$0x0], $0xffff  }
0x319: {  	v6 =	vld [tilespmem:s7+$0xFFFFFE50];
	[tilespmem:s31+$0x40] =	vst v3  }
0x31a: {  	v3 =	vld [tilespmem:s7+$0xFFFFFFD0];
	[tilespmem:s31+$0xC0] =	vst v1  }
0x31b: {  	v1 =	vld [tilespmem:s7+$0x50];
	[tilespmem:s31+$0x140] =	vst v2  }
0x31c: {  	v2 =	vld [tilespmem:s7+$0xD0]  }
0x31d: {  	v8 =	vld [tilespmem:s7+$0x150]  }
0x31e: {  	v4 =	vld.idx.msk [tilespmem:v4+s4+$0x0], $0xffff;
	[tilespmem:s31+$0x1D0] =	vst v5  }
0x31f: {  	v5 =	vld [tilespmem:s7+$0x1E0]  }
0x320: {  	v7 =	vld.idx.msk [tilespmem:v7+s4+$0x0], $0xffff  }
0x321: {  	v6 =	vld.idx.msk [tilespmem:v6+s4+$0x0], $0xffff  }
0x322: {  	v3 =	vld.idx.msk [tilespmem:v3+s4+$0x0], $0xffff  }
0x323: {  	v1 =	vld.idx.msk [tilespmem:v1+s4+$0x0], $0xffff  }
0x324: {  	[tilespmem:s31+$0xFFFFFED0] =	vst v4;
	v2 =	vld.idx.msk [tilespmem:v2+s4+$0x0], $0xffff  }
0x325: {  	v4 =	vld.idx.msk [tilespmem:v8+s4+$0x0], $0xffff  }
0x326: {  	v8 =	vld [tilespmem:s7+$0xFFFFFEE0];
	[tilespmem:s31+$0xFFFFFF50] =	vst v7  }
0x327: {  	[tilespmem:s31+$0xFFFFFE50] =	vst v6;
	v5 =	vld.idx.msk [tilespmem:v5+s4+$0x0], $0xffff  }
0x328: {  	v6 =	vld [tilespmem:s7+$0xFFFFFE60];
	[tilespmem:s31+$0xFFFFFFD0] =	vst v3  }
0x329: {  	v3 =	vld [tilespmem:s7+$0xFFFFFF60];
	[tilespmem:s31+$0x50] =	vst v1  }
0x32a: {  	v1 =	vld [tilespmem:s7+$0xFFFFFFE0];
	[tilespmem:s31+$0xD0] =	vst v2  }
0x32b: {  	v2 =	vld [tilespmem:s7+$0x60];
	[tilespmem:s31+$0x150] =	vst v4  }
0x32c: {  	v4 =	vld [tilespmem:s7+$0xE0]  }
0x32d: {  	v7 =	vld [tilespmem:s7+$0x160];
	[tilespmem:s31+$0x1E0] =	vst v5  }
0x32e: {  	v5 =	vld [tilespmem:s7+$0x1F0]  }
0x32f: {  	v8 =	vld.idx.msk [tilespmem:v8+s4+$0x0], $0xffff  }
0x330: {  	v6 =	vld.idx.msk [tilespmem:v6+s4+$0x0], $0xffff  }
0x331: {  	v3 =	vld.idx.msk [tilespmem:v3+s4+$0x0], $0xffff  }
0x332: {  	v1 =	vld.idx.msk [tilespmem:v1+s4+$0x0], $0xffff  }
0x333: {  	v2 =	vld.idx.msk [tilespmem:v2+s4+$0x0], $0xffff  }
0x334: {  	v4 =	vld.idx.msk [tilespmem:v4+s4+$0x0], $0xffff  }
0x335: {  	[tilespmem:s31+$0xFFFFFEE0] =	vst v8;
	v7 =	vld.idx.msk [tilespmem:v7+s4+$0x0], $0xffff  }
0x336: {  	[tilespmem:s31+$0xFFFFFE60] =	vst v6;
	v5 =	vld.idx.msk [tilespmem:v5+s4+$0x0], $0xffff  }
0x337: {  	v6 =	vld [tilespmem:s7+$0xFFFFFE70];
	[tilespmem:s31+$0xFFFFFF60] =	vst v3  }
0x338: {  	v3 =	vld [tilespmem:s7+$0xFFFFFEF0];
	[tilespmem:s31+$0xFFFFFFE0] =	vst v1  }
0x339: {  	v1 =	vld [tilespmem:s7+$0xFFFFFF70];
	[tilespmem:s31+$0x60] =	vst v2  }
0x33a: {  	v2 =	vld [tilespmem:s7+$0xFFFFFFF0];
	[tilespmem:s31+$0xE0] =	vst v4  }
0x33b: {  	v8 =	vld [tilespmem:s7+$0x70];
	[tilespmem:s31+$0x160] =	vst v7  }
0x33c: {  	v7 =	vld [tilespmem:s7+$0xF0];
	[tilespmem:s31+$0x1F0] =	vst v5  }
0x33d: {  	v9 =	vld [tilespmem:s7+$0x170]  }
0x33e: {  	v10 =	vld.idx.msk [tilespmem:v0+s4+$0x0], $0xffff  }
0x33f: {  	v6 =	vld.idx.msk [tilespmem:v6+s4+$0x0], $0xffff  }
.Ltmp2:
0x340: {  	v5 =	vld.idx.msk [tilespmem:v3+s4+$0x0], $0xffff;
	(pc) =	sbr.rel @p0 .LBB2_7-.Ltmp2, $4  }
0x341: {  	v4 =	vld.idx.msk [tilespmem:v1+s4+$0x0], $0xffff  }
0x342: {  	v3 =	vld.idx.msk [tilespmem:v2+s4+$0x0], $0xffff;
	v0 =	vmov v9  }
0x343: {  	v1 =	vld.idx.msk [tilespmem:v8+s4+$0x0], $0xffff  }
0x344: {  	s7 =	sadd.s32 $0x400, s7;
	v2 =	vld.idx.msk [tilespmem:v7+s4+$0x0], $0xffff;
	[tilespmem:s17+$0x170] =	vst v10;
	s17 =	smov.u32 s31  }
0x345: {  	_ =	sdelay $0x2  }
0x346: {  	[tilespmem:s31+$0xFFFFFE70] =	vst v6  }
0x347: {  	p0 =	seq.s32 s29, $0x109;
	[tilespmem:s31+$0xFFFFFEF0] =	vst v5;
	v0 =	vld.idx.msk [tilespmem:v0+s4+$0x0], $0xffff  }
0x348: {  	s1 =	sshll.u32 s1, $0x11;
	s29 =	sadd.s32 $0x1, s29;
	s6 =	sadd.s32 @!p0 $0x5, s30;
	[tilespmem:s31+$0xFFFFFF70] =	vst v4  }
0x349: {  	s7 =	sshll.u32 @!p0 s6, $0x9;
	s8 =	sshll.u32 @!p0 s6, $0xC;
	s6 =	sshll.u32 @!p0 s6, $0x2;
	[tilespmem:s31+$0xFFFFFFF0] =	vst v3  }
0x34a: {  	s7 =	sand.u32 @!p0 $0x1FC000, s7;
	s8 =	sand.u32 @!p0 $0x3000, s8;
	s6 =	sand.u32 @!p0 $0x70, s6;
	[tilespmem:s31+$0x70] =	vst v1  }
0x34b: {  	s7 =	sor.u32 @!p0 s8, s7;
	s6 =	sadd.s32 @!p0 s2, s6;
	[tilespmem:s31+$0xF0] =	vst v2;
	s8 =	simm.s32 @!p0 $0x400  }
0x34c: {  	s6 =	sadd.s32 @!p0 s7, s6;
	[tilespmem:s17+$0x170] =	vst v0;
	s7 =	simm.s32 @!p0 $0x80;
	s17 =	simm.s32 @!p0 $0x1A700  }
0x34d: {  	[tilespmem:s17], [sflag:$0x4] =	stream.strided.gather @!p0 [hbm4b:s6+s7], $0x1000, s8, s7, $0x38;
	[tilespmem:$0x1E700] =	vst v63  }
0x34e: {  	s1 =	sand.u32 $0x1FF80000, s1;
	p0 =	sne.s32 s29, $0x10A  }
.Ltmp3:
0x34f: {  	s0 =	sor.u32 s1, s0;
	(pc) =	sbr.rel @p0 .LBB2_2-.Ltmp3, $4  }
0x350: {  	s0 =	sor.u32 s5, s0  }
0x351: {  	s0 =	sshrl.u32 s0, $0x3  }
0x352: {  	s0 =	sadd.s32 s3, s0  }
0x353: {  	[hbm4b:s0+s13] =	stream.strided.scatter [tilespmem:s23], [sflag:$0x7], $0x1000, s14, s13, $0x38;
	[tilespmem:$0x1E700] =	vst v63  }
0x354: {  	_ =	swait.ge [sflag:s18], $0x1000  }
0x355: {  	[sflag:s18] =	ssyncset.done $0x0  }
0x356: {  	[sflag:s18] =	ssyncadd.s32 $0xFFFFF000  }
0x357: {  	_ =	swait.ge [sflag:s24], $0x1000  }
0x358: {  	[sflag:s24] =	ssyncset.done $0x0  }
0x359: {  	s0 =	simm.s32 $0x18900;
	[sflag:s24] =	ssyncadd.s32 $0xFFFFF000  }
0x35a: {  	v0 =	vld [tilespmem:s0+$0x180]  }
0x35b: {  	v1 =	vld [tilespmem:s0+$0xFFFFFE80]  }
0x35c: {  	v2 =	vld [tilespmem:s0+$0xFFFFFF00]  }
0x35d: {  	v3 =	vld [tilespmem:s0+$0xFFFFFF80]  }
0x35e: {  	v4 =	vld [tilespmem:s0+$0x0]  }
0x35f: {  	v5 =	vld [tilespmem:s0+$0x80]  }
0x360: {  	v6 =	vld [tilespmem:s0+$0x100]  }
0x361: {  	v7 =	vld [tilespmem:s0+$0xFFFFFE00]  }
0x362: {  	v0 =	vld.idx.msk [tilespmem:v0+s4+$0x0], $0xffff  }
0x363: {  	v1 =	vld.idx.msk [tilespmem:v1+s4+$0x0], $0xffff  }
0x364: {  	v2 =	vld.idx.msk [tilespmem:v2+s4+$0x0], $0xffff  }
0x365: {  	v3 =	vld.idx.msk [tilespmem:v3+s4+$0x0], $0xffff  }
0x366: {  	v4 =	vld.idx.msk [tilespmem:v4+s4+$0x0], $0xffff  }
0x367: {  	s1 =	simm.s32 $0x1B900;
	v5 =	vld.idx.msk [tilespmem:v5+s4+$0x0], $0xffff  }
0x368: {  	v6 =	vld.idx.msk [tilespmem:v6+s4+$0x0], $0xffff;
	[tilespmem:s1+$0x180] =	vst v0  }
0x369: {  	[tilespmem:s1+$0xFFFFFE80] =	vst v1;
	v1 =	vld.idx.msk [tilespmem:v7+s4+$0x0], $0xffff  }
0x36a: {  	v0 =	vld [tilespmem:s0+$0x190]  }
0x36b: {  	[tilespmem:s1+$0xFFFFFF00] =	vst v2;
	v2 =	vld [tilespmem:s0+$0xFFFFFE90]  }
0x36c: {  	[tilespmem:s1+$0xFFFFFF80] =	vst v3;
	v3 =	vld [tilespmem:s0+$0xFFFFFF10]  }
0x36d: {  	[tilespmem:s1+$0x0] =	vst v4;
	v4 =	vld [tilespmem:s0+$0xFFFFFF90]  }
0x36e: {  	[tilespmem:s1+$0x80] =	vst v5;
	v5 =	vld [tilespmem:s0+$0x10]  }
0x36f: {  	[tilespmem:s1+$0x100] =	vst v6;
	v6 =	vld [tilespmem:s0+$0x90]  }
0x370: {  	v7 =	vld [tilespmem:s0+$0x110];
	[tilespmem:s1+$0xFFFFFE00] =	vst v1  }
0x371: {  	v1 =	vld [tilespmem:s0+$0xFFFFFE10]  }
0x372: {  	v0 =	vld.idx.msk [tilespmem:v0+s4+$0x0], $0xffff  }
0x373: {  	v2 =	vld.idx.msk [tilespmem:v2+s4+$0x0], $0xffff  }
0x374: {  	v3 =	vld.idx.msk [tilespmem:v3+s4+$0x0], $0xffff  }
0x375: {  	v4 =	vld.idx.msk [tilespmem:v4+s4+$0x0], $0xffff  }
0x376: {  	v5 =	vld.idx.msk [tilespmem:v5+s4+$0x0], $0xffff  }
0x377: {  	v6 =	vld.idx.msk [tilespmem:v6+s4+$0x0], $0xffff  }
0x378: {  	v7 =	vld.idx.msk [tilespmem:v7+s4+$0x0], $0xffff  }
0x379: {  	[tilespmem:s1+$0x190] =	vst v0;
	v1 =	vld.idx.msk [tilespmem:v1+s4+$0x0], $0xffff  }
0x37a: {  	[tilespmem:s1+$0xFFFFFE90] =	vst v2;
	v0 =	vld [tilespmem:s0+$0x1A0]  }
0x37b: {  	[tilespmem:s1+$0xFFFFFF10] =	vst v3;
	v2 =	vld [tilespmem:s0+$0xFFFFFEA0]  }
0x37c: {  	[tilespmem:s1+$0xFFFFFF90] =	vst v4;
	v3 =	vld [tilespmem:s0+$0xFFFFFF20]  }
0x37d: {  	[tilespmem:s1+$0x10] =	vst v5;
	v4 =	vld [tilespmem:s0+$0xFFFFFFA0]  }
0x37e: {  	[tilespmem:s1+$0x90] =	vst v6;
	v5 =	vld [tilespmem:s0+$0x20]  }
0x37f: {  	v6 =	vld [tilespmem:s0+$0xA0];
	[tilespmem:s1+$0xFFFFFE10] =	vst v1  }
0x380: {  	[tilespmem:s1+$0x110] =	vst v7;
	v1 =	vld [tilespmem:s0+$0xFFFFFE20]  }
0x381: {  	v7 =	vld [tilespmem:s0+$0x120]  }
0x382: {  	v0 =	vld.idx.msk [tilespmem:v0+s4+$0x0], $0xffff  }
0x383: {  	v2 =	vld.idx.msk [tilespmem:v2+s4+$0x0], $0xffff  }
0x384: {  	v3 =	vld.idx.msk [tilespmem:v3+s4+$0x0], $0xffff  }
0x385: {  	v4 =	vld.idx.msk [tilespmem:v4+s4+$0x0], $0xffff  }
0x386: {  	v5 =	vld.idx.msk [tilespmem:v5+s4+$0x0], $0xffff  }
0x387: {  	v6 =	vld.idx.msk [tilespmem:v6+s4+$0x0], $0xffff  }
0x388: {  	[tilespmem:s1+$0x1A0] =	vst v0;
	v1 =	vld.idx.msk [tilespmem:v1+s4+$0x0], $0xffff  }
0x389: {  	[tilespmem:s1+$0xFFFFFEA0] =	vst v2;
	v2 =	vld.idx.msk [tilespmem:v7+s4+$0x0], $0xffff  }
0x38a: {  	[tilespmem:s1+$0xFFFFFF20] =	vst v3;
	v0 =	vld [tilespmem:s0+$0x1B0]  }
0x38b: {  	[tilespmem:s1+$0xFFFFFFA0] =	vst v4;
	v3 =	vld [tilespmem:s0+$0xFFFFFEB0]  }
0x38c: {  	[tilespmem:s1+$0x20] =	vst v5;
	v4 =	vld [tilespmem:s0+$0xFFFFFF30]  }
0x38d: {  	[tilespmem:s1+$0xA0] =	vst v6;
	v5 =	vld [tilespmem:s0+$0xFFFFFFB0]  }
0x38e: {  	v7 =	vld [tilespmem:s0+$0x30];
	[tilespmem:s1+$0xFFFFFE20] =	vst v1  }
0x38f: {  	[tilespmem:s1+$0x120] =	vst v2;
	v2 =	vld [tilespmem:s0+$0xB0]  }
0x390: {  	v1 =	vld [tilespmem:s0+$0xFFFFFE30]  }
0x391: {  	v6 =	vld [tilespmem:s0+$0x130]  }
0x392: {  	v0 =	vld.idx.msk [tilespmem:v0+s4+$0x0], $0xffff  }
0x393: {  	v3 =	vld.idx.msk [tilespmem:v3+s4+$0x0], $0xffff  }
0x394: {  	v4 =	vld.idx.msk [tilespmem:v4+s4+$0x0], $0xffff  }
0x395: {  	v5 =	vld.idx.msk [tilespmem:v5+s4+$0x0], $0xffff  }
0x396: {  	v7 =	vld.idx.msk [tilespmem:v7+s4+$0x0], $0xffff  }
0x397: {  	v2 =	vld.idx.msk [tilespmem:v2+s4+$0x0], $0xffff  }
0x398: {  	[tilespmem:s1+$0x1B0] =	vst v0;
	v1 =	vld.idx.msk [tilespmem:v1+s4+$0x0], $0xffff  }
0x399: {  	[tilespmem:s1+$0xFFFFFEB0] =	vst v3;
	v3 =	vld.idx.msk [tilespmem:v6+s4+$0x0], $0xffff  }
0x39a: {  	[tilespmem:s1+$0xFFFFFF30] =	vst v4;
	v0 =	vld [tilespmem:s0+$0x1C0]  }
0x39b: {  	[tilespmem:s1+$0xFFFFFFB0] =	vst v5;
	v4 =	vld [tilespmem:s0+$0xFFFFFEC0]  }
0x39c: {  	[tilespmem:s1+$0x30] =	vst v7;
	v5 =	vld [tilespmem:s0+$0xFFFFFF40]  }
0x39d: {  	v6 =	vld [tilespmem:s0+$0xFFFFFFC0];
	[tilespmem:s1+$0xB0] =	vst v2  }
0x39e: {  	v2 =	vld [tilespmem:s0+$0x40];
	[tilespmem:s1+$0xFFFFFE30] =	vst v1  }
0x39f: {  	[tilespmem:s1+$0x130] =	vst v3;
	v3 =	vld [tilespmem:s0+$0xC0]  }
0x3a0: {  	v1 =	vld [tilespmem:s0+$0xFFFFFE40]  }
0x3a1: {  	v7 =	vld [tilespmem:s0+$0x140]  }
0x3a2: {  	v0 =	vld.idx.msk [tilespmem:v0+s4+$0x0], $0xffff  }
0x3a3: {  	v4 =	vld.idx.msk [tilespmem:v4+s4+$0x0], $0xffff  }
0x3a4: {  	v5 =	vld.idx.msk [tilespmem:v5+s4+$0x0], $0xffff  }
0x3a5: {  	v6 =	vld.idx.msk [tilespmem:v6+s4+$0x0], $0xffff  }
0x3a6: {  	v2 =	vld.idx.msk [tilespmem:v2+s4+$0x0], $0xffff  }
0x3a7: {  	v3 =	vld.idx.msk [tilespmem:v3+s4+$0x0], $0xffff  }
0x3a8: {  	[tilespmem:s1+$0x1C0] =	vst v0;
	v1 =	vld.idx.msk [tilespmem:v1+s4+$0x0], $0xffff  }
0x3a9: {  	[tilespmem:s1+$0xFFFFFEC0] =	vst v4;
	v4 =	vld.idx.msk [tilespmem:v7+s4+$0x0], $0xffff  }
0x3aa: {  	[tilespmem:s1+$0xFFFFFF40] =	vst v5;
	v0 =	vld [tilespmem:s0+$0x1D0]  }
0x3ab: {  	[tilespmem:s1+$0xFFFFFFC0] =	vst v6;
	v5 =	vld [tilespmem:s0+$0xFFFFFED0]  }
0x3ac: {  	v7 =	vld [tilespmem:s0+$0xFFFFFF50];
	[tilespmem:s1+$0x40] =	vst v2  }
0x3ad: {  	v2 =	vld [tilespmem:s0+$0xFFFFFFD0];
	[tilespmem:s1+$0xC0] =	vst v3  }
0x3ae: {  	v3 =	vld [tilespmem:s0+$0x50];
	[tilespmem:s1+$0xFFFFFE40] =	vst v1  }
0x3af: {  	[tilespmem:s1+$0x140] =	vst v4;
	v4 =	vld [tilespmem:s0+$0xD0]  }
0x3b0: {  	v1 =	vld [tilespmem:s0+$0xFFFFFE50]  }
0x3b1: {  	v6 =	vld [tilespmem:s0+$0x150]  }
0x3b2: {  	v0 =	vld.idx.msk [tilespmem:v0+s4+$0x0], $0xffff  }
0x3b3: {  	v5 =	vld.idx.msk [tilespmem:v5+s4+$0x0], $0xffff  }
0x3b4: {  	v7 =	vld.idx.msk [tilespmem:v7+s4+$0x0], $0xffff  }
0x3b5: {  	v2 =	vld.idx.msk [tilespmem:v2+s4+$0x0], $0xffff  }
0x3b6: {  	v3 =	vld.idx.msk [tilespmem:v3+s4+$0x0], $0xffff  }
0x3b7: {  	v4 =	vld.idx.msk [tilespmem:v4+s4+$0x0], $0xffff  }
0x3b8: {  	[tilespmem:s1+$0x1D0] =	vst v0;
	v1 =	vld.idx.msk [tilespmem:v1+s4+$0x0], $0xffff  }
0x3b9: {  	[tilespmem:s1+$0xFFFFFED0] =	vst v5;
	v5 =	vld.idx.msk [tilespmem:v6+s4+$0x0], $0xffff  }
0x3ba: {  	[tilespmem:s1+$0xFFFFFF50] =	vst v7;
	v0 =	vld [tilespmem:s0+$0x1E0]  }
0x3bb: {  	v6 =	vld [tilespmem:s0+$0xFFFFFEE0];
	[tilespmem:s1+$0xFFFFFFD0] =	vst v2  }
0x3bc: {  	v2 =	vld [tilespmem:s0+$0xFFFFFF60];
	[tilespmem:s1+$0x50] =	vst v3  }
0x3bd: {  	v3 =	vld [tilespmem:s0+$0xFFFFFFE0];
	[tilespmem:s1+$0xFFFFFE50] =	vst v1  }
0x3be: {  	v1 =	vld [tilespmem:s0+$0xFFFFFE60]  }
0x3bf: {  	[tilespmem:s1+$0xD0] =	vst v4;
	v4 =	vld [tilespmem:s0+$0x60]  }
0x3c0: {  	[tilespmem:s1+$0x150] =	vst v5;
	v5 =	vld [tilespmem:s0+$0xE0]  }
0x3c1: {  	v7 =	vld [tilespmem:s0+$0x160]  }
0x3c2: {  	v0 =	vld.idx.msk [tilespmem:v0+s4+$0x0], $0xffff  }
0x3c3: {  	v6 =	vld.idx.msk [tilespmem:v6+s4+$0x0], $0xffff  }
0x3c4: {  	v2 =	vld.idx.msk [tilespmem:v2+s4+$0x0], $0xffff  }
0x3c5: {  	v3 =	vld.idx.msk [tilespmem:v3+s4+$0x0], $0xffff  }
0x3c6: {  	v1 =	vld.idx.msk [tilespmem:v1+s4+$0x0], $0xffff  }
0x3c7: {  	v4 =	vld.idx.msk [tilespmem:v4+s4+$0x0], $0xffff  }
0x3c8: {  	v5 =	vld.idx.msk [tilespmem:v5+s4+$0x0], $0xffff;
	[tilespmem:s1+$0x1E0] =	vst v0  }
0x3c9: {  	[tilespmem:s1+$0xFFFFFEE0] =	vst v6;
	v0 =	vld [tilespmem:s0+$0x1F0]  }
0x3ca: {  	v7 =	vld.idx.msk [tilespmem:v7+s4+$0x0], $0xffff;
	[tilespmem:s1+$0xFFFFFF60] =	vst v2  }
0x3cb: {  	v2 =	vld [tilespmem:s0+$0xFFFFFEF0];
	[tilespmem:s1+$0xFFFFFE60] =	vst v1  }
0x3cc: {  	[tilespmem:s1+$0xFFFFFFE0] =	vst v3;
	v1 =	vld [tilespmem:s0+$0xFFFFFE70]  }
0x3cd: {  	v3 =	vld [tilespmem:s0+$0xFFFFFF70];
	[tilespmem:s1+$0x60] =	vst v4  }
0x3ce: {  	v8 =	vld [tilespmem:s0+$0x70]  }
0x3cf: {  	v4 =	vld [tilespmem:s0+$0xFFFFFFF0];
	[tilespmem:s1+$0xE0] =	vst v5  }
0x3d0: {  	v9 =	vld [tilespmem:s0+$0xF0]  }
0x3d1: {  	[tilespmem:s1+$0x160] =	vst v7;
	v10 =	vld.idx.msk [tilespmem:v0+s4+$0x0], $0xffff  }
0x3d2: {  	v0 =	vld [tilespmem:s0+$0x170]  }
0x3d3: {  	v5 =	vld.idx.msk [tilespmem:v2+s4+$0x0], $0xffff  }
0x3d4: {  	v6 =	vld.idx.msk [tilespmem:v1+s4+$0x0], $0xffff  }
0x3d5: {  	v3 =	vld.idx.msk [tilespmem:v3+s4+$0x0], $0xffff  }
0x3d6: {  	v2 =	vld.idx.msk [tilespmem:v8+s4+$0x0], $0xffff  }
0x3d7: {  	v1 =	vld.idx.msk [tilespmem:v4+s4+$0x0], $0xffff  }
0x3d8: {  	s6 =	simm.s32 $0x0;
	s7 =	simm.s32 $0x18D00;
	s0 =	simm.s32 $0x1B900;
	[tilespmem:s1+$0x1F0] =	vst v10;
	v4 =	vld.idx.msk [tilespmem:v9+s4+$0x0], $0xffff  }
.LBB2_10:
0x3d9: {  	v7 =	vld [tilespmem:s7+$0x180];
	s6 =	sadd.s32 $0x8, s6;
	[tilespmem:s1+$0xFFFFFE70] =	vst v6  }
0x3da: {  	v6 =	vld [tilespmem:s7+$0xFFFFFE80];
	p0 =	slt.u32 s6, $0x18;
	[tilespmem:s1+$0xFFFFFEF0] =	vst v5  }
0x3db: {  	v5 =	vld [tilespmem:s7+$0xFFFFFF00];
	[tilespmem:s1+$0xFFFFFF70] =	vst v3  }
0x3dc: {  	v3 =	vld [tilespmem:s7+$0xFFFFFF80];
	[tilespmem:s1+$0xFFFFFFF0] =	vst v1  }
0x3dd: {  	v1 =	vld [tilespmem:s7+$0x0];
	[tilespmem:s1+$0x70] =	vst v2  }
0x3de: {  	v2 =	vld [tilespmem:s7+$0x80];
	[tilespmem:s1+$0xF0] =	vst v4  }
0x3df: {  	v4 =	vld [tilespmem:s7+$0x100]  }
0x3e0: {  	v8 =	vld [tilespmem:s7+$0xFFFFFE00]  }
0x3e1: {  	v7 =	vld.idx.msk [tilespmem:v7+s4+$0x0], $0xffff  }
0x3e2: {  	v6 =	vld.idx.msk [tilespmem:v6+s4+$0x0], $0xffff  }
0x3e3: {  	v5 =	vld.idx.msk [tilespmem:v5+s4+$0x0], $0xffff  }
0x3e4: {  	v3 =	vld.idx.msk [tilespmem:v3+s4+$0x0], $0xffff  }
0x3e5: {  	v1 =	vld.idx.msk [tilespmem:v1+s4+$0x0], $0xffff  }
0x3e6: {  	s1 =	sadd.s32 $0x400, s1;
	v2 =	vld.idx.msk [tilespmem:v2+s4+$0x0], $0xffff  }
0x3e7: {  	v4 =	vld.idx.msk [tilespmem:v4+s4+$0x0], $0xffff;
	[tilespmem:s1+$0x180] =	vst v7  }
0x3e8: {  	[tilespmem:s1+$0xFFFFFE80] =	vst v6;
	v6 =	vld [tilespmem:s7+$0x190]  }
0x3e9: {  	v7 =	vld.idx.msk [tilespmem:v8+s4+$0x0], $0xffff;
	[tilespmem:s1+$0xFFFFFF00] =	vst v5  }
0x3ea: {  	v5 =	vld [tilespmem:s7+$0xFFFFFE90];
	[tilespmem:s1+$0xFFFFFF80] =	vst v3  }
0x3eb: {  	v3 =	vld [tilespmem:s7+$0xFFFFFF10];
	[tilespmem:s1+$0x0] =	vst v1  }
0x3ec: {  	v1 =	vld [tilespmem:s7+$0xFFFFFF90];
	[tilespmem:s1+$0x80] =	vst v2  }
0x3ed: {  	v2 =	vld [tilespmem:s7+$0x10];
	[tilespmem:s1+$0x100] =	vst v4  }
0x3ee: {  	v4 =	vld [tilespmem:s7+$0x90]  }
0x3ef: {  	[tilespmem:s1+$0xFFFFFE00] =	vst v7;
	v7 =	vld [tilespmem:s7+$0x110]  }
0x3f0: {  	v6 =	vld.idx.msk [tilespmem:v6+s4+$0x0], $0xffff  }
0x3f1: {  	v8 =	vld [tilespmem:s7+$0xFFFFFE10]  }
0x3f2: {  	v5 =	vld.idx.msk [tilespmem:v5+s4+$0x0], $0xffff  }
0x3f3: {  	v3 =	vld.idx.msk [tilespmem:v3+s4+$0x0], $0xffff  }
0x3f4: {  	v1 =	vld.idx.msk [tilespmem:v1+s4+$0x0], $0xffff  }
0x3f5: {  	v2 =	vld.idx.msk [tilespmem:v2+s4+$0x0], $0xffff  }
0x3f6: {  	v4 =	vld.idx.msk [tilespmem:v4+s4+$0x0], $0xffff;
	[tilespmem:s1+$0x190] =	vst v6  }
0x3f7: {  	v6 =	vld [tilespmem:s7+$0x1A0]  }
0x3f8: {  	[tilespmem:s1+$0xFFFFFE90] =	vst v5;
	v5 =	vld.idx.msk [tilespmem:v7+s4+$0x0], $0xffff  }
0x3f9: {  	v7 =	vld.idx.msk [tilespmem:v8+s4+$0x0], $0xffff;
	[tilespmem:s1+$0xFFFFFF10] =	vst v3  }
0x3fa: {  	v3 =	vld [tilespmem:s7+$0xFFFFFEA0];
	[tilespmem:s1+$0xFFFFFF90] =	vst v1  }
0x3fb: {  	v1 =	vld [tilespmem:s7+$0xFFFFFF20];
	[tilespmem:s1+$0x10] =	vst v2  }
0x3fc: {  	v2 =	vld [tilespmem:s7+$0xFFFFFFA0];
	[tilespmem:s1+$0x90] =	vst v4  }
0x3fd: {  	v4 =	vld [tilespmem:s7+$0x20]  }
0x3fe: {  	v8 =	vld [tilespmem:s7+$0xA0];
	[tilespmem:s1+$0x110] =	vst v5  }
0x3ff: {  	[tilespmem:s1+$0xFFFFFE10] =	vst v7;
	v5 =	vld.idx.msk [tilespmem:v6+s4+$0x0], $0xffff  }
0x400: {  	v6 =	vld [tilespmem:s7+$0xFFFFFE20]  }
0x401: {  	v7 =	vld [tilespmem:s7+$0x120]  }
0x402: {  	v3 =	vld.idx.msk [tilespmem:v3+s4+$0x0], $0xffff  }
0x403: {  	v1 =	vld.idx.msk [tilespmem:v1+s4+$0x0], $0xffff  }
0x404: {  	v2 =	vld.idx.msk [tilespmem:v2+s4+$0x0], $0xffff  }
0x405: {  	v4 =	vld.idx.msk [tilespmem:v4+s4+$0x0], $0xffff;
	[tilespmem:s1+$0x1A0] =	vst v5  }
0x406: {  	v5 =	vld [tilespmem:s7+$0x1B0]  }
0x407: {  	v8 =	vld.idx.msk [tilespmem:v8+s4+$0x0], $0xffff  }
0x408: {  	v6 =	vld.idx.msk [tilespmem:v6+s4+$0x0], $0xffff;
	[tilespmem:s1+$0xFFFFFEA0] =	vst v3  }
0x409: {  	[tilespmem:s1+$0xFFFFFF20] =	vst v1;
	v1 =	vld.idx.msk [tilespmem:v7+s4+$0x0], $0xffff  }
0x40a: {  	v3 =	vld [tilespmem:s7+$0xFFFFFEB0];
	[tilespmem:s1+$0xFFFFFFA0] =	vst v2  }
0x40b: {  	v2 =	vld [tilespmem:s7+$0xFFFFFF30];
	[tilespmem:s1+$0x20] =	vst v4  }
0x40c: {  	v4 =	vld [tilespmem:s7+$0xFFFFFFB0]  }
0x40d: {  	v7 =	vld [tilespmem:s7+$0x30];
	[tilespmem:s1+$0xA0] =	vst v8  }
0x40e: {  	[tilespmem:s1+$0xFFFFFE20] =	vst v6;
	v5 =	vld.idx.msk [tilespmem:v5+s4+$0x0], $0xffff  }
0x40f: {  	v6 =	vld [tilespmem:s7+$0xFFFFFE30];
	[tilespmem:s1+$0x120] =	vst v1  }
0x410: {  	v1 =	vld [tilespmem:s7+$0xB0]  }
0x411: {  	v8 =	vld [tilespmem:s7+$0x130]  }
0x412: {  	v3 =	vld.idx.msk [tilespmem:v3+s4+$0x0], $0xffff  }
0x413: {  	v2 =	vld.idx.msk [tilespmem:v2+s4+$0x0], $0xffff  }
0x414: {  	v4 =	vld.idx.msk [tilespmem:v4+s4+$0x0], $0xffff;
	[tilespmem:s1+$0x1B0] =	vst v5  }
0x415: {  	v5 =	vld [tilespmem:s7+$0x1C0]  }
0x416: {  	v7 =	vld.idx.msk [tilespmem:v7+s4+$0x0], $0xffff  }
0x417: {  	v6 =	vld.idx.msk [tilespmem:v6+s4+$0x0], $0xffff  }
0x418: {  	[tilespmem:s1+$0xFFFFFEB0] =	vst v3;
	v1 =	vld.idx.msk [tilespmem:v1+s4+$0x0], $0xffff  }
0x419: {  	[tilespmem:s1+$0xFFFFFF30] =	vst v2;
	v2 =	vld.idx.msk [tilespmem:v8+s4+$0x0], $0xffff  }
0x41a: {  	v3 =	vld [tilespmem:s7+$0xFFFFFEC0];
	[tilespmem:s1+$0xFFFFFFB0] =	vst v4  }
0x41b: {  	v4 =	vld [tilespmem:s7+$0xFFFFFF40]  }
0x41c: {  	v8 =	vld [tilespmem:s7+$0xFFFFFFC0];
	[tilespmem:s1+$0x30] =	vst v7  }
0x41d: {  	[tilespmem:s1+$0xFFFFFE30] =	vst v6;
	v5 =	vld.idx.msk [tilespmem:v5+s4+$0x0], $0xffff  }
0x41e: {  	v6 =	vld [tilespmem:s7+$0xFFFFFE40];
	[tilespmem:s1+$0xB0] =	vst v1  }
0x41f: {  	v1 =	vld [tilespmem:s7+$0x40];
	[tilespmem:s1+$0x130] =	vst v2  }
0x420: {  	v2 =	vld [tilespmem:s7+$0xC0]  }
0x421: {  	v7 =	vld [tilespmem:s7+$0x140]  }
0x422: {  	v3 =	vld.idx.msk [tilespmem:v3+s4+$0x0], $0xffff  }
0x423: {  	v4 =	vld.idx.msk [tilespmem:v4+s4+$0x0], $0xffff;
	[tilespmem:s1+$0x1C0] =	vst v5  }
0x424: {  	v5 =	vld [tilespmem:s7+$0x1D0]  }
0x425: {  	v8 =	vld.idx.msk [tilespmem:v8+s4+$0x0], $0xffff  }
0x426: {  	v6 =	vld.idx.msk [tilespmem:v6+s4+$0x0], $0xffff  }
0x427: {  	v1 =	vld.idx.msk [tilespmem:v1+s4+$0x0], $0xffff  }
0x428: {  	[tilespmem:s1+$0xFFFFFEC0] =	vst v3;
	v2 =	vld.idx.msk [tilespmem:v2+s4+$0x0], $0xffff  }
0x429: {  	[tilespmem:s1+$0xFFFFFF40] =	vst v4;
	v3 =	vld.idx.msk [tilespmem:v7+s4+$0x0], $0xffff  }
0x42a: {  	v4 =	vld [tilespmem:s7+$0xFFFFFED0]  }
0x42b: {  	v7 =	vld [tilespmem:s7+$0xFFFFFF50];
	[tilespmem:s1+$0xFFFFFFC0] =	vst v8  }
0x42c: {  	[tilespmem:s1+$0xFFFFFE40] =	vst v6;
	v5 =	vld.idx.msk [tilespmem:v5+s4+$0x0], $0xffff  }
0x42d: {  	v6 =	vld [tilespmem:s7+$0xFFFFFE50];
	[tilespmem:s1+$0x40] =	vst v1  }
0x42e: {  	v1 =	vld [tilespmem:s7+$0xFFFFFFD0];
	[tilespmem:s1+$0xC0] =	vst v2  }
0x42f: {  	v2 =	vld [tilespmem:s7+$0x50];
	[tilespmem:s1+$0x140] =	vst v3  }
0x430: {  	v3 =	vld [tilespmem:s7+$0xD0]  }
0x431: {  	v8 =	vld [tilespmem:s7+$0x150]  }
0x432: {  	v4 =	vld.idx.msk [tilespmem:v4+s4+$0x0], $0xffff;
	[tilespmem:s1+$0x1D0] =	vst v5  }
0x433: {  	v5 =	vld [tilespmem:s7+$0x1E0]  }
0x434: {  	v7 =	vld.idx.msk [tilespmem:v7+s4+$0x0], $0xffff  }
0x435: {  	v6 =	vld.idx.msk [tilespmem:v6+s4+$0x0], $0xffff  }
0x436: {  	v1 =	vld.idx.msk [tilespmem:v1+s4+$0x0], $0xffff  }
0x437: {  	v2 =	vld.idx.msk [tilespmem:v2+s4+$0x0], $0xffff  }
0x438: {  	[tilespmem:s1+$0xFFFFFED0] =	vst v4;
	v3 =	vld.idx.msk [tilespmem:v3+s4+$0x0], $0xffff  }
0x439: {  	v4 =	vld.idx.msk [tilespmem:v8+s4+$0x0], $0xffff  }
0x43a: {  	v8 =	vld [tilespmem:s7+$0xFFFFFEE0];
	[tilespmem:s1+$0xFFFFFF50] =	vst v7  }
0x43b: {  	[tilespmem:s1+$0xFFFFFE50] =	vst v6;
	v5 =	vld.idx.msk [tilespmem:v5+s4+$0x0], $0xffff  }
0x43c: {  	v6 =	vld [tilespmem:s7+$0xFFFFFE60];
	[tilespmem:s1+$0xFFFFFFD0] =	vst v1  }
0x43d: {  	v1 =	vld [tilespmem:s7+$0xFFFFFF60];
	[tilespmem:s1+$0x50] =	vst v2  }
0x43e: {  	v2 =	vld [tilespmem:s7+$0xFFFFFFE0];
	[tilespmem:s1+$0xD0] =	vst v3  }
0x43f: {  	v3 =	vld [tilespmem:s7+$0x60];
	[tilespmem:s1+$0x150] =	vst v4  }
0x440: {  	v4 =	vld [tilespmem:s7+$0xE0]  }
0x441: {  	v7 =	vld [tilespmem:s7+$0x160];
	[tilespmem:s1+$0x1E0] =	vst v5  }
0x442: {  	v5 =	vld [tilespmem:s7+$0x1F0]  }
0x443: {  	v8 =	vld.idx.msk [tilespmem:v8+s4+$0x0], $0xffff  }
0x444: {  	v6 =	vld.idx.msk [tilespmem:v6+s4+$0x0], $0xffff  }
0x445: {  	v1 =	vld.idx.msk [tilespmem:v1+s4+$0x0], $0xffff  }
0x446: {  	v2 =	vld.idx.msk [tilespmem:v2+s4+$0x0], $0xffff  }
0x447: {  	v3 =	vld.idx.msk [tilespmem:v3+s4+$0x0], $0xffff  }
0x448: {  	v4 =	vld.idx.msk [tilespmem:v4+s4+$0x0], $0xffff  }
0x449: {  	[tilespmem:s1+$0xFFFFFEE0] =	vst v8;
	v7 =	vld.idx.msk [tilespmem:v7+s4+$0x0], $0xffff  }
0x44a: {  	[tilespmem:s1+$0xFFFFFE60] =	vst v6;
	v5 =	vld.idx.msk [tilespmem:v5+s4+$0x0], $0xffff  }
0x44b: {  	v6 =	vld [tilespmem:s7+$0xFFFFFE70];
	[tilespmem:s1+$0xFFFFFF60] =	vst v1  }
0x44c: {  	v1 =	vld [tilespmem:s7+$0xFFFFFEF0];
	[tilespmem:s1+$0xFFFFFFE0] =	vst v2  }
0x44d: {  	v2 =	vld [tilespmem:s7+$0xFFFFFF70];
	[tilespmem:s1+$0x60] =	vst v3  }
0x44e: {  	v8 =	vld [tilespmem:s7+$0xFFFFFFF0];
	[tilespmem:s1+$0xE0] =	vst v4  }
0x44f: {  	v4 =	vld [tilespmem:s7+$0x70];
	[tilespmem:s1+$0x160] =	vst v7  }
0x450: {  	v7 =	vld [tilespmem:s7+$0xF0];
	[tilespmem:s1+$0x1F0] =	vst v5  }
0x451: {  	v9 =	vld [tilespmem:s7+$0x170]  }
0x452: {  	v10 =	vld.idx.msk [tilespmem:v0+s4+$0x0], $0xffff  }
0x453: {  	v6 =	vld.idx.msk [tilespmem:v6+s4+$0x0], $0xffff  }
.Ltmp4:
0x454: {  	v5 =	vld.idx.msk [tilespmem:v1+s4+$0x0], $0xffff;
	(pc) =	sbr.rel @p0 .LBB2_10-.Ltmp4, $4  }
0x455: {  	v3 =	vld.idx.msk [tilespmem:v2+s4+$0x0], $0xffff  }
0x456: {  	v1 =	vld.idx.msk [tilespmem:v8+s4+$0x0], $0xffff;
	v0 =	vmov v9  }
0x457: {  	v2 =	vld.idx.msk [tilespmem:v4+s4+$0x0], $0xffff  }
0x458: {  	s7 =	sadd.s32 $0x400, s7;
	v4 =	vld.idx.msk [tilespmem:v7+s4+$0x0], $0xffff;
	[tilespmem:s0+$0x170] =	vst v10;
	s0 =	smov.u32 s1  }
0x459: {  	_ =	sdelay $0x2  }
0x45a: {  	[tilespmem:s1+$0xFFFFFE70] =	vst v6  }
0x45b: {  	[tilespmem:s1+$0xFFFFFEF0] =	vst v5;
	v0 =	vld.idx.msk [tilespmem:v0+s4+$0x0], $0xffff  }
0x45c: {  	[tilespmem:s1+$0xFFFFFF70] =	vst v3  }
0x45d: {  	[tilespmem:s1+$0xFFFFFFF0] =	vst v1  }
0x45e: {  	[tilespmem:s1+$0x70] =	vst v2  }
0x45f: {  	[tilespmem:s1+$0xF0] =	vst v4  }
0x460: {  	[tilespmem:s0+$0x170] =	vst v0  }
0x461: {  	[hbm4b:s9+s13] =	stream.strided.scatter [tilespmem:s19], [sflag:$0x5], $0x1000, s14, s13, $0x38;
	[tilespmem:$0x1E700] =	vst v63  }
0x462: {  	_ =	swait.ge [sflag:s20], $0x1000  }
0x463: {  	[sflag:s20] =	ssyncset.done $0x0  }
0x464: {  	[sflag:s20] =	ssyncadd.s32 $0xFFFFF000  }
0x465: {  	_ =	swait.ge [sflag:s25], $0x1000  }
0x466: {  	[sflag:s25] =	ssyncset.done $0x0  }
0x467: {  	s31 =	simm.s32 $0x19900;
	[sflag:s25] =	ssyncadd.s32 $0xFFFFF000  }
0x468: {  	v0 =	vld [tilespmem:s31+$0x180]  }
0x469: {  	v1 =	vld [tilespmem:s31+$0xFFFFFE80]  }
0x46a: {  	v2 =	vld [tilespmem:s31+$0xFFFFFF00]  }
0x46b: {  	v3 =	vld [tilespmem:s31+$0xFFFFFF80]  }
0x46c: {  	v4 =	vld [tilespmem:s31+$0x0]  }
0x46d: {  	v5 =	vld [tilespmem:s31+$0x80]  }
0x46e: {  	v6 =	vld [tilespmem:s31+$0x100]  }
0x46f: {  	v7 =	vld [tilespmem:s31+$0xFFFFFE00]  }
0x470: {  	v0 =	vld.idx.msk [tilespmem:v0+s4+$0x0], $0xffff  }
0x471: {  	v1 =	vld.idx.msk [tilespmem:v1+s4+$0x0], $0xffff  }
0x472: {  	v2 =	vld.idx.msk [tilespmem:v2+s4+$0x0], $0xffff  }
0x473: {  	v3 =	vld.idx.msk [tilespmem:v3+s4+$0x0], $0xffff  }
0x474: {  	v4 =	vld.idx.msk [tilespmem:v4+s4+$0x0], $0xffff  }
0x475: {  	s1 =	simm.s32 $0x1C900;
	v5 =	vld.idx.msk [tilespmem:v5+s4+$0x0], $0xffff  }
0x476: {  	v6 =	vld.idx.msk [tilespmem:v6+s4+$0x0], $0xffff;
	[tilespmem:s1+$0x180] =	vst v0  }
0x477: {  	[tilespmem:s1+$0xFFFFFE80] =	vst v1;
	v1 =	vld.idx.msk [tilespmem:v7+s4+$0x0], $0xffff  }
0x478: {  	v0 =	vld [tilespmem:s31+$0x190]  }
0x479: {  	[tilespmem:s1+$0xFFFFFF00] =	vst v2;
	v2 =	vld [tilespmem:s31+$0xFFFFFE90]  }
0x47a: {  	[tilespmem:s1+$0xFFFFFF80] =	vst v3;
	v3 =	vld [tilespmem:s31+$0xFFFFFF10]  }
0x47b: {  	[tilespmem:s1+$0x0] =	vst v4;
	v4 =	vld [tilespmem:s31+$0xFFFFFF90]  }
0x47c: {  	[tilespmem:s1+$0x80] =	vst v5;
	v5 =	vld [tilespmem:s31+$0x10]  }
0x47d: {  	[tilespmem:s1+$0x100] =	vst v6;
	v6 =	vld [tilespmem:s31+$0x90]  }
0x47e: {  	v7 =	vld [tilespmem:s31+$0x110];
	[tilespmem:s1+$0xFFFFFE00] =	vst v1  }
0x47f: {  	v1 =	vld [tilespmem:s31+$0xFFFFFE10]  }
0x480: {  	v0 =	vld.idx.msk [tilespmem:v0+s4+$0x0], $0xffff  }
0x481: {  	v2 =	vld.idx.msk [tilespmem:v2+s4+$0x0], $0xffff  }
0x482: {  	v3 =	vld.idx.msk [tilespmem:v3+s4+$0x0], $0xffff  }
0x483: {  	v4 =	vld.idx.msk [tilespmem:v4+s4+$0x0], $0xffff  }
0x484: {  	v5 =	vld.idx.msk [tilespmem:v5+s4+$0x0], $0xffff  }
0x485: {  	v6 =	vld.idx.msk [tilespmem:v6+s4+$0x0], $0xffff  }
0x486: {  	v7 =	vld.idx.msk [tilespmem:v7+s4+$0x0], $0xffff  }
0x487: {  	[tilespmem:s1+$0x190] =	vst v0;
	v1 =	vld.idx.msk [tilespmem:v1+s4+$0x0], $0xffff  }
0x488: {  	[tilespmem:s1+$0xFFFFFE90] =	vst v2;
	v0 =	vld [tilespmem:s31+$0x1A0]  }
0x489: {  	[tilespmem:s1+$0xFFFFFF10] =	vst v3;
	v2 =	vld [tilespmem:s31+$0xFFFFFEA0]  }
0x48a: {  	[tilespmem:s1+$0xFFFFFF90] =	vst v4;
	v3 =	vld [tilespmem:s31+$0xFFFFFF20]  }
0x48b: {  	[tilespmem:s1+$0x10] =	vst v5;
	v4 =	vld [tilespmem:s31+$0xFFFFFFA0]  }
0x48c: {  	[tilespmem:s1+$0x90] =	vst v6;
	v5 =	vld [tilespmem:s31+$0x20]  }
0x48d: {  	v6 =	vld [tilespmem:s31+$0xA0];
	[tilespmem:s1+$0xFFFFFE10] =	vst v1  }
0x48e: {  	[tilespmem:s1+$0x110] =	vst v7;
	v1 =	vld [tilespmem:s31+$0xFFFFFE20]  }
0x48f: {  	v7 =	vld [tilespmem:s31+$0x120]  }
0x490: {  	v0 =	vld.idx.msk [tilespmem:v0+s4+$0x0], $0xffff  }
0x491: {  	v2 =	vld.idx.msk [tilespmem:v2+s4+$0x0], $0xffff  }
0x492: {  	v3 =	vld.idx.msk [tilespmem:v3+s4+$0x0], $0xffff  }
0x493: {  	v4 =	vld.idx.msk [tilespmem:v4+s4+$0x0], $0xffff  }
0x494: {  	v5 =	vld.idx.msk [tilespmem:v5+s4+$0x0], $0xffff  }
0x495: {  	v6 =	vld.idx.msk [tilespmem:v6+s4+$0x0], $0xffff  }
0x496: {  	[tilespmem:s1+$0x1A0] =	vst v0;
	v1 =	vld.idx.msk [tilespmem:v1+s4+$0x0], $0xffff  }
0x497: {  	[tilespmem:s1+$0xFFFFFEA0] =	vst v2;
	v2 =	vld.idx.msk [tilespmem:v7+s4+$0x0], $0xffff  }
0x498: {  	[tilespmem:s1+$0xFFFFFF20] =	vst v3;
	v0 =	vld [tilespmem:s31+$0x1B0]  }
0x499: {  	[tilespmem:s1+$0xFFFFFFA0] =	vst v4;
	v3 =	vld [tilespmem:s31+$0xFFFFFEB0]  }
0x49a: {  	[tilespmem:s1+$0x20] =	vst v5;
	v4 =	vld [tilespmem:s31+$0xFFFFFF30]  }
0x49b: {  	[tilespmem:s1+$0xA0] =	vst v6;
	v5 =	vld [tilespmem:s31+$0xFFFFFFB0]  }
0x49c: {  	v7 =	vld [tilespmem:s31+$0x30];
	[tilespmem:s1+$0xFFFFFE20] =	vst v1  }
0x49d: {  	[tilespmem:s1+$0x120] =	vst v2;
	v2 =	vld [tilespmem:s31+$0xB0]  }
0x49e: {  	v1 =	vld [tilespmem:s31+$0xFFFFFE30]  }
0x49f: {  	v6 =	vld [tilespmem:s31+$0x130]  }
0x4a0: {  	v0 =	vld.idx.msk [tilespmem:v0+s4+$0x0], $0xffff  }
0x4a1: {  	v3 =	vld.idx.msk [tilespmem:v3+s4+$0x0], $0xffff  }
0x4a2: {  	v4 =	vld.idx.msk [tilespmem:v4+s4+$0x0], $0xffff  }
0x4a3: {  	v5 =	vld.idx.msk [tilespmem:v5+s4+$0x0], $0xffff  }
0x4a4: {  	v7 =	vld.idx.msk [tilespmem:v7+s4+$0x0], $0xffff  }
0x4a5: {  	v2 =	vld.idx.msk [tilespmem:v2+s4+$0x0], $0xffff  }
0x4a6: {  	[tilespmem:s1+$0x1B0] =	vst v0;
	v1 =	vld.idx.msk [tilespmem:v1+s4+$0x0], $0xffff  }
0x4a7: {  	[tilespmem:s1+$0xFFFFFEB0] =	vst v3;
	v3 =	vld.idx.msk [tilespmem:v6+s4+$0x0], $0xffff  }
0x4a8: {  	[tilespmem:s1+$0xFFFFFF30] =	vst v4;
	v0 =	vld [tilespmem:s31+$0x1C0]  }
0x4a9: {  	[tilespmem:s1+$0xFFFFFFB0] =	vst v5;
	v4 =	vld [tilespmem:s31+$0xFFFFFEC0]  }
0x4aa: {  	[tilespmem:s1+$0x30] =	vst v7;
	v5 =	vld [tilespmem:s31+$0xFFFFFF40]  }
0x4ab: {  	v6 =	vld [tilespmem:s31+$0xFFFFFFC0];
	[tilespmem:s1+$0xB0] =	vst v2  }
0x4ac: {  	v2 =	vld [tilespmem:s31+$0x40];
	[tilespmem:s1+$0xFFFFFE30] =	vst v1  }
0x4ad: {  	[tilespmem:s1+$0x130] =	vst v3;
	v3 =	vld [tilespmem:s31+$0xC0]  }
0x4ae: {  	v1 =	vld [tilespmem:s31+$0xFFFFFE40]  }
0x4af: {  	v7 =	vld [tilespmem:s31+$0x140]  }
0x4b0: {  	v0 =	vld.idx.msk [tilespmem:v0+s4+$0x0], $0xffff  }
0x4b1: {  	v4 =	vld.idx.msk [tilespmem:v4+s4+$0x0], $0xffff  }
0x4b2: {  	v5 =	vld.idx.msk [tilespmem:v5+s4+$0x0], $0xffff  }
0x4b3: {  	v6 =	vld.idx.msk [tilespmem:v6+s4+$0x0], $0xffff  }
0x4b4: {  	v2 =	vld.idx.msk [tilespmem:v2+s4+$0x0], $0xffff  }
0x4b5: {  	v3 =	vld.idx.msk [tilespmem:v3+s4+$0x0], $0xffff  }
0x4b6: {  	[tilespmem:s1+$0x1C0] =	vst v0;
	v1 =	vld.idx.msk [tilespmem:v1+s4+$0x0], $0xffff  }
0x4b7: {  	[tilespmem:s1+$0xFFFFFEC0] =	vst v4;
	v4 =	vld.idx.msk [tilespmem:v7+s4+$0x0], $0xffff  }
0x4b8: {  	[tilespmem:s1+$0xFFFFFF40] =	vst v5;
	v0 =	vld [tilespmem:s31+$0x1D0]  }
0x4b9: {  	[tilespmem:s1+$0xFFFFFFC0] =	vst v6;
	v5 =	vld [tilespmem:s31+$0xFFFFFED0]  }
0x4ba: {  	v7 =	vld [tilespmem:s31+$0xFFFFFF50];
	[tilespmem:s1+$0x40] =	vst v2  }
0x4bb: {  	v2 =	vld [tilespmem:s31+$0xFFFFFFD0];
	[tilespmem:s1+$0xC0] =	vst v3  }
0x4bc: {  	v3 =	vld [tilespmem:s31+$0x50];
	[tilespmem:s1+$0xFFFFFE40] =	vst v1  }
0x4bd: {  	[tilespmem:s1+$0x140] =	vst v4;
	v4 =	vld [tilespmem:s31+$0xD0]  }
0x4be: {  	v1 =	vld [tilespmem:s31+$0xFFFFFE50]  }
0x4bf: {  	v6 =	vld [tilespmem:s31+$0x150]  }
0x4c0: {  	v0 =	vld.idx.msk [tilespmem:v0+s4+$0x0], $0xffff  }
0x4c1: {  	v5 =	vld.idx.msk [tilespmem:v5+s4+$0x0], $0xffff  }
0x4c2: {  	v7 =	vld.idx.msk [tilespmem:v7+s4+$0x0], $0xffff  }
0x4c3: {  	v2 =	vld.idx.msk [tilespmem:v2+s4+$0x0], $0xffff  }
0x4c4: {  	v3 =	vld.idx.msk [tilespmem:v3+s4+$0x0], $0xffff  }
0x4c5: {  	v4 =	vld.idx.msk [tilespmem:v4+s4+$0x0], $0xffff  }
0x4c6: {  	[tilespmem:s1+$0x1D0] =	vst v0;
	v1 =	vld.idx.msk [tilespmem:v1+s4+$0x0], $0xffff  }
0x4c7: {  	[tilespmem:s1+$0xFFFFFED0] =	vst v5;
	v5 =	vld.idx.msk [tilespmem:v6+s4+$0x0], $0xffff  }
0x4c8: {  	[tilespmem:s1+$0xFFFFFF50] =	vst v7;
	v0 =	vld [tilespmem:s31+$0x1E0]  }
0x4c9: {  	v6 =	vld [tilespmem:s31+$0xFFFFFEE0];
	[tilespmem:s1+$0xFFFFFFD0] =	vst v2  }
0x4ca: {  	v2 =	vld [tilespmem:s31+$0xFFFFFF60];
	[tilespmem:s1+$0x50] =	vst v3  }
0x4cb: {  	v3 =	vld [tilespmem:s31+$0xFFFFFFE0];
	[tilespmem:s1+$0xFFFFFE50] =	vst v1  }
0x4cc: {  	v1 =	vld [tilespmem:s31+$0xFFFFFE60]  }
0x4cd: {  	[tilespmem:s1+$0xD0] =	vst v4;
	v4 =	vld [tilespmem:s31+$0x60]  }
0x4ce: {  	[tilespmem:s1+$0x150] =	vst v5;
	v5 =	vld [tilespmem:s31+$0xE0]  }
0x4cf: {  	v7 =	vld [tilespmem:s31+$0x160]  }
0x4d0: {  	v0 =	vld.idx.msk [tilespmem:v0+s4+$0x0], $0xffff  }
0x4d1: {  	v6 =	vld.idx.msk [tilespmem:v6+s4+$0x0], $0xffff  }
0x4d2: {  	v2 =	vld.idx.msk [tilespmem:v2+s4+$0x0], $0xffff  }
0x4d3: {  	v3 =	vld.idx.msk [tilespmem:v3+s4+$0x0], $0xffff  }
0x4d4: {  	v1 =	vld.idx.msk [tilespmem:v1+s4+$0x0], $0xffff  }
0x4d5: {  	v4 =	vld.idx.msk [tilespmem:v4+s4+$0x0], $0xffff  }
0x4d6: {  	v5 =	vld.idx.msk [tilespmem:v5+s4+$0x0], $0xffff;
	[tilespmem:s1+$0x1E0] =	vst v0  }
0x4d7: {  	[tilespmem:s1+$0xFFFFFEE0] =	vst v6;
	v0 =	vld [tilespmem:s31+$0x1F0]  }
0x4d8: {  	v7 =	vld.idx.msk [tilespmem:v7+s4+$0x0], $0xffff;
	[tilespmem:s1+$0xFFFFFF60] =	vst v2  }
0x4d9: {  	v2 =	vld [tilespmem:s31+$0xFFFFFEF0];
	[tilespmem:s1+$0xFFFFFE60] =	vst v1  }
0x4da: {  	[tilespmem:s1+$0xFFFFFFE0] =	vst v3;
	v1 =	vld [tilespmem:s31+$0xFFFFFE70]  }
0x4db: {  	v3 =	vld [tilespmem:s31+$0xFFFFFF70];
	[tilespmem:s1+$0x60] =	vst v4  }
0x4dc: {  	v8 =	vld [tilespmem:s31+$0x70]  }
0x4dd: {  	v4 =	vld [tilespmem:s31+$0xFFFFFFF0];
	[tilespmem:s1+$0xE0] =	vst v5  }
0x4de: {  	v9 =	vld [tilespmem:s31+$0xF0]  }
0x4df: {  	[tilespmem:s1+$0x160] =	vst v7;
	v10 =	vld.idx.msk [tilespmem:v0+s4+$0x0], $0xffff  }
0x4e0: {  	v0 =	vld [tilespmem:s31+$0x170]  }
0x4e1: {  	v5 =	vld.idx.msk [tilespmem:v2+s4+$0x0], $0xffff  }
0x4e2: {  	v6 =	vld.idx.msk [tilespmem:v1+s4+$0x0], $0xffff  }
0x4e3: {  	v3 =	vld.idx.msk [tilespmem:v3+s4+$0x0], $0xffff  }
0x4e4: {  	v2 =	vld.idx.msk [tilespmem:v8+s4+$0x0], $0xffff  }
0x4e5: {  	v1 =	vld.idx.msk [tilespmem:v4+s4+$0x0], $0xffff  }
0x4e6: {  	s6 =	simm.s32 $0x0;
	s7 =	simm.s32 $0x19D00;
	s0 =	simm.s32 $0x1C900;
	[tilespmem:s1+$0x1F0] =	vst v10;
	v4 =	vld.idx.msk [tilespmem:v9+s4+$0x0], $0xffff  }
.LBB2_12:
0x4e7: {  	v7 =	vld [tilespmem:s7+$0x180];
	s6 =	sadd.s32 $0x8, s6;
	[tilespmem:s1+$0xFFFFFE70] =	vst v6  }
0x4e8: {  	v6 =	vld [tilespmem:s7+$0xFFFFFE80];
	p0 =	slt.u32 s6, $0x18;
	[tilespmem:s1+$0xFFFFFEF0] =	vst v5  }
0x4e9: {  	v5 =	vld [tilespmem:s7+$0xFFFFFF00];
	[tilespmem:s1+$0xFFFFFF70] =	vst v3  }
0x4ea: {  	v3 =	vld [tilespmem:s7+$0xFFFFFF80];
	[tilespmem:s1+$0xFFFFFFF0] =	vst v1  }
0x4eb: {  	v1 =	vld [tilespmem:s7+$0x0];
	[tilespmem:s1+$0x70] =	vst v2  }
0x4ec: {  	v2 =	vld [tilespmem:s7+$0x80];
	[tilespmem:s1+$0xF0] =	vst v4  }
0x4ed: {  	v4 =	vld [tilespmem:s7+$0x100]  }
0x4ee: {  	v8 =	vld [tilespmem:s7+$0xFFFFFE00]  }
0x4ef: {  	v7 =	vld.idx.msk [tilespmem:v7+s4+$0x0], $0xffff  }
0x4f0: {  	v6 =	vld.idx.msk [tilespmem:v6+s4+$0x0], $0xffff  }
0x4f1: {  	v5 =	vld.idx.msk [tilespmem:v5+s4+$0x0], $0xffff  }
0x4f2: {  	v3 =	vld.idx.msk [tilespmem:v3+s4+$0x0], $0xffff  }
0x4f3: {  	v1 =	vld.idx.msk [tilespmem:v1+s4+$0x0], $0xffff  }
0x4f4: {  	s1 =	sadd.s32 $0x400, s1;
	v2 =	vld.idx.msk [tilespmem:v2+s4+$0x0], $0xffff  }
0x4f5: {  	v4 =	vld.idx.msk [tilespmem:v4+s4+$0x0], $0xffff;
	[tilespmem:s1+$0x180] =	vst v7  }
0x4f6: {  	[tilespmem:s1+$0xFFFFFE80] =	vst v6;
	v6 =	vld [tilespmem:s7+$0x190]  }
0x4f7: {  	v7 =	vld.idx.msk [tilespmem:v8+s4+$0x0], $0xffff;
	[tilespmem:s1+$0xFFFFFF00] =	vst v5  }
0x4f8: {  	v5 =	vld [tilespmem:s7+$0xFFFFFE90];
	[tilespmem:s1+$0xFFFFFF80] =	vst v3  }
0x4f9: {  	v3 =	vld [tilespmem:s7+$0xFFFFFF10];
	[tilespmem:s1+$0x0] =	vst v1  }
0x4fa: {  	v1 =	vld [tilespmem:s7+$0xFFFFFF90];
	[tilespmem:s1+$0x80] =	vst v2  }
0x4fb: {  	v2 =	vld [tilespmem:s7+$0x10];
	[tilespmem:s1+$0x100] =	vst v4  }
0x4fc: {  	v4 =	vld [tilespmem:s7+$0x90]  }
0x4fd: {  	[tilespmem:s1+$0xFFFFFE00] =	vst v7;
	v7 =	vld [tilespmem:s7+$0x110]  }
0x4fe: {  	v6 =	vld.idx.msk [tilespmem:v6+s4+$0x0], $0xffff  }
0x4ff: {  	v8 =	vld [tilespmem:s7+$0xFFFFFE10]  }
0x500: {  	v5 =	vld.idx.msk [tilespmem:v5+s4+$0x0], $0xffff  }
0x501: {  	v3 =	vld.idx.msk [tilespmem:v3+s4+$0x0], $0xffff  }
0x502: {  	v1 =	vld.idx.msk [tilespmem:v1+s4+$0x0], $0xffff  }
0x503: {  	v2 =	vld.idx.msk [tilespmem:v2+s4+$0x0], $0xffff  }
0x504: {  	v4 =	vld.idx.msk [tilespmem:v4+s4+$0x0], $0xffff;
	[tilespmem:s1+$0x190] =	vst v6  }
0x505: {  	v6 =	vld [tilespmem:s7+$0x1A0]  }
0x506: {  	[tilespmem:s1+$0xFFFFFE90] =	vst v5;
	v5 =	vld.idx.msk [tilespmem:v7+s4+$0x0], $0xffff  }
0x507: {  	v7 =	vld.idx.msk [tilespmem:v8+s4+$0x0], $0xffff;
	[tilespmem:s1+$0xFFFFFF10] =	vst v3  }
0x508: {  	v3 =	vld [tilespmem:s7+$0xFFFFFEA0];
	[tilespmem:s1+$0xFFFFFF90] =	vst v1  }
0x509: {  	v1 =	vld [tilespmem:s7+$0xFFFFFF20];
	[tilespmem:s1+$0x10] =	vst v2  }
0x50a: {  	v2 =	vld [tilespmem:s7+$0xFFFFFFA0];
	[tilespmem:s1+$0x90] =	vst v4  }
0x50b: {  	v4 =	vld [tilespmem:s7+$0x20]  }
0x50c: {  	v8 =	vld [tilespmem:s7+$0xA0];
	[tilespmem:s1+$0x110] =	vst v5  }
0x50d: {  	[tilespmem:s1+$0xFFFFFE10] =	vst v7;
	v5 =	vld.idx.msk [tilespmem:v6+s4+$0x0], $0xffff  }
0x50e: {  	v6 =	vld [tilespmem:s7+$0xFFFFFE20]  }
0x50f: {  	v7 =	vld [tilespmem:s7+$0x120]  }
0x510: {  	v3 =	vld.idx.msk [tilespmem:v3+s4+$0x0], $0xffff  }
0x511: {  	v1 =	vld.idx.msk [tilespmem:v1+s4+$0x0], $0xffff  }
0x512: {  	v2 =	vld.idx.msk [tilespmem:v2+s4+$0x0], $0xffff  }
0x513: {  	v4 =	vld.idx.msk [tilespmem:v4+s4+$0x0], $0xffff;
	[tilespmem:s1+$0x1A0] =	vst v5  }
0x514: {  	v5 =	vld [tilespmem:s7+$0x1B0]  }
0x515: {  	v8 =	vld.idx.msk [tilespmem:v8+s4+$0x0], $0xffff  }
0x516: {  	v6 =	vld.idx.msk [tilespmem:v6+s4+$0x0], $0xffff;
	[tilespmem:s1+$0xFFFFFEA0] =	vst v3  }
0x517: {  	[tilespmem:s1+$0xFFFFFF20] =	vst v1;
	v1 =	vld.idx.msk [tilespmem:v7+s4+$0x0], $0xffff  }
0x518: {  	v3 =	vld [tilespmem:s7+$0xFFFFFEB0];
	[tilespmem:s1+$0xFFFFFFA0] =	vst v2  }
0x519: {  	v2 =	vld [tilespmem:s7+$0xFFFFFF30];
	[tilespmem:s1+$0x20] =	vst v4  }
0x51a: {  	v4 =	vld [tilespmem:s7+$0xFFFFFFB0]  }
0x51b: {  	v7 =	vld [tilespmem:s7+$0x30];
	[tilespmem:s1+$0xA0] =	vst v8  }
0x51c: {  	[tilespmem:s1+$0xFFFFFE20] =	vst v6;
	v5 =	vld.idx.msk [tilespmem:v5+s4+$0x0], $0xffff  }
0x51d: {  	v6 =	vld [tilespmem:s7+$0xFFFFFE30];
	[tilespmem:s1+$0x120] =	vst v1  }
0x51e: {  	v1 =	vld [tilespmem:s7+$0xB0]  }
0x51f: {  	v8 =	vld [tilespmem:s7+$0x130]  }
0x520: {  	v3 =	vld.idx.msk [tilespmem:v3+s4+$0x0], $0xffff  }
0x521: {  	v2 =	vld.idx.msk [tilespmem:v2+s4+$0x0], $0xffff  }
0x522: {  	v4 =	vld.idx.msk [tilespmem:v4+s4+$0x0], $0xffff;
	[tilespmem:s1+$0x1B0] =	vst v5  }
0x523: {  	v5 =	vld [tilespmem:s7+$0x1C0]  }
0x524: {  	v7 =	vld.idx.msk [tilespmem:v7+s4+$0x0], $0xffff  }
0x525: {  	v6 =	vld.idx.msk [tilespmem:v6+s4+$0x0], $0xffff  }
0x526: {  	[tilespmem:s1+$0xFFFFFEB0] =	vst v3;
	v1 =	vld.idx.msk [tilespmem:v1+s4+$0x0], $0xffff  }
0x527: {  	[tilespmem:s1+$0xFFFFFF30] =	vst v2;
	v2 =	vld.idx.msk [tilespmem:v8+s4+$0x0], $0xffff  }
0x528: {  	v3 =	vld [tilespmem:s7+$0xFFFFFEC0];
	[tilespmem:s1+$0xFFFFFFB0] =	vst v4  }
0x529: {  	v4 =	vld [tilespmem:s7+$0xFFFFFF40]  }
0x52a: {  	v8 =	vld [tilespmem:s7+$0xFFFFFFC0];
	[tilespmem:s1+$0x30] =	vst v7  }
0x52b: {  	[tilespmem:s1+$0xFFFFFE30] =	vst v6;
	v5 =	vld.idx.msk [tilespmem:v5+s4+$0x0], $0xffff  }
0x52c: {  	v6 =	vld [tilespmem:s7+$0xFFFFFE40];
	[tilespmem:s1+$0xB0] =	vst v1  }
0x52d: {  	v1 =	vld [tilespmem:s7+$0x40];
	[tilespmem:s1+$0x130] =	vst v2  }
0x52e: {  	v2 =	vld [tilespmem:s7+$0xC0]  }
0x52f: {  	v7 =	vld [tilespmem:s7+$0x140]  }
0x530: {  	v3 =	vld.idx.msk [tilespmem:v3+s4+$0x0], $0xffff  }
0x531: {  	v4 =	vld.idx.msk [tilespmem:v4+s4+$0x0], $0xffff;
	[tilespmem:s1+$0x1C0] =	vst v5  }
0x532: {  	v5 =	vld [tilespmem:s7+$0x1D0]  }
0x533: {  	v8 =	vld.idx.msk [tilespmem:v8+s4+$0x0], $0xffff  }
0x534: {  	v6 =	vld.idx.msk [tilespmem:v6+s4+$0x0], $0xffff  }
0x535: {  	v1 =	vld.idx.msk [tilespmem:v1+s4+$0x0], $0xffff  }
0x536: {  	[tilespmem:s1+$0xFFFFFEC0] =	vst v3;
	v2 =	vld.idx.msk [tilespmem:v2+s4+$0x0], $0xffff  }
0x537: {  	[tilespmem:s1+$0xFFFFFF40] =	vst v4;
	v3 =	vld.idx.msk [tilespmem:v7+s4+$0x0], $0xffff  }
0x538: {  	v4 =	vld [tilespmem:s7+$0xFFFFFED0]  }
0x539: {  	v7 =	vld [tilespmem:s7+$0xFFFFFF50];
	[tilespmem:s1+$0xFFFFFFC0] =	vst v8  }
0x53a: {  	[tilespmem:s1+$0xFFFFFE40] =	vst v6;
	v5 =	vld.idx.msk [tilespmem:v5+s4+$0x0], $0xffff  }
0x53b: {  	v6 =	vld [tilespmem:s7+$0xFFFFFE50];
	[tilespmem:s1+$0x40] =	vst v1  }
0x53c: {  	v1 =	vld [tilespmem:s7+$0xFFFFFFD0];
	[tilespmem:s1+$0xC0] =	vst v2  }
0x53d: {  	v2 =	vld [tilespmem:s7+$0x50];
	[tilespmem:s1+$0x140] =	vst v3  }
0x53e: {  	v3 =	vld [tilespmem:s7+$0xD0]  }
0x53f: {  	v8 =	vld [tilespmem:s7+$0x150]  }
0x540: {  	v4 =	vld.idx.msk [tilespmem:v4+s4+$0x0], $0xffff;
	[tilespmem:s1+$0x1D0] =	vst v5  }
0x541: {  	v5 =	vld [tilespmem:s7+$0x1E0]  }
0x542: {  	v7 =	vld.idx.msk [tilespmem:v7+s4+$0x0], $0xffff  }
0x543: {  	v6 =	vld.idx.msk [tilespmem:v6+s4+$0x0], $0xffff  }
0x544: {  	v1 =	vld.idx.msk [tilespmem:v1+s4+$0x0], $0xffff  }
0x545: {  	v2 =	vld.idx.msk [tilespmem:v2+s4+$0x0], $0xffff  }
0x546: {  	[tilespmem:s1+$0xFFFFFED0] =	vst v4;
	v3 =	vld.idx.msk [tilespmem:v3+s4+$0x0], $0xffff  }
0x547: {  	v4 =	vld.idx.msk [tilespmem:v8+s4+$0x0], $0xffff  }
0x548: {  	v8 =	vld [tilespmem:s7+$0xFFFFFEE0];
	[tilespmem:s1+$0xFFFFFF50] =	vst v7  }
0x549: {  	[tilespmem:s1+$0xFFFFFE50] =	vst v6;
	v5 =	vld.idx.msk [tilespmem:v5+s4+$0x0], $0xffff  }
0x54a: {  	v6 =	vld [tilespmem:s7+$0xFFFFFE60];
	[tilespmem:s1+$0xFFFFFFD0] =	vst v1  }
0x54b: {  	v1 =	vld [tilespmem:s7+$0xFFFFFF60];
	[tilespmem:s1+$0x50] =	vst v2  }
0x54c: {  	v2 =	vld [tilespmem:s7+$0xFFFFFFE0];
	[tilespmem:s1+$0xD0] =	vst v3  }
0x54d: {  	v3 =	vld [tilespmem:s7+$0x60];
	[tilespmem:s1+$0x150] =	vst v4  }
0x54e: {  	v4 =	vld [tilespmem:s7+$0xE0]  }
0x54f: {  	v7 =	vld [tilespmem:s7+$0x160];
	[tilespmem:s1+$0x1E0] =	vst v5  }
0x550: {  	v5 =	vld [tilespmem:s7+$0x1F0]  }
0x551: {  	v8 =	vld.idx.msk [tilespmem:v8+s4+$0x0], $0xffff  }
0x552: {  	v6 =	vld.idx.msk [tilespmem:v6+s4+$0x0], $0xffff  }
0x553: {  	v1 =	vld.idx.msk [tilespmem:v1+s4+$0x0], $0xffff  }
0x554: {  	v2 =	vld.idx.msk [tilespmem:v2+s4+$0x0], $0xffff  }
0x555: {  	v3 =	vld.idx.msk [tilespmem:v3+s4+$0x0], $0xffff  }
0x556: {  	v4 =	vld.idx.msk [tilespmem:v4+s4+$0x0], $0xffff  }
0x557: {  	[tilespmem:s1+$0xFFFFFEE0] =	vst v8;
	v7 =	vld.idx.msk [tilespmem:v7+s4+$0x0], $0xffff  }
0x558: {  	[tilespmem:s1+$0xFFFFFE60] =	vst v6;
	v5 =	vld.idx.msk [tilespmem:v5+s4+$0x0], $0xffff  }
0x559: {  	v6 =	vld [tilespmem:s7+$0xFFFFFE70];
	[tilespmem:s1+$0xFFFFFF60] =	vst v1  }
0x55a: {  	v1 =	vld [tilespmem:s7+$0xFFFFFEF0];
	[tilespmem:s1+$0xFFFFFFE0] =	vst v2  }
0x55b: {  	v2 =	vld [tilespmem:s7+$0xFFFFFF70];
	[tilespmem:s1+$0x60] =	vst v3  }
0x55c: {  	v8 =	vld [tilespmem:s7+$0xFFFFFFF0];
	[tilespmem:s1+$0xE0] =	vst v4  }
0x55d: {  	v4 =	vld [tilespmem:s7+$0x70];
	[tilespmem:s1+$0x160] =	vst v7  }
0x55e: {  	v7 =	vld [tilespmem:s7+$0xF0];
	[tilespmem:s1+$0x1F0] =	vst v5  }
0x55f: {  	v9 =	vld [tilespmem:s7+$0x170]  }
0x560: {  	v10 =	vld.idx.msk [tilespmem:v0+s4+$0x0], $0xffff  }
0x561: {  	v6 =	vld.idx.msk [tilespmem:v6+s4+$0x0], $0xffff  }
.Ltmp5:
0x562: {  	v5 =	vld.idx.msk [tilespmem:v1+s4+$0x0], $0xffff;
	(pc) =	sbr.rel @p0 .LBB2_12-.Ltmp5, $4  }
0x563: {  	v3 =	vld.idx.msk [tilespmem:v2+s4+$0x0], $0xffff  }
0x564: {  	v1 =	vld.idx.msk [tilespmem:v8+s4+$0x0], $0xffff;
	v0 =	vmov v9  }
0x565: {  	v2 =	vld.idx.msk [tilespmem:v4+s4+$0x0], $0xffff  }
0x566: {  	s7 =	sadd.s32 $0x400, s7;
	v4 =	vld.idx.msk [tilespmem:v7+s4+$0x0], $0xffff;
	[tilespmem:s0+$0x170] =	vst v10;
	s0 =	smov.u32 s1  }
0x567: {  	_ =	sdelay $0x2  }
0x568: {  	[tilespmem:s1+$0xFFFFFE70] =	vst v6  }
0x569: {  	[tilespmem:s1+$0xFFFFFEF0] =	vst v5;
	v0 =	vld.idx.msk [tilespmem:v0+s4+$0x0], $0xffff  }
0x56a: {  	[tilespmem:s1+$0xFFFFFF70] =	vst v3  }
0x56b: {  	[tilespmem:s1+$0xFFFFFFF0] =	vst v1  }
0x56c: {  	[tilespmem:s1+$0x70] =	vst v2  }
0x56d: {  	[tilespmem:s1+$0xF0] =	vst v4  }
0x56e: {  	[tilespmem:s0+$0x170] =	vst v0  }
0x56f: {  	[hbm4b:s10+s13] =	stream.strided.scatter [tilespmem:s21], [sflag:$0x6], $0x1000, s14, s13, $0x38;
	[tilespmem:$0x1E700] =	vst v63  }
0x570: {  	_ =	swait.ge [sflag:s26], $0x1000  }
0x571: {  	[sflag:s26] =	ssyncset.done $0x0  }
0x572: {  	s28 =	sadd.s32 $0x1, s28;
	[sflag:s26] =	ssyncadd.s32 $0xFFFFF000  }
0x573: {  	p0 =	sne.s32 s28, s11;
	_ =	swait.ge [sflag:s24], $0x1000  }
.Ltmp6:
0x574: {  	[sflag:s24] =	ssyncset.done $0x0;
	(pc) =	sbr.rel @p0 .LBB2_1-.Ltmp6, $4  }
0x575: {  	[sflag:s24] =	ssyncadd.s32 $0xFFFFF000  }
0x576: {  	_ =	swait.ge [sflag:s25], $0x1000  }
0x577: {  	[sflag:s25] =	ssyncset.done $0x0  }
0x578: {  	[sflag:s25] =	ssyncadd.s32 $0xFFFFF000  }
0x579: {  	_ =	sfence.sel $0x180000  }
0x57a: {  	[bflag:$0x0] =	sbarrier.arrive $0xFFFF  }
0x57b: {  	_ =	strace $0x90000047  }
0x57c: {  	s0 =	stileid.u32;
	[bflag:$0x2] =	sbarrier.arrive $0xFFFF  }
0x57d: {  	p0 =	sne.s32 s0, $0x0;
	s0 =	rddreg [dreg:$0x3]  }
0x57e: {  	s0 =	sadd.s32 @!p0 $0x100000, s0  }
0x57f: {  	[sflag:s0] =	ssyncadd.tile.s32 @!p0 $0x1;
	_ =	shalt  }
.Lfunc_end2:
_tile_overlayer_lowered:
.L_overlay_start_2:
0x580: {  	(tag) =	ssettag $0x2  }
0x581: {  	s0 =	rddreg [dreg:$0x0];
	s2 =	stileid.u32  }
0x582: {  	s1 =	rddreg [dreg:$0x1];
	p0 =	sne.s32 s2, $0x0  }
0x583: {  	s3 =	rddreg [dreg:$0x2];
	[bflag:$0x3] =	sbarrier.arrive $0xFFFF;
	s2 =	simm.s32 @!p0 $0x1C08  }
0x584: {  	[timem:s3], [sflag:s2] =	dma.local @!p0 [hbm:s0], s1  }
0x585: {  	s0 =	simm.s32 @!p0 $0x8  }
0x586: {  	_ =	swait.ge @!p0 [sflag:s0], s1  }
0x587: {  	s1 =	ssub.s32 @!p0 $0x0, s1;
	[sflag:s0] =	ssyncset.done @!p0 $0x0  }
0x588: {  	[sflag:s0] =	ssyncadd.s32 @!p0 s1  }
0x589: {  	[bflag:$0x3] =	sbarrier.arrive $0xFFFF  }
0x58a: {  	_ =	shalt  }

</sc_bundles>
